<compile_context>
chip_gen: v7x
topology: tpu7x:2x2x1
jax: 0.10.2.dev20260603
libtpu: 0.0.44.dev20260713+nightly
codegen_flags: <defaults>
</compile_context>

<pallas_src>
import functools

import jax
import jax.numpy as jnp
from jax import lax
from jax.experimental import pallas as pl
from jax.experimental.pallas import tpu as pltpu
from jax.experimental.pallas import tpu_sc as plsc

N_TOKENS = 8192
D_MODEL = 2048
LANES = 16
NC, NS = 2, 16
NW = NC * NS

SC_TOKENS = 2048
TC_TOKENS = N_TOKENS - SC_TOKENS
TPW = SC_TOKENS // NW
TB = 16
NGRP = TPW // TB
TC_BLOCK = 1024


def _sc_gate(x_hbm, w_hbm, b_hbm, out_hbm,
             w0_v, w1_v, v_v, xbuf0, xbuf1, xbuf2, mat_v, o_v,
             sem0, sem1, sem2):
    wid = lax.axis_index("s") * NC + lax.axis_index("c")
    base = TC_TOKENS + wid * TPW

    pltpu.sync_copy(w_hbm.at[0], w0_v.at[pl.ds(0, D_MODEL)])
    pltpu.sync_copy(w_hbm.at[1], w1_v)
    pltpu.sync_copy(b_hbm, w0_v.at[pl.ds(D_MODEL, 2)])

    @plsc.parallel_loop(0, D_MODEL, LANES, unroll=4)
    def _vdiff_body(off):
        v_v[pl.ds(off, LANES)] = w0_v[pl.ds(off, LANES)] - w1_v[pl.ds(off, LANES)]
    bb = w0_v[pl.ds(D_MODEL, LANES)]
    db = bb[0] - bb[1]

    sems = (sem0, sem1, sem2)
    bufs = (xbuf0, xbuf1, xbuf2)
    lane_iota = lax.iota(jnp.int32, LANES)
    col_idx = lane_iota * (LANES + 1)

    def start_group(g, buf):
        pltpu.async_copy(
            x_hbm.at[pl.ds(base + g * TB, TB)], bufs[buf], sems[buf])

    start_group(0, 0)
    if NGRP > 1:
        start_group(1, 1)
    for g in range(NGRP):
        buf = g % 3
        if g + 2 < NGRP:
            start_group(g + 2, (g + 2) % 3)
        pltpu.make_async_copy(
            x_hbm.at[pl.ds(base + g * TB, TB)], bufs[buf], sems[buf]).wait()

        xb = bufs[buf]

        def dot_body(off, accs):
            vc = v_v[pl.ds(off, LANES)]
            return tuple(
                accs[t] + xb[t, pl.ds(off, LANES)] * vc
                for t in range(TB))

        accs = plsc.parallel_loop(
            0, D_MODEL, LANES, unroll=2,
            carry=tuple(jnp.zeros((LANES,), jnp.float32) for _ in range(TB)),
        )(dot_body)

        for t in range(TB):
            mat_v[pl.ds(t * (LANES + 1), LANES)] = accs[t]
        d = jnp.zeros((LANES,), jnp.float32)
        for j in range(LANES):
            d = d + plsc.load_gather(mat_v, [col_idx + j])

        p0 = 1.0 / (1.0 + jnp.exp(-(d + db)))
        rows = g * TB + lane_iota
        zeros_i = jnp.zeros((LANES,), jnp.int32)
        plsc.store_scatter(o_v, [rows, zeros_i], p0)
        plsc.store_scatter(o_v, [rows, zeros_i + 1], 1.0 - p0)

    pltpu.sync_copy(o_v, out_hbm.at[pl.ds(wid * TPW, TPW)])


def _sc_part(x, W, b):
    mesh = plsc.VectorSubcoreMesh(core_axis_name="c", subcore_axis_name="s")
    gate = functools.partial(
        pl.kernel,
        mesh=mesh,
        compiler_params=pltpu.CompilerParams(needs_layout_passes=False),
        out_type=jax.ShapeDtypeStruct((SC_TOKENS, 2), jnp.float32),
        scratch_types=[
            pltpu.VMEM((D_MODEL + LANES,), jnp.float32),
            pltpu.VMEM((D_MODEL,), jnp.float32),
            pltpu.VMEM((D_MODEL,), jnp.float32),
            pltpu.VMEM((TB, D_MODEL), jnp.float32),
            pltpu.VMEM((TB, D_MODEL), jnp.float32),
            pltpu.VMEM((TB, D_MODEL), jnp.float32),
            pltpu.VMEM((TB * (LANES + 1),), jnp.float32),
            pltpu.VMEM((TPW, 2), jnp.float32),
            pltpu.SemaphoreType.DMA,
            pltpu.SemaphoreType.DMA,
            pltpu.SemaphoreType.DMA,
        ],
    )(_sc_gate)
    return gate(x, W, b)


def _tc_block(x_ref, w_ref, b_ref, o_ref):
    xb = x_ref[...]
    w = w_ref[...]
    logits = jax.lax.dot_general(
        xb, w, (((1,), (1,)), ((), ())),
        preferred_element_type=jnp.float32)
    logits = logits + b_ref[...][None, :]
    m = jnp.max(logits, axis=1, keepdims=True)
    e = jnp.exp(logits - m)
    o_ref[...] = e / jnp.sum(e, axis=1, keepdims=True)


def _tc_part(x, W, b):
    return pl.pallas_call(
        _tc_block,
        grid=(TC_TOKENS // TC_BLOCK,),
        in_specs=[
            pl.BlockSpec((TC_BLOCK, D_MODEL), lambda i: (i, 0)),
            pl.BlockSpec((2, D_MODEL), lambda i: (0, 0)),
            pl.BlockSpec((2,), lambda i: (0,)),
        ],
        out_specs=pl.BlockSpec((TC_BLOCK, 2), lambda i: (i, 0)),
        out_shape=jax.ShapeDtypeStruct((TC_TOKENS, 2), jnp.float32),
        compiler_params=pltpu.CompilerParams(
            dimension_semantics=("arbitrary",)),
    )(x, W, b)


def kernel(x, W, b):
    sc_out = _sc_part(x, W, b)
    tc_out = _tc_part(x, W, b)
    return jnp.concatenate([tc_out, sc_out], axis=0)

# --- scband reference (transcript-rebuilt; emitter-appended) ---
"""Pipeline reference for scband-moe-32865089749310 (READ-ONLY COPY).

The authoritative reference and input builder live on the scoring server;
editing this copy changes nothing except your own understanding.
"""

import jax, jax.numpy as jnp
import numpy as np

D_MODEL = 2048
N_TOKENS = 8192
LOGITS = 2

def setup_inputs(seed: int = 0) -> dict:
    key = jax.random.key(seed)
    k1, k2 = jax.random.split(key, 2)
    x = jax.random.normal(k1, (N_TOKENS, D_MODEL), dtype=jnp.float32)
    # nn.Linear(input_size, logits): weight [logits, input_size], bias [logits]
    bound = 1.0 / np.sqrt(D_MODEL)
    W = jax.random.uniform(k2, (LOGITS, D_MODEL), dtype=jnp.float32, minval=-bound, maxval=bound)
    b = jnp.zeros((LOGITS,), dtype=jnp.float32)
    return {"x": x, "W": W, "b": b}

def reference(x, W, b):
    # wx = Linear(x)
    wx = x @ W.T + b
    # nn.Softmax() with dim=None on a 2D tensor applies softmax along dim=1 (legacy behavior)
    out = jax.nn.softmax(wx, axis=1)
    return out

if __name__ == "__main__":
    import jax
    _d = setup_inputs()
    print(jax.jit(kernel)(*tuple(_d.values())))

</pallas_src>

<mosaic_0001>
#map = affine_map<(d0, d1) -> (0, 0)>
#map1 = affine_map<(d0, d1) -> (0)>
module attributes {stable_mosaic.version = 14 : i64} {
  func.func @_sc_gate(%arg0: i32, %arg1: i32, %arg2: memref<8192x2048xf32, #tpu.memory_space<hbm>>, %arg3: memref<2x2048xf32, #tpu.memory_space<hbm>>, %arg4: memref<2xf32, #tpu.memory_space<hbm>>, %arg5: memref<2048x2xf32, #tpu.memory_space<hbm>>, %arg6: memref<2064xf32, #tpu.memory_space<vmem>>, %arg7: memref<2048xf32, #tpu.memory_space<vmem>>, %arg8: memref<2048xf32, #tpu.memory_space<vmem>>, %arg9: memref<16x2048xf32, #tpu.memory_space<vmem>>, %arg10: memref<16x2048xf32, #tpu.memory_space<vmem>>, %arg11: memref<16x2048xf32, #tpu.memory_space<vmem>>, %arg12: memref<272xf32, #tpu.memory_space<vmem>>, %arg13: memref<64x2xf32, #tpu.memory_space<vmem>>, %arg14: memref<!tpu.dma_semaphore, #tpu.memory_space<semaphore_mem>>, %arg15: memref<!tpu.dma_semaphore, #tpu.memory_space<semaphore_mem>>, %arg16: memref<!tpu.dma_semaphore, #tpu.memory_space<semaphore_mem>>) attributes {dimension_semantics = [#tpu.dimension_semantics<core_parallel>, #tpu.dimension_semantics<subcore_parallel>], iteration_bounds = array<i64: 2, 16>, scalar_prefetch = 0 : i64, scratch_operands = 11 : i64, tpu.core_type = #tpu.core_type<sc_vector_subcore>, window_params = [{transform_indices = #map}, {transform_indices = #map}, {transform_indices = #map1}, {transform_indices = #map}]} {
    %mul3A = arith.constant 2 : i32
    %mul3A_0 = arith.muli %arg1, %mul3A : i32
    %add3A = arith.addi %mul3A_0, %arg0 : i32
    %mul3A_1 = arith.constant 64 : i32
    %mul3A_2 = arith.muli %add3A, %mul3A_1 : i32
    %add3A_3 = arith.constant 6144 : i32
    %add3A_4 = arith.addi %add3A_3, %mul3A_2 : i32
    %run_scoped3A = arith.constant 0 : i32
    "tpu.region"() ({
      %run_scoped3A_748 = tpu.sem_alloc : memref<!tpu.dma_semaphore, #tpu.memory_space<semaphore_mem>>
      %dma_start3A_749 = arith.constant 0 : i32
      %dma_start3A_750 = tpu.memref_slice %arg6[%dma_start3A_749] : memref<2064xf32, #tpu.memory_space<vmem>> -> memref<2048xf32, #tpu.memory_space<vmem>>
      %dma_start3A_751 = arith.constant 0 : i32
      %dma_start3A_752 = tpu.memref_slice %arg3[%run_scoped3A, %dma_start3A_751] : memref<2x2048xf32, #tpu.memory_space<hbm>> -> memref<1x2048xf32, #tpu.memory_space<hbm>>
      %dma_start3A_753 = tpu.memref_squeeze %dma_start3A_752 : memref<1x2048xf32, #tpu.memory_space<hbm>> -> memref<2048xf32, #tpu.memory_space<hbm>>
      %dma_start3A_754 = arith.constant 0 : i32
      %dma_start3A_755 = tpu.memref_slice %arg6[%dma_start3A_754] : memref<2064xf32, #tpu.memory_space<vmem>> -> memref<2048xf32, #tpu.memory_space<vmem>>
      %dma_start3A_756 = arith.constant 0 : i32
      %dma_start3A_757 = tpu.memref_slice %arg3[%run_scoped3A, %dma_start3A_756] : memref<2x2048xf32, #tpu.memory_space<hbm>> -> memref<1x2048xf32, #tpu.memory_space<hbm>>
      %dma_start3A_758 = tpu.memref_squeeze %dma_start3A_757 : memref<1x2048xf32, #tpu.memory_space<hbm>> -> memref<2048xf32, #tpu.memory_space<hbm>>
      tpu.enqueue_dma source(%dma_start3A_758 : memref<2048xf32, #tpu.memory_space<hbm>>) target(%dma_start3A_755 : memref<2048xf32, #tpu.memory_space<vmem>>) target_semaphore(%run_scoped3A_748 : memref<!tpu.dma_semaphore, #tpu.memory_space<semaphore_mem>>)
      %dma_wait3A_759 = arith.constant 0 : i32
      %dma_wait3A_760 = tpu.memref_slice %arg6[%dma_wait3A_759] : memref<2064xf32, #tpu.memory_space<vmem>> -> memref<2048xf32, #tpu.memory_space<vmem>>
      %dma_wait3A_761 = arith.constant 0 : i32
      %dma_wait3A_762 = tpu.memref_slice %arg3[%run_scoped3A, %dma_wait3A_761] : memref<2x2048xf32, #tpu.memory_space<hbm>> -> memref<1x2048xf32, #tpu.memory_space<hbm>>
      %dma_wait3A_763 = tpu.memref_squeeze %dma_wait3A_762 : memref<1x2048xf32, #tpu.memory_space<hbm>> -> memref<2048xf32, #tpu.memory_space<hbm>>
      %dma_wait3A_764 = arith.constant 0 : i32
      %dma_wait3A_765 = tpu.memref_slice %arg6[%dma_wait3A_764] : memref<2064xf32, #tpu.memory_space<vmem>> -> memref<2048xf32, #tpu.memory_space<vmem>>
      %dma_wait3A_766 = arith.constant 0 : i32
      %dma_wait3A_767 = tpu.memref_slice %arg3[%run_scoped3A, %dma_wait3A_766] : memref<2x2048xf32, #tpu.memory_space<hbm>> -> memref<1x2048xf32, #tpu.memory_space<hbm>>
      %dma_wait3A_768 = tpu.memref_squeeze %dma_wait3A_767 : memref<1x2048xf32, #tpu.memory_space<hbm>> -> memref<2048xf32, #tpu.memory_space<hbm>>
      tpu.wait_dma2 semaphore(%run_scoped3A_748 : memref<!tpu.dma_semaphore, #tpu.memory_space<semaphore_mem>>) src(%dma_wait3A_768 : memref<2048xf32, #tpu.memory_space<hbm>>) dst(%dma_wait3A_765 : memref<2048xf32, #tpu.memory_space<vmem>>)
      tpu.yield
    }) : () -> ()
    %run_scoped3A_5 = arith.constant 1 : i32
    "tpu.region"() ({
      %run_scoped3A_748 = tpu.sem_alloc : memref<!tpu.dma_semaphore, #tpu.memory_space<semaphore_mem>>
      %dma_start3A_749 = arith.constant 0 : i32
      %dma_start3A_750 = tpu.memref_slice %arg3[%run_scoped3A_5, %dma_start3A_749] : memref<2x2048xf32, #tpu.memory_space<hbm>> -> memref<1x2048xf32, #tpu.memory_space<hbm>>
      %dma_start3A_751 = tpu.memref_squeeze %dma_start3A_750 : memref<1x2048xf32, #tpu.memory_space<hbm>> -> memref<2048xf32, #tpu.memory_space<hbm>>
      %dma_start3A_752 = arith.constant 0 : i32
      %dma_start3A_753 = tpu.memref_slice %arg3[%run_scoped3A_5, %dma_start3A_752] : memref<2x2048xf32, #tpu.memory_space<hbm>> -> memref<1x2048xf32, #tpu.memory_space<hbm>>
      %dma_start3A_754 = tpu.memref_squeeze %dma_start3A_753 : memref<1x2048xf32, #tpu.memory_space<hbm>> -> memref<2048xf32, #tpu.memory_space<hbm>>
      tpu.enqueue_dma source(%dma_start3A_754 : memref<2048xf32, #tpu.memory_space<hbm>>) target(%arg7 : memref<2048xf32, #tpu.memory_space<vmem>>) target_semaphore(%run_scoped3A_748 : memref<!tpu.dma_semaphore, #tpu.memory_space<semaphore_mem>>)
      %dma_wait3A_755 = arith.constant 0 : i32
      %dma_wait3A_756 = tpu.memref_slice %arg3[%run_scoped3A_5, %dma_wait3A_755] : memref<2x2048xf32, #tpu.memory_space<hbm>> -> memref<1x2048xf32, #tpu.memory_space<hbm>>
      %dma_wait3A_757 = tpu.memref_squeeze %dma_wait3A_756 : memref<1x2048xf32, #tpu.memory_space<hbm>> -> memref<2048xf32, #tpu.memory_space<hbm>>
      %dma_wait3A_758 = arith.constant 0 : i32
      %dma_wait3A_759 = tpu.memref_slice %arg3[%run_scoped3A_5, %dma_wait3A_758] : memref<2x2048xf32, #tpu.memory_space<hbm>> -> memref<1x2048xf32, #tpu.memory_space<hbm>>
      %dma_wait3A_760 = tpu.memref_squeeze %dma_wait3A_759 : memref<1x2048xf32, #tpu.memory_space<hbm>> -> memref<2048xf32, #tpu.memory_space<hbm>>
      tpu.wait_dma2 semaphore(%run_scoped3A_748 : memref<!tpu.dma_semaphore, #tpu.memory_space<semaphore_mem>>) src(%dma_wait3A_760 : memref<2048xf32, #tpu.memory_space<hbm>>) dst(%arg7 : memref<2048xf32, #tpu.memory_space<vmem>>)
      tpu.yield
    }) : () -> ()
    "tpu.region"() ({
      %run_scoped3A_748 = tpu.sem_alloc : memref<!tpu.dma_semaphore, #tpu.memory_space<semaphore_mem>>
      %dma_start3A_749 = arith.constant 2048 : i32
      %dma_start3A_750 = tpu.memref_slice %arg6[%dma_start3A_749] : memref<2064xf32, #tpu.memory_space<vmem>> -> memref<2xf32, #tpu.memory_space<vmem>>
      %dma_start3A_751 = arith.constant 2048 : i32
      %dma_start3A_752 = tpu.memref_slice %arg6[%dma_start3A_751] : memref<2064xf32, #tpu.memory_space<vmem>> -> memref<2xf32, #tpu.memory_space<vmem>>
      tpu.enqueue_dma source(%arg4 : memref<2xf32, #tpu.memory_space<hbm>>) target(%dma_start3A_752 : memref<2xf32, #tpu.memory_space<vmem>>) target_semaphore(%run_scoped3A_748 : memref<!tpu.dma_semaphore, #tpu.memory_space<semaphore_mem>>)
      %dma_wait3A_753 = arith.constant 2048 : i32
      %dma_wait3A_754 = tpu.memref_slice %arg6[%dma_wait3A_753] : memref<2064xf32, #tpu.memory_space<vmem>> -> memref<2xf32, #tpu.memory_space<vmem>>
      %dma_wait3A_755 = arith.constant 2048 : i32
      %dma_wait3A_756 = tpu.memref_slice %arg6[%dma_wait3A_755] : memref<2064xf32, #tpu.memory_space<vmem>> -> memref<2xf32, #tpu.memory_space<vmem>>
      tpu.wait_dma2 semaphore(%run_scoped3A_748 : memref<!tpu.dma_semaphore, #tpu.memory_space<semaphore_mem>>) src(%arg4 : memref<2xf32, #tpu.memory_space<hbm>>) dst(%dma_wait3A_756 : memref<2xf32, #tpu.memory_space<vmem>>)
      tpu.yield
    }) : () -> ()
    %parallel_loop3A = arith.constant 0 : i32
    %parallel_loop3A_6 = arith.constant 2048 : i32
    %parallel_loop3A_7 = arith.constant 16 : i32
    scf.for %parallel_loop3A_748 = %parallel_loop3A to %parallel_loop3A_6 step %parallel_loop3A_7  : i32 {
      %parallel_loop3A_749 = arith.index_cast %parallel_loop3A_748 : i32 to index
      %parallel_loop3A_750 = tpu.vector_load %arg6[%parallel_loop3A_749] {strides = array<i32>} : memref<2064xf32, #tpu.memory_space<vmem>>, vector<16xf32>,
      %parallel_loop3A_751 = arith.index_cast %parallel_loop3A_748 : i32 to index
      %parallel_loop3A_752 = tpu.vector_load %arg7[%parallel_loop3A_751] {strides = array<i32>} : memref<2048xf32, #tpu.memory_space<vmem>>, vector<16xf32>,
      %parallel_loop3A_753 = arith.subf %parallel_loop3A_750, %parallel_loop3A_752 : vector<16xf32>
      %parallel_loop3A_754 = arith.index_cast %parallel_loop3A_748 : i32 to index
      %parallel_loop3A_755 = tpu.vector_load %arg8[%parallel_loop3A_754] {strides = array<i32>} : memref<2048xf32, #tpu.memory_space<vmem>>, vector<16xf32>,
      tpu.vector_store %arg8[%parallel_loop3A_754], %parallel_loop3A_753 {strides = array<i32>} : memref<2048xf32, #tpu.memory_space<vmem>>, vector<16xf32>,
    } {sc.loop_unroll_factor = 4 : i64, sc.parallel_access}
    %get3A = arith.constant 2048 : index
    %get3A_8 = tpu.vector_load %arg6[%get3A] {strides = array<i32>} : memref<2064xf32, #tpu.memory_space<vmem>>, vector<16xf32>,
    %slice3A = vector.extract_strided_slice %get3A_8 {offsets = [0], sizes = [1], strides = [1]} : vector<16xf32> to vector<1xf32>
    %squeeze3A = vector.extract %slice3A[0] : f32 from vector<1xf32>
    %slice3A_9 = vector.extract_strided_slice %get3A_8 {offsets = [1], sizes = [1], strides = [1]} : vector<16xf32> to vector<1xf32>
    %squeeze3A_10 = vector.extract %slice3A_9[0] : f32 from vector<1xf32>
    %sub3A = arith.subf %squeeze3A, %squeeze3A_10 : f32
    %iota3A = tpu.iota {dimensions = array<i32: 0>} : vector<16xi32>
    %mul3A_11 = arith.constant 17 : i32
    %mul3A_12 = vector.broadcast %mul3A_11 : i32 to vector<16xi32>
    %mul3A_13 = arith.muli %iota3A, %mul3A_12 : vector<16xi32>
    %add3A_14 = arith.constant 0 : i32
    %add3A_15 = arith.addi %add3A_4, %add3A_14 : i32
    %dma_start3A = arith.constant 0 : i32
    %dma_start3A_16 = tpu.memref_slice %arg2[%add3A_15, %dma_start3A] : memref<8192x2048xf32, #tpu.memory_space<hbm>> -> memref<16x2048xf32, #tpu.memory_space<hbm>>
    %dma_start3A_17 = arith.constant 0 : i32
    %dma_start3A_18 = tpu.memref_slice %arg2[%add3A_15, %dma_start3A_17] : memref<8192x2048xf32, #tpu.memory_space<hbm>> -> memref<16x2048xf32, #tpu.memory_space<hbm>>
    tpu.enqueue_dma source(%dma_start3A_18 : memref<16x2048xf32, #tpu.memory_space<hbm>>) target(%arg9 : memref<16x2048xf32, #tpu.memory_space<vmem>>) target_semaphore(%arg14 : memref<!tpu.dma_semaphore, #tpu.memory_space<semaphore_mem>>)
    %add3A_19 = arith.constant 16 : i32
    %add3A_20 = arith.addi %add3A_4, %add3A_19 : i32
    %dma_start3A_21 = arith.constant 0 : i32
    %dma_start3A_22 = tpu.memref_slice %arg2[%add3A_20, %dma_start3A_21] : memref<8192x2048xf32, #tpu.memory_space<hbm>> -> memref<16x2048xf32, #tpu.memory_space<hbm>>
    %dma_start3A_23 = arith.constant 0 : i32
    %dma_start3A_24 = tpu.memref_slice %arg2[%add3A_20, %dma_start3A_23] : memref<8192x2048xf32, #tpu.memory_space<hbm>> -> memref<16x2048xf32, #tpu.memory_space<hbm>>
    tpu.enqueue_dma source(%dma_start3A_24 : memref<16x2048xf32, #tpu.memory_space<hbm>>) target(%arg10 : memref<16x2048xf32, #tpu.memory_space<vmem>>) target_semaphore(%arg15 : memref<!tpu.dma_semaphore, #tpu.memory_space<semaphore_mem>>)
    %add3A_25 = arith.constant 32 : i32
    %add3A_26 = arith.addi %add3A_4, %add3A_25 : i32
    %dma_start3A_27 = arith.constant 0 : i32
    %dma_start3A_28 = tpu.memref_slice %arg2[%add3A_26, %dma_start3A_27] : memref<8192x2048xf32, #tpu.memory_space<hbm>> -> memref<16x2048xf32, #tpu.memory_space<hbm>>
    %dma_start3A_29 = arith.constant 0 : i32
    %dma_start3A_30 = tpu.memref_slice %arg2[%add3A_26, %dma_start3A_29] : memref<8192x2048xf32, #tpu.memory_space<hbm>> -> memref<16x2048xf32, #tpu.memory_space<hbm>>
    tpu.enqueue_dma source(%dma_start3A_30 : memref<16x2048xf32, #tpu.memory_space<hbm>>) target(%arg11 : memref<16x2048xf32, #tpu.memory_space<vmem>>) target_semaphore(%arg16 : memref<!tpu.dma_semaphore, #tpu.memory_space<semaphore_mem>>)
    %add3A_31 = arith.constant 0 : i32
    %add3A_32 = arith.addi %add3A_4, %add3A_31 : i32
    %dma_wait3A = arith.constant 0 : i32
    %dma_wait3A_33 = tpu.memref_slice %arg2[%add3A_32, %dma_wait3A] : memref<8192x2048xf32, #tpu.memory_space<hbm>> -> memref<16x2048xf32, #tpu.memory_space<hbm>>
    %dma_wait3A_34 = arith.constant 0 : i32
    %dma_wait3A_35 = tpu.memref_slice %arg2[%add3A_32, %dma_wait3A_34] : memref<8192x2048xf32, #tpu.memory_space<hbm>> -> memref<16x2048xf32, #tpu.memory_space<hbm>>
    tpu.wait_dma2 semaphore(%arg14 : memref<!tpu.dma_semaphore, #tpu.memory_space<semaphore_mem>>) src(%dma_wait3A_35 : memref<16x2048xf32, #tpu.memory_space<hbm>>) dst(%arg9 : memref<16x2048xf32, #tpu.memory_space<vmem>>)
    %broadcast_in_dim3A = arith.constant 0.000000e+00 : f32
    %broadcast_in_dim3A_36 = vector.broadcast %broadcast_in_dim3A : f32 to vector<16xf32>
    %broadcast_in_dim3A_37 = arith.constant 0.000000e+00 : f32
    %broadcast_in_dim3A_38 = vector.broadcast %broadcast_in_dim3A_37 : f32 to vector<16xf32>
    %broadcast_in_dim3A_39 = arith.constant 0.000000e+00 : f32
    %broadcast_in_dim3A_40 = vector.broadcast %broadcast_in_dim3A_39 : f32 to vector<16xf32>
    %broadcast_in_dim3A_41 = arith.constant 0.000000e+00 : f32
    %broadcast_in_dim3A_42 = vector.broadcast %broadcast_in_dim3A_41 : f32 to vector<16xf32>
    %broadcast_in_dim3A_43 = arith.constant 0.000000e+00 : f32
    %broadcast_in_dim3A_44 = vector.broadcast %broadcast_in_dim3A_43 : f32 to vector<16xf32>
    %broadcast_in_dim3A_45 = arith.constant 0.000000e+00 : f32
    %broadcast_in_dim3A_46 = vector.broadcast %broadcast_in_dim3A_45 : f32 to vector<16xf32>
    %broadcast_in_dim3A_47 = arith.constant 0.000000e+00 : f32
    %broadcast_in_dim3A_48 = vector.broadcast %broadcast_in_dim3A_47 : f32 to vector<16xf32>
    %broadcast_in_dim3A_49 = arith.constant 0.000000e+00 : f32
    %broadcast_in_dim3A_50 = vector.broadcast %broadcast_in_dim3A_49 : f32 to vector<16xf32>
    %broadcast_in_dim3A_51 = arith.constant 0.000000e+00 : f32
    %broadcast_in_dim3A_52 = vector.broadcast %broadcast_in_dim3A_51 : f32 to vector<16xf32>
    %broadcast_in_dim3A_53 = arith.constant 0.000000e+00 : f32
    %broadcast_in_dim3A_54 = vector.broadcast %broadcast_in_dim3A_53 : f32 to vector<16xf32>
    %broadcast_in_dim3A_55 = arith.constant 0.000000e+00 : f32
    %broadcast_in_dim3A_56 = vector.broadcast %broadcast_in_dim3A_55 : f32 to vector<16xf32>
    %broadcast_in_dim3A_57 = arith.constant 0.000000e+00 : f32
    %broadcast_in_dim3A_58 = vector.broadcast %broadcast_in_dim3A_57 : f32 to vector<16xf32>
    %broadcast_in_dim3A_59 = arith.constant 0.000000e+00 : f32
    %broadcast_in_dim3A_60 = vector.broadcast %broadcast_in_dim3A_59 : f32 to vector<16xf32>
    %broadcast_in_dim3A_61 = arith.constant 0.000000e+00 : f32
    %broadcast_in_dim3A_62 = vector.broadcast %broadcast_in_dim3A_61 : f32 to vector<16xf32>
    %broadcast_in_dim3A_63 = arith.constant 0.000000e+00 : f32
    %broadcast_in_dim3A_64 = vector.broadcast %broadcast_in_dim3A_63 : f32 to vector<16xf32>
    %broadcast_in_dim3A_65 = arith.constant 0.000000e+00 : f32
    %broadcast_in_dim3A_66 = vector.broadcast %broadcast_in_dim3A_65 : f32 to vector<16xf32>
    %parallel_loop3A_67 = arith.constant 0 : i32
    %parallel_loop3A_68 = arith.constant 2048 : i32
    %parallel_loop3A_69 = arith.constant 16 : i32
    %parallel_loop3A_70:16 = scf.for %parallel_loop3A_748 = %parallel_loop3A_67 to %parallel_loop3A_68 step %parallel_loop3A_69 iter_args(%parallel_loop3A_749 = %broadcast_in_dim3A_36, %parallel_loop3A_750 = %broadcast_in_dim3A_38, %parallel_loop3A_751 = %broadcast_in_dim3A_40, %parallel_loop3A_752 = %broadcast_in_dim3A_42, %parallel_loop3A_753 = %broadcast_in_dim3A_44, %parallel_loop3A_754 = %broadcast_in_dim3A_46, %parallel_loop3A_755 = %broadcast_in_dim3A_48, %parallel_loop3A_756 = %broadcast_in_dim3A_50, %parallel_loop3A_757 = %broadcast_in_dim3A_52, %parallel_loop3A_758 = %broadcast_in_dim3A_54, %parallel_loop3A_759 = %broadcast_in_dim3A_56, %parallel_loop3A_760 = %broadcast_in_dim3A_58, %parallel_loop3A_761 = %broadcast_in_dim3A_60, %parallel_loop3A_762 = %broadcast_in_dim3A_62, %parallel_loop3A_763 = %broadcast_in_dim3A_64, %parallel_loop3A_764 = %broadcast_in_dim3A_66) -> (vector<16xf32>, vector<16xf32>, vector<16xf32>, vector<16xf32>, vector<16xf32>, vector<16xf32>, vector<16xf32>, vector<16xf32>, vector<16xf32>, vector<16xf32>, vector<16xf32>, vector<16xf32>, vector<16xf32>, vector<16xf32>, vector<16xf32>, vector<16xf32>)  : i32 {
      %parallel_loop3A_765 = arith.index_cast %parallel_loop3A_748 : i32 to index
      %parallel_loop3A_766 = tpu.vector_load %arg8[%parallel_loop3A_765] {strides = array<i32>} : memref<2048xf32, #tpu.memory_space<vmem>>, vector<16xf32>,
      %parallel_loop3A_767 = arith.constant 0 : i32
      %parallel_loop3A_768 = arith.index_cast %parallel_loop3A_767 : i32 to index
      %parallel_loop3A_769 = arith.index_cast %parallel_loop3A_748 : i32 to index
      %parallel_loop3A_770 = tpu.vector_load %arg9[%parallel_loop3A_768, %parallel_loop3A_769] {strides = array<i32>} : memref<16x2048xf32, #tpu.memory_space<vmem>>, vector<16xf32>,
      %parallel_loop3A_771 = arith.mulf %parallel_loop3A_770, %parallel_loop3A_766 : vector<16xf32>
      %parallel_loop3A_772 = arith.addf %parallel_loop3A_749, %parallel_loop3A_771 : vector<16xf32>
      %parallel_loop3A_773 = arith.constant 1 : i32
      %parallel_loop3A_774 = arith.index_cast %parallel_loop3A_773 : i32 to index
      %parallel_loop3A_775 = arith.index_cast %parallel_loop3A_748 : i32 to index
      %parallel_loop3A_776 = tpu.vector_load %arg9[%parallel_loop3A_774, %parallel_loop3A_775] {strides = array<i32>} : memref<16x2048xf32, #tpu.memory_space<vmem>>, vector<16xf32>,
      %parallel_loop3A_777 = arith.mulf %parallel_loop3A_776, %parallel_loop3A_766 : vector<16xf32>
      %parallel_loop3A_778 = arith.addf %parallel_loop3A_750, %parallel_loop3A_777 : vector<16xf32>
      %parallel_loop3A_779 = arith.constant 2 : i32
      %parallel_loop3A_780 = arith.index_cast %parallel_loop3A_779 : i32 to index
      %parallel_loop3A_781 = arith.index_cast %parallel_loop3A_748 : i32 to index
      %parallel_loop3A_782 = tpu.vector_load %arg9[%parallel_loop3A_780, %parallel_loop3A_781] {strides = array<i32>} : memref<16x2048xf32, #tpu.memory_space<vmem>>, vector<16xf32>,
      %parallel_loop3A_783 = arith.mulf %parallel_loop3A_782, %parallel_loop3A_766 : vector<16xf32>
      %parallel_loop3A_784 = arith.addf %parallel_loop3A_751, %parallel_loop3A_783 : vector<16xf32>
      %parallel_loop3A_785 = arith.constant 3 : i32
      %parallel_loop3A_786 = arith.index_cast %parallel_loop3A_785 : i32 to index
      %parallel_loop3A_787 = arith.index_cast %parallel_loop3A_748 : i32 to index
      %parallel_loop3A_788 = tpu.vector_load %arg9[%parallel_loop3A_786, %parallel_loop3A_787] {strides = array<i32>} : memref<16x2048xf32, #tpu.memory_space<vmem>>, vector<16xf32>,
      %parallel_loop3A_789 = arith.mulf %parallel_loop3A_788, %parallel_loop3A_766 : vector<16xf32>
      %parallel_loop3A_790 = arith.addf %parallel_loop3A_752, %parallel_loop3A_789 : vector<16xf32>
      %parallel_loop3A_791 = arith.constant 4 : i32
      %parallel_loop3A_792 = arith.index_cast %parallel_loop3A_791 : i32 to index
      %parallel_loop3A_793 = arith.index_cast %parallel_loop3A_748 : i32 to index
      %parallel_loop3A_794 = tpu.vector_load %arg9[%parallel_loop3A_792, %parallel_loop3A_793] {strides = array<i32>} : memref<16x2048xf32, #tpu.memory_space<vmem>>, vector<16xf32>,
      %parallel_loop3A_795 = arith.mulf %parallel_loop3A_794, %parallel_loop3A_766 : vector<16xf32>
      %parallel_loop3A_796 = arith.addf %parallel_loop3A_753, %parallel_loop3A_795 : vector<16xf32>
      %parallel_loop3A_797 = arith.constant 5 : i32
      %parallel_loop3A_798 = arith.index_cast %parallel_loop3A_797 : i32 to index
      %parallel_loop3A_799 = arith.index_cast %parallel_loop3A_748 : i32 to index
      %parallel_loop3A_800 = tpu.vector_load %arg9[%parallel_loop3A_798, %parallel_loop3A_799] {strides = array<i32>} : memref<16x2048xf32, #tpu.memory_space<vmem>>, vector<16xf32>,
      %parallel_loop3A_801 = arith.mulf %parallel_loop3A_800, %parallel_loop3A_766 : vector<16xf32>
      %parallel_loop3A_802 = arith.addf %parallel_loop3A_754, %parallel_loop3A_801 : vector<16xf32>
      %parallel_loop3A_803 = arith.constant 6 : i32
      %parallel_loop3A_804 = arith.index_cast %parallel_loop3A_803 : i32 to index
      %parallel_loop3A_805 = arith.index_cast %parallel_loop3A_748 : i32 to index
      %parallel_loop3A_806 = tpu.vector_load %arg9[%parallel_loop3A_804, %parallel_loop3A_805] {strides = array<i32>} : memref<16x2048xf32, #tpu.memory_space<vmem>>, vector<16xf32>,
      %parallel_loop3A_807 = arith.mulf %parallel_loop3A_806, %parallel_loop3A_766 : vector<16xf32>
      %parallel_loop3A_808 = arith.addf %parallel_loop3A_755, %parallel_loop3A_807 : vector<16xf32>
      %parallel_loop3A_809 = arith.constant 7 : i32
      %parallel_loop3A_810 = arith.index_cast %parallel_loop3A_809 : i32 to index
      %parallel_loop3A_811 = arith.index_cast %parallel_loop3A_748 : i32 to index
      %parallel_loop3A_812 = tpu.vector_load %arg9[%parallel_loop3A_810, %parallel_loop3A_811] {strides = array<i32>} : memref<16x2048xf32, #tpu.memory_space<vmem>>, vector<16xf32>,
      %parallel_loop3A_813 = arith.mulf %parallel_loop3A_812, %parallel_loop3A_766 : vector<16xf32>
      %parallel_loop3A_814 = arith.addf %parallel_loop3A_756, %parallel_loop3A_813 : vector<16xf32>
      %parallel_loop3A_815 = arith.constant 8 : i32
      %parallel_loop3A_816 = arith.index_cast %parallel_loop3A_815 : i32 to index
      %parallel_loop3A_817 = arith.index_cast %parallel_loop3A_748 : i32 to index
      %parallel_loop3A_818 = tpu.vector_load %arg9[%parallel_loop3A_816, %parallel_loop3A_817] {strides = array<i32>} : memref<16x2048xf32, #tpu.memory_space<vmem>>, vector<16xf32>,
      %parallel_loop3A_819 = arith.mulf %parallel_loop3A_818, %parallel_loop3A_766 : vector<16xf32>
      %parallel_loop3A_820 = arith.addf %parallel_loop3A_757, %parallel_loop3A_819 : vector<16xf32>
      %parallel_loop3A_821 = arith.constant 9 : i32
      %parallel_loop3A_822 = arith.index_cast %parallel_loop3A_821 : i32 to index
      %parallel_loop3A_823 = arith.index_cast %parallel_loop3A_748 : i32 to index
      %parallel_loop3A_824 = tpu.vector_load %arg9[%parallel_loop3A_822, %parallel_loop3A_823] {strides = array<i32>} : memref<16x2048xf32, #tpu.memory_space<vmem>>, vector<16xf32>,
      %parallel_loop3A_825 = arith.mulf %parallel_loop3A_824, %parallel_loop3A_766 : vector<16xf32>
      %parallel_loop3A_826 = arith.addf %parallel_loop3A_758, %parallel_loop3A_825 : vector<16xf32>
      %parallel_loop3A_827 = arith.constant 10 : i32
      %parallel_loop3A_828 = arith.index_cast %parallel_loop3A_827 : i32 to index
      %parallel_loop3A_829 = arith.index_cast %parallel_loop3A_748 : i32 to index
      %parallel_loop3A_830 = tpu.vector_load %arg9[%parallel_loop3A_828, %parallel_loop3A_829] {strides = array<i32>} : memref<16x2048xf32, #tpu.memory_space<vmem>>, vector<16xf32>,
      %parallel_loop3A_831 = arith.mulf %parallel_loop3A_830, %parallel_loop3A_766 : vector<16xf32>
      %parallel_loop3A_832 = arith.addf %parallel_loop3A_759, %parallel_loop3A_831 : vector<16xf32>
      %parallel_loop3A_833 = arith.constant 11 : i32
      %parallel_loop3A_834 = arith.index_cast %parallel_loop3A_833 : i32 to index
      %parallel_loop3A_835 = arith.index_cast %parallel_loop3A_748 : i32 to index
      %parallel_loop3A_836 = tpu.vector_load %arg9[%parallel_loop3A_834, %parallel_loop3A_835] {strides = array<i32>} : memref<16x2048xf32, #tpu.memory_space<vmem>>, vector<16xf32>,
      %parallel_loop3A_837 = arith.mulf %parallel_loop3A_836, %parallel_loop3A_766 : vector<16xf32>
      %parallel_loop3A_838 = arith.addf %parallel_loop3A_760, %parallel_loop3A_837 : vector<16xf32>
      %parallel_loop3A_839 = arith.constant 12 : i32
      %parallel_loop3A_840 = arith.index_cast %parallel_loop3A_839 : i32 to index
      %parallel_loop3A_841 = arith.index_cast %parallel_loop3A_748 : i32 to index
      %parallel_loop3A_842 = tpu.vector_load %arg9[%parallel_loop3A_840, %parallel_loop3A_841] {strides = array<i32>} : memref<16x2048xf32, #tpu.memory_space<vmem>>, vector<16xf32>,
      %parallel_loop3A_843 = arith.mulf %parallel_loop3A_842, %parallel_loop3A_766 : vector<16xf32>
      %parallel_loop3A_844 = arith.addf %parallel_loop3A_761, %parallel_loop3A_843 : vector<16xf32>
      %parallel_loop3A_845 = arith.constant 13 : i32
      %parallel_loop3A_846 = arith.index_cast %parallel_loop3A_845 : i32 to index
      %parallel_loop3A_847 = arith.index_cast %parallel_loop3A_748 : i32 to index
      %parallel_loop3A_848 = tpu.vector_load %arg9[%parallel_loop3A_846, %parallel_loop3A_847] {strides = array<i32>} : memref<16x2048xf32, #tpu.memory_space<vmem>>, vector<16xf32>,
      %parallel_loop3A_849 = arith.mulf %parallel_loop3A_848, %parallel_loop3A_766 : vector<16xf32>
      %parallel_loop3A_850 = arith.addf %parallel_loop3A_762, %parallel_loop3A_849 : vector<16xf32>
      %parallel_loop3A_851 = arith.constant 14 : i32
      %parallel_loop3A_852 = arith.index_cast %parallel_loop3A_851 : i32 to index
      %parallel_loop3A_853 = arith.index_cast %parallel_loop3A_748 : i32 to index
      %parallel_loop3A_854 = tpu.vector_load %arg9[%parallel_loop3A_852, %parallel_loop3A_853] {strides = array<i32>} : memref<16x2048xf32, #tpu.memory_space<vmem>>, vector<16xf32>,
      %parallel_loop3A_855 = arith.mulf %parallel_loop3A_854, %parallel_loop3A_766 : vector<16xf32>
      %parallel_loop3A_856 = arith.addf %parallel_loop3A_763, %parallel_loop3A_855 : vector<16xf32>
      %parallel_loop3A_857 = arith.constant 15 : i32
      %parallel_loop3A_858 = arith.index_cast %parallel_loop3A_857 : i32 to index
      %parallel_loop3A_859 = arith.index_cast %parallel_loop3A_748 : i32 to index
      %parallel_loop3A_860 = tpu.vector_load %arg9[%parallel_loop3A_858, %parallel_loop3A_859] {strides = array<i32>} : memref<16x2048xf32, #tpu.memory_space<vmem>>, vector<16xf32>,
      %parallel_loop3A_861 = arith.mulf %parallel_loop3A_860, %parallel_loop3A_766 : vector<16xf32>
      %parallel_loop3A_862 = arith.addf %parallel_loop3A_764, %parallel_loop3A_861 : vector<16xf32>
      scf.yield %parallel_loop3A_772, %parallel_loop3A_778, %parallel_loop3A_784, %parallel_loop3A_790, %parallel_loop3A_796, %parallel_loop3A_802, %parallel_loop3A_808, %parallel_loop3A_814, %parallel_loop3A_820, %parallel_loop3A_826, %parallel_loop3A_832, %parallel_loop3A_838, %parallel_loop3A_844, %parallel_loop3A_850, %parallel_loop3A_856, %parallel_loop3A_862 : vector<16xf32>, vector<16xf32>, vector<16xf32>, vector<16xf32>, vector<16xf32>, vector<16xf32>, vector<16xf32>, vector<16xf32>, vector<16xf32>, vector<16xf32>, vector<16xf32>, vector<16xf32>, vector<16xf32>, vector<16xf32>, vector<16xf32>, vector<16xf32>
    } {sc.loop_unroll_factor = 2 : i64, sc.parallel_access}
    %swap3A = arith.constant 0 : index
    %swap3A_71 = tpu.vector_load %arg12[%swap3A] {strides = array<i32>} : memref<272xf32, #tpu.memory_space<vmem>>, vector<16xf32>,
    tpu.vector_store %arg12[%swap3A], %parallel_loop3A_70#0 {strides = array<i32>} : memref<272xf32, #tpu.memory_space<vmem>>, vector<16xf32>,
    %swap3A_72 = arith.constant 17 : index
    %swap3A_73 = tpu.vector_load %arg12[%swap3A_72] {strides = array<i32>} : memref<272xf32, #tpu.memory_space<vmem>>, vector<16xf32>,
    tpu.vector_store %arg12[%swap3A_72], %parallel_loop3A_70#1 {strides = array<i32>} : memref<272xf32, #tpu.memory_space<vmem>>, vector<16xf32>,
    %swap3A_74 = arith.constant 34 : index
    %swap3A_75 = tpu.vector_load %arg12[%swap3A_74] {strides = array<i32>} : memref<272xf32, #tpu.memory_space<vmem>>, vector<16xf32>,
    tpu.vector_store %arg12[%swap3A_74], %parallel_loop3A_70#2 {strides = array<i32>} : memref<272xf32, #tpu.memory_space<vmem>>, vector<16xf32>,
    %swap3A_76 = arith.constant 51 : index
    %swap3A_77 = tpu.vector_load %arg12[%swap3A_76] {strides = array<i32>} : memref<272xf32, #tpu.memory_space<vmem>>, vector<16xf32>,
    tpu.vector_store %arg12[%swap3A_76], %parallel_loop3A_70#3 {strides = array<i32>} : memref<272xf32, #tpu.memory_space<vmem>>, vector<16xf32>,
    %swap3A_78 = arith.constant 68 : index
    %swap3A_79 = tpu.vector_load %arg12[%swap3A_78] {strides = array<i32>} : memref<272xf32, #tpu.memory_space<vmem>>, vector<16xf32>,
    tpu.vector_store %arg12[%swap3A_78], %parallel_loop3A_70#4 {strides = array<i32>} : memref<272xf32, #tpu.memory_space<vmem>>, vector<16xf32>,
    %swap3A_80 = arith.constant 85 : index
    %swap3A_81 = tpu.vector_load %arg12[%swap3A_80] {strides = array<i32>} : memref<272xf32, #tpu.memory_space<vmem>>, vector<16xf32>,
    tpu.vector_store %arg12[%swap3A_80], %parallel_loop3A_70#5 {strides = array<i32>} : memref<272xf32, #tpu.memory_space<vmem>>, vector<16xf32>,
    %swap3A_82 = arith.constant 102 : index
    %swap3A_83 = tpu.vector_load %arg12[%swap3A_82] {strides = array<i32>} : memref<272xf32, #tpu.memory_space<vmem>>, vector<16xf32>,
    tpu.vector_store %arg12[%swap3A_82], %parallel_loop3A_70#6 {strides = array<i32>} : memref<272xf32, #tpu.memory_space<vmem>>, vector<16xf32>,
    %swap3A_84 = arith.constant 119 : index
    %swap3A_85 = tpu.vector_load %arg12[%swap3A_84] {strides = array<i32>} : memref<272xf32, #tpu.memory_space<vmem>>, vector<16xf32>,
    tpu.vector_store %arg12[%swap3A_84], %parallel_loop3A_70#7 {strides = array<i32>} : memref<272xf32, #tpu.memory_space<vmem>>, vector<16xf32>,
    %swap3A_86 = arith.constant 136 : index
    %swap3A_87 = tpu.vector_load %arg12[%swap3A_86] {strides = array<i32>} : memref<272xf32, #tpu.memory_space<vmem>>, vector<16xf32>,
    tpu.vector_store %arg12[%swap3A_86], %parallel_loop3A_70#8 {strides = array<i32>} : memref<272xf32, #tpu.memory_space<vmem>>, vector<16xf32>,
    %swap3A_88 = arith.constant 153 : index
    %swap3A_89 = tpu.vector_load %arg12[%swap3A_88] {strides = array<i32>} : memref<272xf32, #tpu.memory_space<vmem>>, vector<16xf32>,
    tpu.vector_store %arg12[%swap3A_88], %parallel_loop3A_70#9 {strides = array<i32>} : memref<272xf32, #tpu.memory_space<vmem>>, vector<16xf32>,
    %swap3A_90 = arith.constant 170 : index
    %swap3A_91 = tpu.vector_load %arg12[%swap3A_90] {strides = array<i32>} : memref<272xf32, #tpu.memory_space<vmem>>, vector<16xf32>,
    tpu.vector_store %arg12[%swap3A_90], %parallel_loop3A_70#10 {strides = array<i32>} : memref<272xf32, #tpu.memory_space<vmem>>, vector<16xf32>,
    %swap3A_92 = arith.constant 187 : index
    %swap3A_93 = tpu.vector_load %arg12[%swap3A_92] {strides = array<i32>} : memref<272xf32, #tpu.memory_space<vmem>>, vector<16xf32>,
    tpu.vector_store %arg12[%swap3A_92], %parallel_loop3A_70#11 {strides = array<i32>} : memref<272xf32, #tpu.memory_space<vmem>>, vector<16xf32>,
    %swap3A_94 = arith.constant 204 : index
    %swap3A_95 = tpu.vector_load %arg12[%swap3A_94] {strides = array<i32>} : memref<272xf32, #tpu.memory_space<vmem>>, vector<16xf32>,
    tpu.vector_store %arg12[%swap3A_94], %parallel_loop3A_70#12 {strides = array<i32>} : memref<272xf32, #tpu.memory_space<vmem>>, vector<16xf32>,
    %swap3A_96 = arith.constant 221 : index
    %swap3A_97 = tpu.vector_load %arg12[%swap3A_96] {strides = array<i32>} : memref<272xf32, #tpu.memory_space<vmem>>, vector<16xf32>,
    tpu.vector_store %arg12[%swap3A_96], %parallel_loop3A_70#13 {strides = array<i32>} : memref<272xf32, #tpu.memory_space<vmem>>, vector<16xf32>,
    %swap3A_98 = arith.constant 238 : index
    %swap3A_99 = tpu.vector_load %arg12[%swap3A_98] {strides = array<i32>} : memref<272xf32, #tpu.memory_space<vmem>>, vector<16xf32>,
    tpu.vector_store %arg12[%swap3A_98], %parallel_loop3A_70#14 {strides = array<i32>} : memref<272xf32, #tpu.memory_space<vmem>>, vector<16xf32>,
    %swap3A_100 = arith.constant 255 : index
    %swap3A_101 = tpu.vector_load %arg12[%swap3A_100] {strides = array<i32>} : memref<272xf32, #tpu.memory_space<vmem>>, vector<16xf32>,
    tpu.vector_store %arg12[%swap3A_100], %parallel_loop3A_70#15 {strides = array<i32>} : memref<272xf32, #tpu.memory_space<vmem>>, vector<16xf32>,
    %broadcast_in_dim3A_102 = arith.constant 0.000000e+00 : f32
    %broadcast_in_dim3A_103 = vector.broadcast %broadcast_in_dim3A_102 : f32 to vector<16xf32>
    %add3A_104 = arith.constant 0 : i32
    %add3A_105 = vector.broadcast %add3A_104 : i32 to vector<16xi32>
    %add3A_106 = arith.addi %mul3A_13, %add3A_105 : vector<16xi32>
    %gather3A = tpu.vector_load_idx %arg12[%add3A_106] : memref<272xf32, #tpu.memory_space<vmem>>[vector<16xi32>], vector<16xf32>,
    %add3A_107 = arith.addf %broadcast_in_dim3A_103, %gather3A : vector<16xf32>
    %add3A_108 = arith.constant 1 : i32
    %add3A_109 = vector.broadcast %add3A_108 : i32 to vector<16xi32>
    %add3A_110 = arith.addi %mul3A_13, %add3A_109 : vector<16xi32>
    %gather3A_111 = tpu.vector_load_idx %arg12[%add3A_110] : memref<272xf32, #tpu.memory_space<vmem>>[vector<16xi32>], vector<16xf32>,
    %add3A_112 = arith.addf %add3A_107, %gather3A_111 : vector<16xf32>
    %add3A_113 = arith.constant 2 : i32
    %add3A_114 = vector.broadcast %add3A_113 : i32 to vector<16xi32>
    %add3A_115 = arith.addi %mul3A_13, %add3A_114 : vector<16xi32>
    %gather3A_116 = tpu.vector_load_idx %arg12[%add3A_115] : memref<272xf32, #tpu.memory_space<vmem>>[vector<16xi32>], vector<16xf32>,
    %add3A_117 = arith.addf %add3A_112, %gather3A_116 : vector<16xf32>
    %add3A_118 = arith.constant 3 : i32
    %add3A_119 = vector.broadcast %add3A_118 : i32 to vector<16xi32>
    %add3A_120 = arith.addi %mul3A_13, %add3A_119 : vector<16xi32>
    %gather3A_121 = tpu.vector_load_idx %arg12[%add3A_120] : memref<272xf32, #tpu.memory_space<vmem>>[vector<16xi32>], vector<16xf32>,
    %add3A_122 = arith.addf %add3A_117, %gather3A_121 : vector<16xf32>
    %add3A_123 = arith.constant 4 : i32
    %add3A_124 = vector.broadcast %add3A_123 : i32 to vector<16xi32>
    %add3A_125 = arith.addi %mul3A_13, %add3A_124 : vector<16xi32>
    %gather3A_126 = tpu.vector_load_idx %arg12[%add3A_125] : memref<272xf32, #tpu.memory_space<vmem>>[vector<16xi32>], vector<16xf32>,
    %add3A_127 = arith.addf %add3A_122, %gather3A_126 : vector<16xf32>
    %add3A_128 = arith.constant 5 : i32
    %add3A_129 = vector.broadcast %add3A_128 : i32 to vector<16xi32>
    %add3A_130 = arith.addi %mul3A_13, %add3A_129 : vector<16xi32>
    %gather3A_131 = tpu.vector_load_idx %arg12[%add3A_130] : memref<272xf32, #tpu.memory_space<vmem>>[vector<16xi32>], vector<16xf32>,
    %add3A_132 = arith.addf %add3A_127, %gather3A_131 : vector<16xf32>
    %add3A_133 = arith.constant 6 : i32
    %add3A_134 = vector.broadcast %add3A_133 : i32 to vector<16xi32>
    %add3A_135 = arith.addi %mul3A_13, %add3A_134 : vector<16xi32>
    %gather3A_136 = tpu.vector_load_idx %arg12[%add3A_135] : memref<272xf32, #tpu.memory_space<vmem>>[vector<16xi32>], vector<16xf32>,
    %add3A_137 = arith.addf %add3A_132, %gather3A_136 : vector<16xf32>
    %add3A_138 = arith.constant 7 : i32
    %add3A_139 = vector.broadcast %add3A_138 : i32 to vector<16xi32>
    %add3A_140 = arith.addi %mul3A_13, %add3A_139 : vector<16xi32>
    %gather3A_141 = tpu.vector_load_idx %arg12[%add3A_140] : memref<272xf32, #tpu.memory_space<vmem>>[vector<16xi32>], vector<16xf32>,
    %add3A_142 = arith.addf %add3A_137, %gather3A_141 : vector<16xf32>
    %add3A_143 = arith.constant 8 : i32
    %add3A_144 = vector.broadcast %add3A_143 : i32 to vector<16xi32>
    %add3A_145 = arith.addi %mul3A_13, %add3A_144 : vector<16xi32>
    %gather3A_146 = tpu.vector_load_idx %arg12[%add3A_145] : memref<272xf32, #tpu.memory_space<vmem>>[vector<16xi32>], vector<16xf32>,
    %add3A_147 = arith.addf %add3A_142, %gather3A_146 : vector<16xf32>
    %add3A_148 = arith.constant 9 : i32
    %add3A_149 = vector.broadcast %add3A_148 : i32 to vector<16xi32>
    %add3A_150 = arith.addi %mul3A_13, %add3A_149 : vector<16xi32>
    %gather3A_151 = tpu.vector_load_idx %arg12[%add3A_150] : memref<272xf32, #tpu.memory_space<vmem>>[vector<16xi32>], vector<16xf32>,
    %add3A_152 = arith.addf %add3A_147, %gather3A_151 : vector<16xf32>
    %add3A_153 = arith.constant 10 : i32
    %add3A_154 = vector.broadcast %add3A_153 : i32 to vector<16xi32>
    %add3A_155 = arith.addi %mul3A_13, %add3A_154 : vector<16xi32>
    %gather3A_156 = tpu.vector_load_idx %arg12[%add3A_155] : memref<272xf32, #tpu.memory_space<vmem>>[vector<16xi32>], vector<16xf32>,
    %add3A_157 = arith.addf %add3A_152, %gather3A_156 : vector<16xf32>
    %add3A_158 = arith.constant 11 : i32
    %add3A_159 = vector.broadcast %add3A_158 : i32 to vector<16xi32>
    %add3A_160 = arith.addi %mul3A_13, %add3A_159 : vector<16xi32>
    %gather3A_161 = tpu.vector_load_idx %arg12[%add3A_160] : memref<272xf32, #tpu.memory_space<vmem>>[vector<16xi32>], vector<16xf32>,
    %add3A_162 = arith.addf %add3A_157, %gather3A_161 : vector<16xf32>
    %add3A_163 = arith.constant 12 : i32
    %add3A_164 = vector.broadcast %add3A_163 : i32 to vector<16xi32>
    %add3A_165 = arith.addi %mul3A_13, %add3A_164 : vector<16xi32>
    %gather3A_166 = tpu.vector_load_idx %arg12[%add3A_165] : memref<272xf32, #tpu.memory_space<vmem>>[vector<16xi32>], vector<16xf32>,
    %add3A_167 = arith.addf %add3A_162, %gather3A_166 : vector<16xf32>
    %add3A_168 = arith.constant 13 : i32
    %add3A_169 = vector.broadcast %add3A_168 : i32 to vector<16xi32>
    %add3A_170 = arith.addi %mul3A_13, %add3A_169 : vector<16xi32>
    %gather3A_171 = tpu.vector_load_idx %arg12[%add3A_170] : memref<272xf32, #tpu.memory_space<vmem>>[vector<16xi32>], vector<16xf32>,
    %add3A_172 = arith.addf %add3A_167, %gather3A_171 : vector<16xf32>
    %add3A_173 = arith.constant 14 : i32
    %add3A_174 = vector.broadcast %add3A_173 : i32 to vector<16xi32>
    %add3A_175 = arith.addi %mul3A_13, %add3A_174 : vector<16xi32>
    %gather3A_176 = tpu.vector_load_idx %arg12[%add3A_175] : memref<272xf32, #tpu.memory_space<vmem>>[vector<16xi32>], vector<16xf32>,
    %add3A_177 = arith.addf %add3A_172, %gather3A_176 : vector<16xf32>
    %add3A_178 = arith.constant 15 : i32
    %add3A_179 = vector.broadcast %add3A_178 : i32 to vector<16xi32>
    %add3A_180 = arith.addi %mul3A_13, %add3A_179 : vector<16xi32>
    %gather3A_181 = tpu.vector_load_idx %arg12[%add3A_180] : memref<272xf32, #tpu.memory_space<vmem>>[vector<16xi32>], vector<16xf32>,
    %add3A_182 = arith.addf %add3A_177, %gather3A_181 : vector<16xf32>
    %add3A_183 = vector.broadcast %sub3A : f32 to vector<16xf32>
    %add3A_184 = arith.addf %add3A_182, %add3A_183 : vector<16xf32>
    %neg3A = arith.constant 0.000000e+00 : f32
    %neg3A_185 = vector.broadcast %neg3A : f32 to vector<16xf32>
    %neg3A_186 = arith.subf %neg3A_185, %add3A_184 : vector<16xf32>
    %exp3A = math.exp %neg3A_186 : vector<16xf32>
    %add3A_187 = arith.constant 1.000000e+00 : f32
    %add3A_188 = vector.broadcast %add3A_187 : f32 to vector<16xf32>
    %add3A_189 = arith.addf %add3A_188, %exp3A : vector<16xf32>
    %div3A = arith.constant 1.000000e+00 : f32
    %div3A_190 = vector.broadcast %div3A : f32 to vector<16xf32>
    %div3A_191 = arith.divf %div3A_190, %add3A_189 : vector<16xf32>
    %add3A_192 = arith.constant 0 : i32
    %add3A_193 = vector.broadcast %add3A_192 : i32 to vector<16xi32>
    %add3A_194 = arith.addi %add3A_193, %iota3A : vector<16xi32>
    %broadcast_in_dim3A_195 = arith.constant 0 : i32
    %broadcast_in_dim3A_196 = vector.broadcast %broadcast_in_dim3A_195 : i32 to vector<16xi32>
    tpu.vector_store_idx %arg13[%add3A_194, %broadcast_in_dim3A_196], %div3A_191 : memref<64x2xf32, #tpu.memory_space<vmem>>[vector<16xi32>, vector<16xi32>], vector<16xf32>,
    %add3A_197 = arith.constant 1 : i32
    %add3A_198 = vector.broadcast %add3A_197 : i32 to vector<16xi32>
    %add3A_199 = arith.addi %broadcast_in_dim3A_196, %add3A_198 : vector<16xi32>
    %sub3A_200 = arith.constant 1.000000e+00 : f32
    %sub3A_201 = vector.broadcast %sub3A_200 : f32 to vector<16xf32>
    %sub3A_202 = arith.subf %sub3A_201, %div3A_191 : vector<16xf32>
    tpu.vector_store_idx %arg13[%add3A_194, %add3A_199], %sub3A_202 : memref<64x2xf32, #tpu.memory_space<vmem>>[vector<16xi32>, vector<16xi32>], vector<16xf32>,
    %add3A_203 = arith.constant 48 : i32
    %add3A_204 = arith.addi %add3A_4, %add3A_203 : i32
    %dma_start3A_205 = arith.constant 0 : i32
    %dma_start3A_206 = tpu.memref_slice %arg2[%add3A_204, %dma_start3A_205] : memref<8192x2048xf32, #tpu.memory_space<hbm>> -> memref<16x2048xf32, #tpu.memory_space<hbm>>
    %dma_start3A_207 = arith.constant 0 : i32
    %dma_start3A_208 = tpu.memref_slice %arg2[%add3A_204, %dma_start3A_207] : memref<8192x2048xf32, #tpu.memory_space<hbm>> -> memref<16x2048xf32, #tpu.memory_space<hbm>>
    tpu.enqueue_dma source(%dma_start3A_208 : memref<16x2048xf32, #tpu.memory_space<hbm>>) target(%arg9 : memref<16x2048xf32, #tpu.memory_space<vmem>>) target_semaphore(%arg14 : memref<!tpu.dma_semaphore, #tpu.memory_space<semaphore_mem>>)
    %add3A_209 = arith.constant 16 : i32
    %add3A_210 = arith.addi %add3A_4, %add3A_209 : i32
    %dma_wait3A_211 = arith.constant 0 : i32
    %dma_wait3A_212 = tpu.memref_slice %arg2[%add3A_210, %dma_wait3A_211] : memref<8192x2048xf32, #tpu.memory_space<hbm>> -> memref<16x2048xf32, #tpu.memory_space<hbm>>
    %dma_wait3A_213 = arith.constant 0 : i32
    %dma_wait3A_214 = tpu.memref_slice %arg2[%add3A_210, %dma_wait3A_213] : memref<8192x2048xf32, #tpu.memory_space<hbm>> -> memref<16x2048xf32, #tpu.memory_space<hbm>>
    tpu.wait_dma2 semaphore(%arg15 : memref<!tpu.dma_semaphore, #tpu.memory_space<semaphore_mem>>) src(%dma_wait3A_214 : memref<16x2048xf32, #tpu.memory_space<hbm>>) dst(%arg10 : memref<16x2048xf32, #tpu.memory_space<vmem>>)
    %broadcast_in_dim3A_215 = arith.constant 0.000000e+00 : f32
    %broadcast_in_dim3A_216 = vector.broadcast %broadcast_in_dim3A_215 : f32 to vector<16xf32>
    %broadcast_in_dim3A_217 = arith.constant 0.000000e+00 : f32
    %broadcast_in_dim3A_218 = vector.broadcast %broadcast_in_dim3A_217 : f32 to vector<16xf32>
    %broadcast_in_dim3A_219 = arith.constant 0.000000e+00 : f32
    %broadcast_in_dim3A_220 = vector.broadcast %broadcast_in_dim3A_219 : f32 to vector<16xf32>
    %broadcast_in_dim3A_221 = arith.constant 0.000000e+00 : f32
    %broadcast_in_dim3A_222 = vector.broadcast %broadcast_in_dim3A_221 : f32 to vector<16xf32>
    %broadcast_in_dim3A_223 = arith.constant 0.000000e+00 : f32
    %broadcast_in_dim3A_224 = vector.broadcast %broadcast_in_dim3A_223 : f32 to vector<16xf32>
    %broadcast_in_dim3A_225 = arith.constant 0.000000e+00 : f32
    %broadcast_in_dim3A_226 = vector.broadcast %broadcast_in_dim3A_225 : f32 to vector<16xf32>
    %broadcast_in_dim3A_227 = arith.constant 0.000000e+00 : f32
    %broadcast_in_dim3A_228 = vector.broadcast %broadcast_in_dim3A_227 : f32 to vector<16xf32>
    %broadcast_in_dim3A_229 = arith.constant 0.000000e+00 : f32
    %broadcast_in_dim3A_230 = vector.broadcast %broadcast_in_dim3A_229 : f32 to vector<16xf32>
    %broadcast_in_dim3A_231 = arith.constant 0.000000e+00 : f32
    %broadcast_in_dim3A_232 = vector.broadcast %broadcast_in_dim3A_231 : f32 to vector<16xf32>
    %broadcast_in_dim3A_233 = arith.constant 0.000000e+00 : f32
    %broadcast_in_dim3A_234 = vector.broadcast %broadcast_in_dim3A_233 : f32 to vector<16xf32>
    %broadcast_in_dim3A_235 = arith.constant 0.000000e+00 : f32
    %broadcast_in_dim3A_236 = vector.broadcast %broadcast_in_dim3A_235 : f32 to vector<16xf32>
    %broadcast_in_dim3A_237 = arith.constant 0.000000e+00 : f32
    %broadcast_in_dim3A_238 = vector.broadcast %broadcast_in_dim3A_237 : f32 to vector<16xf32>
    %broadcast_in_dim3A_239 = arith.constant 0.000000e+00 : f32
    %broadcast_in_dim3A_240 = vector.broadcast %broadcast_in_dim3A_239 : f32 to vector<16xf32>
    %broadcast_in_dim3A_241 = arith.constant 0.000000e+00 : f32
    %broadcast_in_dim3A_242 = vector.broadcast %broadcast_in_dim3A_241 : f32 to vector<16xf32>
    %broadcast_in_dim3A_243 = arith.constant 0.000000e+00 : f32
    %broadcast_in_dim3A_244 = vector.broadcast %broadcast_in_dim3A_243 : f32 to vector<16xf32>
    %broadcast_in_dim3A_245 = arith.constant 0.000000e+00 : f32
    %broadcast_in_dim3A_246 = vector.broadcast %broadcast_in_dim3A_245 : f32 to vector<16xf32>
    %parallel_loop3A_247 = arith.constant 0 : i32
    %parallel_loop3A_248 = arith.constant 2048 : i32
    %parallel_loop3A_249 = arith.constant 16 : i32
    %parallel_loop3A_250:16 = scf.for %parallel_loop3A_748 = %parallel_loop3A_247 to %parallel_loop3A_248 step %parallel_loop3A_249 iter_args(%parallel_loop3A_749 = %broadcast_in_dim3A_216, %parallel_loop3A_750 = %broadcast_in_dim3A_218, %parallel_loop3A_751 = %broadcast_in_dim3A_220, %parallel_loop3A_752 = %broadcast_in_dim3A_222, %parallel_loop3A_753 = %broadcast_in_dim3A_224, %parallel_loop3A_754 = %broadcast_in_dim3A_226, %parallel_loop3A_755 = %broadcast_in_dim3A_228, %parallel_loop3A_756 = %broadcast_in_dim3A_230, %parallel_loop3A_757 = %broadcast_in_dim3A_232, %parallel_loop3A_758 = %broadcast_in_dim3A_234, %parallel_loop3A_759 = %broadcast_in_dim3A_236, %parallel_loop3A_760 = %broadcast_in_dim3A_238, %parallel_loop3A_761 = %broadcast_in_dim3A_240, %parallel_loop3A_762 = %broadcast_in_dim3A_242, %parallel_loop3A_763 = %broadcast_in_dim3A_244, %parallel_loop3A_764 = %broadcast_in_dim3A_246) -> (vector<16xf32>, vector<16xf32>, vector<16xf32>, vector<16xf32>, vector<16xf32>, vector<16xf32>, vector<16xf32>, vector<16xf32>, vector<16xf32>, vector<16xf32>, vector<16xf32>, vector<16xf32>, vector<16xf32>, vector<16xf32>, vector<16xf32>, vector<16xf32>)  : i32 {
      %parallel_loop3A_765 = arith.index_cast %parallel_loop3A_748 : i32 to index
      %parallel_loop3A_766 = tpu.vector_load %arg8[%parallel_loop3A_765] {strides = array<i32>} : memref<2048xf32, #tpu.memory_space<vmem>>, vector<16xf32>,
      %parallel_loop3A_767 = arith.constant 0 : i32
      %parallel_loop3A_768 = arith.index_cast %parallel_loop3A_767 : i32 to index
      %parallel_loop3A_769 = arith.index_cast %parallel_loop3A_748 : i32 to index
      %parallel_loop3A_770 = tpu.vector_load %arg10[%parallel_loop3A_768, %parallel_loop3A_769] {strides = array<i32>} : memref<16x2048xf32, #tpu.memory_space<vmem>>, vector<16xf32>,
      %parallel_loop3A_771 = arith.mulf %parallel_loop3A_770, %parallel_loop3A_766 : vector<16xf32>
      %parallel_loop3A_772 = arith.addf %parallel_loop3A_749, %parallel_loop3A_771 : vector<16xf32>
      %parallel_loop3A_773 = arith.constant 1 : i32
      %parallel_loop3A_774 = arith.index_cast %parallel_loop3A_773 : i32 to index
      %parallel_loop3A_775 = arith.index_cast %parallel_loop3A_748 : i32 to index
      %parallel_loop3A_776 = tpu.vector_load %arg10[%parallel_loop3A_774, %parallel_loop3A_775] {strides = array<i32>} : memref<16x2048xf32, #tpu.memory_space<vmem>>, vector<16xf32>,
      %parallel_loop3A_777 = arith.mulf %parallel_loop3A_776, %parallel_loop3A_766 : vector<16xf32>
      %parallel_loop3A_778 = arith.addf %parallel_loop3A_750, %parallel_loop3A_777 : vector<16xf32>
      %parallel_loop3A_779 = arith.constant 2 : i32
      %parallel_loop3A_780 = arith.index_cast %parallel_loop3A_779 : i32 to index
      %parallel_loop3A_781 = arith.index_cast %parallel_loop3A_748 : i32 to index
      %parallel_loop3A_782 = tpu.vector_load %arg10[%parallel_loop3A_780, %parallel_loop3A_781] {strides = array<i32>} : memref<16x2048xf32, #tpu.memory_space<vmem>>, vector<16xf32>,
      %parallel_loop3A_783 = arith.mulf %parallel_loop3A_782, %parallel_loop3A_766 : vector<16xf32>
      %parallel_loop3A_784 = arith.addf %parallel_loop3A_751, %parallel_loop3A_783 : vector<16xf32>
      %parallel_loop3A_785 = arith.constant 3 : i32
      %parallel_loop3A_786 = arith.index_cast %parallel_loop3A_785 : i32 to index
      %parallel_loop3A_787 = arith.index_cast %parallel_loop3A_748 : i32 to index
      %parallel_loop3A_788 = tpu.vector_load %arg10[%parallel_loop3A_786, %parallel_loop3A_787] {strides = array<i32>} : memref<16x2048xf32, #tpu.memory_space<vmem>>, vector<16xf32>,
      %parallel_loop3A_789 = arith.mulf %parallel_loop3A_788, %parallel_loop3A_766 : vector<16xf32>
      %parallel_loop3A_790 = arith.addf %parallel_loop3A_752, %parallel_loop3A_789 : vector<16xf32>
      %parallel_loop3A_791 = arith.constant 4 : i32
      %parallel_loop3A_792 = arith.index_cast %parallel_loop3A_791 : i32 to index
      %parallel_loop3A_793 = arith.index_cast %parallel_loop3A_748 : i32 to index
      %parallel_loop3A_794 = tpu.vector_load %arg10[%parallel_loop3A_792, %parallel_loop3A_793] {strides = array<i32>} : memref<16x2048xf32, #tpu.memory_space<vmem>>, vector<16xf32>,
      %parallel_loop3A_795 = arith.mulf %parallel_loop3A_794, %parallel_loop3A_766 : vector<16xf32>
      %parallel_loop3A_796 = arith.addf %parallel_loop3A_753, %parallel_loop3A_795 : vector<16xf32>
      %parallel_loop3A_797 = arith.constant 5 : i32
      %parallel_loop3A_798 = arith.index_cast %parallel_loop3A_797 : i32 to index
      %parallel_loop3A_799 = arith.index_cast %parallel_loop3A_748 : i32 to index
      %parallel_loop3A_800 = tpu.vector_load %arg10[%parallel_loop3A_798, %parallel_loop3A_799] {strides = array<i32>} : memref<16x2048xf32, #tpu.memory_space<vmem>>, vector<16xf32>,
      %parallel_loop3A_801 = arith.mulf %parallel_loop3A_800, %parallel_loop3A_766 : vector<16xf32>
      %parallel_loop3A_802 = arith.addf %parallel_loop3A_754, %parallel_loop3A_801 : vector<16xf32>
      %parallel_loop3A_803 = arith.constant 6 : i32
      %parallel_loop3A_804 = arith.index_cast %parallel_loop3A_803 : i32 to index
      %parallel_loop3A_805 = arith.index_cast %parallel_loop3A_748 : i32 to index
      %parallel_loop3A_806 = tpu.vector_load %arg10[%parallel_loop3A_804, %parallel_loop3A_805] {strides = array<i32>} : memref<16x2048xf32, #tpu.memory_space<vmem>>, vector<16xf32>,
      %parallel_loop3A_807 = arith.mulf %parallel_loop3A_806, %parallel_loop3A_766 : vector<16xf32>
      %parallel_loop3A_808 = arith.addf %parallel_loop3A_755, %parallel_loop3A_807 : vector<16xf32>
      %parallel_loop3A_809 = arith.constant 7 : i32
      %parallel_loop3A_810 = arith.index_cast %parallel_loop3A_809 : i32 to index
      %parallel_loop3A_811 = arith.index_cast %parallel_loop3A_748 : i32 to index
      %parallel_loop3A_812 = tpu.vector_load %arg10[%parallel_loop3A_810, %parallel_loop3A_811] {strides = array<i32>} : memref<16x2048xf32, #tpu.memory_space<vmem>>, vector<16xf32>,
      %parallel_loop3A_813 = arith.mulf %parallel_loop3A_812, %parallel_loop3A_766 : vector<16xf32>
      %parallel_loop3A_814 = arith.addf %parallel_loop3A_756, %parallel_loop3A_813 : vector<16xf32>
      %parallel_loop3A_815 = arith.constant 8 : i32
      %parallel_loop3A_816 = arith.index_cast %parallel_loop3A_815 : i32 to index
      %parallel_loop3A_817 = arith.index_cast %parallel_loop3A_748 : i32 to index
      %parallel_loop3A_818 = tpu.vector_load %arg10[%parallel_loop3A_816, %parallel_loop3A_817] {strides = array<i32>} : memref<16x2048xf32, #tpu.memory_space<vmem>>, vector<16xf32>,
      %parallel_loop3A_819 = arith.mulf %parallel_loop3A_818, %parallel_loop3A_766 : vector<16xf32>
      %parallel_loop3A_820 = arith.addf %parallel_loop3A_757, %parallel_loop3A_819 : vector<16xf32>
      %parallel_loop3A_821 = arith.constant 9 : i32
      %parallel_loop3A_822 = arith.index_cast %parallel_loop3A_821 : i32 to index
      %parallel_loop3A_823 = arith.index_cast %parallel_loop3A_748 : i32 to index
      %parallel_loop3A_824 = tpu.vector_load %arg10[%parallel_loop3A_822, %parallel_loop3A_823] {strides = array<i32>} : memref<16x2048xf32, #tpu.memory_space<vmem>>, vector<16xf32>,
      %parallel_loop3A_825 = arith.mulf %parallel_loop3A_824, %parallel_loop3A_766 : vector<16xf32>
      %parallel_loop3A_826 = arith.addf %parallel_loop3A_758, %parallel_loop3A_825 : vector<16xf32>
      %parallel_loop3A_827 = arith.constant 10 : i32
      %parallel_loop3A_828 = arith.index_cast %parallel_loop3A_827 : i32 to index
      %parallel_loop3A_829 = arith.index_cast %parallel_loop3A_748 : i32 to index
      %parallel_loop3A_830 = tpu.vector_load %arg10[%parallel_loop3A_828, %parallel_loop3A_829] {strides = array<i32>} : memref<16x2048xf32, #tpu.memory_space<vmem>>, vector<16xf32>,
      %parallel_loop3A_831 = arith.mulf %parallel_loop3A_830, %parallel_loop3A_766 : vector<16xf32>
      %parallel_loop3A_832 = arith.addf %parallel_loop3A_759, %parallel_loop3A_831 : vector<16xf32>
      %parallel_loop3A_833 = arith.constant 11 : i32
      %parallel_loop3A_834 = arith.index_cast %parallel_loop3A_833 : i32 to index
      %parallel_loop3A_835 = arith.index_cast %parallel_loop3A_748 : i32 to index
      %parallel_loop3A_836 = tpu.vector_load %arg10[%parallel_loop3A_834, %parallel_loop3A_835] {strides = array<i32>} : memref<16x2048xf32, #tpu.memory_space<vmem>>, vector<16xf32>,
      %parallel_loop3A_837 = arith.mulf %parallel_loop3A_836, %parallel_loop3A_766 : vector<16xf32>
      %parallel_loop3A_838 = arith.addf %parallel_loop3A_760, %parallel_loop3A_837 : vector<16xf32>
      %parallel_loop3A_839 = arith.constant 12 : i32
      %parallel_loop3A_840 = arith.index_cast %parallel_loop3A_839 : i32 to index
      %parallel_loop3A_841 = arith.index_cast %parallel_loop3A_748 : i32 to index
      %parallel_loop3A_842 = tpu.vector_load %arg10[%parallel_loop3A_840, %parallel_loop3A_841] {strides = array<i32>} : memref<16x2048xf32, #tpu.memory_space<vmem>>, vector<16xf32>,
      %parallel_loop3A_843 = arith.mulf %parallel_loop3A_842, %parallel_loop3A_766 : vector<16xf32>
      %parallel_loop3A_844 = arith.addf %parallel_loop3A_761, %parallel_loop3A_843 : vector<16xf32>
      %parallel_loop3A_845 = arith.constant 13 : i32
      %parallel_loop3A_846 = arith.index_cast %parallel_loop3A_845 : i32 to index
      %parallel_loop3A_847 = arith.index_cast %parallel_loop3A_748 : i32 to index
      %parallel_loop3A_848 = tpu.vector_load %arg10[%parallel_loop3A_846, %parallel_loop3A_847] {strides = array<i32>} : memref<16x2048xf32, #tpu.memory_space<vmem>>, vector<16xf32>,
      %parallel_loop3A_849 = arith.mulf %parallel_loop3A_848, %parallel_loop3A_766 : vector<16xf32>
      %parallel_loop3A_850 = arith.addf %parallel_loop3A_762, %parallel_loop3A_849 : vector<16xf32>
      %parallel_loop3A_851 = arith.constant 14 : i32
      %parallel_loop3A_852 = arith.index_cast %parallel_loop3A_851 : i32 to index
      %parallel_loop3A_853 = arith.index_cast %parallel_loop3A_748 : i32 to index
      %parallel_loop3A_854 = tpu.vector_load %arg10[%parallel_loop3A_852, %parallel_loop3A_853] {strides = array<i32>} : memref<16x2048xf32, #tpu.memory_space<vmem>>, vector<16xf32>,
      %parallel_loop3A_855 = arith.mulf %parallel_loop3A_854, %parallel_loop3A_766 : vector<16xf32>
      %parallel_loop3A_856 = arith.addf %parallel_loop3A_763, %parallel_loop3A_855 : vector<16xf32>
      %parallel_loop3A_857 = arith.constant 15 : i32
      %parallel_loop3A_858 = arith.index_cast %parallel_loop3A_857 : i32 to index
      %parallel_loop3A_859 = arith.index_cast %parallel_loop3A_748 : i32 to index
      %parallel_loop3A_860 = tpu.vector_load %arg10[%parallel_loop3A_858, %parallel_loop3A_859] {strides = array<i32>} : memref<16x2048xf32, #tpu.memory_space<vmem>>, vector<16xf32>,
      %parallel_loop3A_861 = arith.mulf %parallel_loop3A_860, %parallel_loop3A_766 : vector<16xf32>
      %parallel_loop3A_862 = arith.addf %parallel_loop3A_764, %parallel_loop3A_861 : vector<16xf32>
      scf.yield %parallel_loop3A_772, %parallel_loop3A_778, %parallel_loop3A_784, %parallel_loop3A_790, %parallel_loop3A_796, %parallel_loop3A_802, %parallel_loop3A_808, %parallel_loop3A_814, %parallel_loop3A_820, %parallel_loop3A_826, %parallel_loop3A_832, %parallel_loop3A_838, %parallel_loop3A_844, %parallel_loop3A_850, %parallel_loop3A_856, %parallel_loop3A_862 : vector<16xf32>, vector<16xf32>, vector<16xf32>, vector<16xf32>, vector<16xf32>, vector<16xf32>, vector<16xf32>, vector<16xf32>, vector<16xf32>, vector<16xf32>, vector<16xf32>, vector<16xf32>, vector<16xf32>, vector<16xf32>, vector<16xf32>, vector<16xf32>
    } {sc.loop_unroll_factor = 2 : i64, sc.parallel_access}
    %swap3A_251 = arith.constant 0 : index
    %swap3A_252 = tpu.vector_load %arg12[%swap3A_251] {strides = array<i32>} : memref<272xf32, #tpu.memory_space<vmem>>, vector<16xf32>,
    tpu.vector_store %arg12[%swap3A_251], %parallel_loop3A_250#0 {strides = array<i32>} : memref<272xf32, #tpu.memory_space<vmem>>, vector<16xf32>,
    %swap3A_253 = arith.constant 17 : index
    %swap3A_254 = tpu.vector_load %arg12[%swap3A_253] {strides = array<i32>} : memref<272xf32, #tpu.memory_space<vmem>>, vector<16xf32>,
    tpu.vector_store %arg12[%swap3A_253], %parallel_loop3A_250#1 {strides = array<i32>} : memref<272xf32, #tpu.memory_space<vmem>>, vector<16xf32>,
    %swap3A_255 = arith.constant 34 : index
    %swap3A_256 = tpu.vector_load %arg12[%swap3A_255] {strides = array<i32>} : memref<272xf32, #tpu.memory_space<vmem>>, vector<16xf32>,
    tpu.vector_store %arg12[%swap3A_255], %parallel_loop3A_250#2 {strides = array<i32>} : memref<272xf32, #tpu.memory_space<vmem>>, vector<16xf32>,
    %swap3A_257 = arith.constant 51 : index
    %swap3A_258 = tpu.vector_load %arg12[%swap3A_257] {strides = array<i32>} : memref<272xf32, #tpu.memory_space<vmem>>, vector<16xf32>,
    tpu.vector_store %arg12[%swap3A_257], %parallel_loop3A_250#3 {strides = array<i32>} : memref<272xf32, #tpu.memory_space<vmem>>, vector<16xf32>,
    %swap3A_259 = arith.constant 68 : index
    %swap3A_260 = tpu.vector_load %arg12[%swap3A_259] {strides = array<i32>} : memref<272xf32, #tpu.memory_space<vmem>>, vector<16xf32>,
    tpu.vector_store %arg12[%swap3A_259], %parallel_loop3A_250#4 {strides = array<i32>} : memref<272xf32, #tpu.memory_space<vmem>>, vector<16xf32>,
    %swap3A_261 = arith.constant 85 : index
    %swap3A_262 = tpu.vector_load %arg12[%swap3A_261] {strides = array<i32>} : memref<272xf32, #tpu.memory_space<vmem>>, vector<16xf32>,
    tpu.vector_store %arg12[%swap3A_261], %parallel_loop3A_250#5 {strides = array<i32>} : memref<272xf32, #tpu.memory_space<vmem>>, vector<16xf32>,
    %swap3A_263 = arith.constant 102 : index
    %swap3A_264 = tpu.vector_load %arg12[%swap3A_263] {strides = array<i32>} : memref<272xf32, #tpu.memory_space<vmem>>, vector<16xf32>,
    tpu.vector_store %arg12[%swap3A_263], %parallel_loop3A_250#6 {strides = array<i32>} : memref<272xf32, #tpu.memory_space<vmem>>, vector<16xf32>,
    %swap3A_265 = arith.constant 119 : index
    %swap3A_266 = tpu.vector_load %arg12[%swap3A_265] {strides = array<i32>} : memref<272xf32, #tpu.memory_space<vmem>>, vector<16xf32>,
    tpu.vector_store %arg12[%swap3A_265], %parallel_loop3A_250#7 {strides = array<i32>} : memref<272xf32, #tpu.memory_space<vmem>>, vector<16xf32>,
    %swap3A_267 = arith.constant 136 : index
    %swap3A_268 = tpu.vector_load %arg12[%swap3A_267] {strides = array<i32>} : memref<272xf32, #tpu.memory_space<vmem>>, vector<16xf32>,
    tpu.vector_store %arg12[%swap3A_267], %parallel_loop3A_250#8 {strides = array<i32>} : memref<272xf32, #tpu.memory_space<vmem>>, vector<16xf32>,
    %swap3A_269 = arith.constant 153 : index
    %swap3A_270 = tpu.vector_load %arg12[%swap3A_269] {strides = array<i32>} : memref<272xf32, #tpu.memory_space<vmem>>, vector<16xf32>,
    tpu.vector_store %arg12[%swap3A_269], %parallel_loop3A_250#9 {strides = array<i32>} : memref<272xf32, #tpu.memory_space<vmem>>, vector<16xf32>,
    %swap3A_271 = arith.constant 170 : index
    %swap3A_272 = tpu.vector_load %arg12[%swap3A_271] {strides = array<i32>} : memref<272xf32, #tpu.memory_space<vmem>>, vector<16xf32>,
    tpu.vector_store %arg12[%swap3A_271], %parallel_loop3A_250#10 {strides = array<i32>} : memref<272xf32, #tpu.memory_space<vmem>>, vector<16xf32>,
    %swap3A_273 = arith.constant 187 : index
    %swap3A_274 = tpu.vector_load %arg12[%swap3A_273] {strides = array<i32>} : memref<272xf32, #tpu.memory_space<vmem>>, vector<16xf32>,
    tpu.vector_store %arg12[%swap3A_273], %parallel_loop3A_250#11 {strides = array<i32>} : memref<272xf32, #tpu.memory_space<vmem>>, vector<16xf32>,
    %swap3A_275 = arith.constant 204 : index
    %swap3A_276 = tpu.vector_load %arg12[%swap3A_275] {strides = array<i32>} : memref<272xf32, #tpu.memory_space<vmem>>, vector<16xf32>,
    tpu.vector_store %arg12[%swap3A_275], %parallel_loop3A_250#12 {strides = array<i32>} : memref<272xf32, #tpu.memory_space<vmem>>, vector<16xf32>,
    %swap3A_277 = arith.constant 221 : index
    %swap3A_278 = tpu.vector_load %arg12[%swap3A_277] {strides = array<i32>} : memref<272xf32, #tpu.memory_space<vmem>>, vector<16xf32>,
    tpu.vector_store %arg12[%swap3A_277], %parallel_loop3A_250#13 {strides = array<i32>} : memref<272xf32, #tpu.memory_space<vmem>>, vector<16xf32>,
    %swap3A_279 = arith.constant 238 : index
    %swap3A_280 = tpu.vector_load %arg12[%swap3A_279] {strides = array<i32>} : memref<272xf32, #tpu.memory_space<vmem>>, vector<16xf32>,
    tpu.vector_store %arg12[%swap3A_279], %parallel_loop3A_250#14 {strides = array<i32>} : memref<272xf32, #tpu.memory_space<vmem>>, vector<16xf32>,
    %swap3A_281 = arith.constant 255 : index
    %swap3A_282 = tpu.vector_load %arg12[%swap3A_281] {strides = array<i32>} : memref<272xf32, #tpu.memory_space<vmem>>, vector<16xf32>,
    tpu.vector_store %arg12[%swap3A_281], %parallel_loop3A_250#15 {strides = array<i32>} : memref<272xf32, #tpu.memory_space<vmem>>, vector<16xf32>,
    %broadcast_in_dim3A_283 = arith.constant 0.000000e+00 : f32
    %broadcast_in_dim3A_284 = vector.broadcast %broadcast_in_dim3A_283 : f32 to vector<16xf32>
    %add3A_285 = arith.constant 0 : i32
    %add3A_286 = vector.broadcast %add3A_285 : i32 to vector<16xi32>
    %add3A_287 = arith.addi %mul3A_13, %add3A_286 : vector<16xi32>
    %gather3A_288 = tpu.vector_load_idx %arg12[%add3A_287] : memref<272xf32, #tpu.memory_space<vmem>>[vector<16xi32>], vector<16xf32>,
    %add3A_289 = arith.addf %broadcast_in_dim3A_284, %gather3A_288 : vector<16xf32>
    %add3A_290 = arith.constant 1 : i32
    %add3A_291 = vector.broadcast %add3A_290 : i32 to vector<16xi32>
    %add3A_292 = arith.addi %mul3A_13, %add3A_291 : vector<16xi32>
    %gather3A_293 = tpu.vector_load_idx %arg12[%add3A_292] : memref<272xf32, #tpu.memory_space<vmem>>[vector<16xi32>], vector<16xf32>,
    %add3A_294 = arith.addf %add3A_289, %gather3A_293 : vector<16xf32>
    %add3A_295 = arith.constant 2 : i32
    %add3A_296 = vector.broadcast %add3A_295 : i32 to vector<16xi32>
    %add3A_297 = arith.addi %mul3A_13, %add3A_296 : vector<16xi32>
    %gather3A_298 = tpu.vector_load_idx %arg12[%add3A_297] : memref<272xf32, #tpu.memory_space<vmem>>[vector<16xi32>], vector<16xf32>,
    %add3A_299 = arith.addf %add3A_294, %gather3A_298 : vector<16xf32>
    %add3A_300 = arith.constant 3 : i32
    %add3A_301 = vector.broadcast %add3A_300 : i32 to vector<16xi32>
    %add3A_302 = arith.addi %mul3A_13, %add3A_301 : vector<16xi32>
    %gather3A_303 = tpu.vector_load_idx %arg12[%add3A_302] : memref<272xf32, #tpu.memory_space<vmem>>[vector<16xi32>], vector<16xf32>,
    %add3A_304 = arith.addf %add3A_299, %gather3A_303 : vector<16xf32>
    %add3A_305 = arith.constant 4 : i32
    %add3A_306 = vector.broadcast %add3A_305 : i32 to vector<16xi32>
    %add3A_307 = arith.addi %mul3A_13, %add3A_306 : vector<16xi32>
    %gather3A_308 = tpu.vector_load_idx %arg12[%add3A_307] : memref<272xf32, #tpu.memory_space<vmem>>[vector<16xi32>], vector<16xf32>,
    %add3A_309 = arith.addf %add3A_304, %gather3A_308 : vector<16xf32>
    %add3A_310 = arith.constant 5 : i32
    %add3A_311 = vector.broadcast %add3A_310 : i32 to vector<16xi32>
    %add3A_312 = arith.addi %mul3A_13, %add3A_311 : vector<16xi32>
    %gather3A_313 = tpu.vector_load_idx %arg12[%add3A_312] : memref<272xf32, #tpu.memory_space<vmem>>[vector<16xi32>], vector<16xf32>,
    %add3A_314 = arith.addf %add3A_309, %gather3A_313 : vector<16xf32>
    %add3A_315 = arith.constant 6 : i32
    %add3A_316 = vector.broadcast %add3A_315 : i32 to vector<16xi32>
    %add3A_317 = arith.addi %mul3A_13, %add3A_316 : vector<16xi32>
    %gather3A_318 = tpu.vector_load_idx %arg12[%add3A_317] : memref<272xf32, #tpu.memory_space<vmem>>[vector<16xi32>], vector<16xf32>,
    %add3A_319 = arith.addf %add3A_314, %gather3A_318 : vector<16xf32>
    %add3A_320 = arith.constant 7 : i32
    %add3A_321 = vector.broadcast %add3A_320 : i32 to vector<16xi32>
    %add3A_322 = arith.addi %mul3A_13, %add3A_321 : vector<16xi32>
    %gather3A_323 = tpu.vector_load_idx %arg12[%add3A_322] : memref<272xf32, #tpu.memory_space<vmem>>[vector<16xi32>], vector<16xf32>,
    %add3A_324 = arith.addf %add3A_319, %gather3A_323 : vector<16xf32>
    %add3A_325 = arith.constant 8 : i32
    %add3A_326 = vector.broadcast %add3A_325 : i32 to vector<16xi32>
    %add3A_327 = arith.addi %mul3A_13, %add3A_326 : vector<16xi32>
    %gather3A_328 = tpu.vector_load_idx %arg12[%add3A_327] : memref<272xf32, #tpu.memory_space<vmem>>[vector<16xi32>], vector<16xf32>,
    %add3A_329 = arith.addf %add3A_324, %gather3A_328 : vector<16xf32>
    %add3A_330 = arith.constant 9 : i32
    %add3A_331 = vector.broadcast %add3A_330 : i32 to vector<16xi32>
    %add3A_332 = arith.addi %mul3A_13, %add3A_331 : vector<16xi32>
    %gather3A_333 = tpu.vector_load_idx %arg12[%add3A_332] : memref<272xf32, #tpu.memory_space<vmem>>[vector<16xi32>], vector<16xf32>,
    %add3A_334 = arith.addf %add3A_329, %gather3A_333 : vector<16xf32>
    %add3A_335 = arith.constant 10 : i32
    %add3A_336 = vector.broadcast %add3A_335 : i32 to vector<16xi32>
    %add3A_337 = arith.addi %mul3A_13, %add3A_336 : vector<16xi32>
    %gather3A_338 = tpu.vector_load_idx %arg12[%add3A_337] : memref<272xf32, #tpu.memory_space<vmem>>[vector<16xi32>], vector<16xf32>,
    %add3A_339 = arith.addf %add3A_334, %gather3A_338 : vector<16xf32>
    %add3A_340 = arith.constant 11 : i32
    %add3A_341 = vector.broadcast %add3A_340 : i32 to vector<16xi32>
    %add3A_342 = arith.addi %mul3A_13, %add3A_341 : vector<16xi32>
    %gather3A_343 = tpu.vector_load_idx %arg12[%add3A_342] : memref<272xf32, #tpu.memory_space<vmem>>[vector<16xi32>], vector<16xf32>,
    %add3A_344 = arith.addf %add3A_339, %gather3A_343 : vector<16xf32>
    %add3A_345 = arith.constant 12 : i32
    %add3A_346 = vector.broadcast %add3A_345 : i32 to vector<16xi32>
    %add3A_347 = arith.addi %mul3A_13, %add3A_346 : vector<16xi32>
    %gather3A_348 = tpu.vector_load_idx %arg12[%add3A_347] : memref<272xf32, #tpu.memory_space<vmem>>[vector<16xi32>], vector<16xf32>,
    %add3A_349 = arith.addf %add3A_344, %gather3A_348 : vector<16xf32>
    %add3A_350 = arith.constant 13 : i32
    %add3A_351 = vector.broadcast %add3A_350 : i32 to vector<16xi32>
    %add3A_352 = arith.addi %mul3A_13, %add3A_351 : vector<16xi32>
    %gather3A_353 = tpu.vector_load_idx %arg12[%add3A_352] : memref<272xf32, #tpu.memory_space<vmem>>[vector<16xi32>], vector<16xf32>,
    %add3A_354 = arith.addf %add3A_349, %gather3A_353 : vector<16xf32>
    %add3A_355 = arith.constant 14 : i32
    %add3A_356 = vector.broadcast %add3A_355 : i32 to vector<16xi32>
    %add3A_357 = arith.addi %mul3A_13, %add3A_356 : vector<16xi32>
    %gather3A_358 = tpu.vector_load_idx %arg12[%add3A_357] : memref<272xf32, #tpu.memory_space<vmem>>[vector<16xi32>], vector<16xf32>,
    %add3A_359 = arith.addf %add3A_354, %gather3A_358 : vector<16xf32>
    %add3A_360 = arith.constant 15 : i32
    %add3A_361 = vector.broadcast %add3A_360 : i32 to vector<16xi32>
    %add3A_362 = arith.addi %mul3A_13, %add3A_361 : vector<16xi32>
    %gather3A_363 = tpu.vector_load_idx %arg12[%add3A_362] : memref<272xf32, #tpu.memory_space<vmem>>[vector<16xi32>], vector<16xf32>,
    %add3A_364 = arith.addf %add3A_359, %gather3A_363 : vector<16xf32>
    %add3A_365 = vector.broadcast %sub3A : f32 to vector<16xf32>
    %add3A_366 = arith.addf %add3A_364, %add3A_365 : vector<16xf32>
    %neg3A_367 = arith.constant 0.000000e+00 : f32
    %neg3A_368 = vector.broadcast %neg3A_367 : f32 to vector<16xf32>
    %neg3A_369 = arith.subf %neg3A_368, %add3A_366 : vector<16xf32>
    %exp3A_370 = math.exp %neg3A_369 : vector<16xf32>
    %add3A_371 = arith.constant 1.000000e+00 : f32
    %add3A_372 = vector.broadcast %add3A_371 : f32 to vector<16xf32>
    %add3A_373 = arith.addf %add3A_372, %exp3A_370 : vector<16xf32>
    %div3A_374 = arith.constant 1.000000e+00 : f32
    %div3A_375 = vector.broadcast %div3A_374 : f32 to vector<16xf32>
    %div3A_376 = arith.divf %div3A_375, %add3A_373 : vector<16xf32>
    %add3A_377 = arith.constant 16 : i32
    %add3A_378 = vector.broadcast %add3A_377 : i32 to vector<16xi32>
    %add3A_379 = arith.addi %add3A_378, %iota3A : vector<16xi32>
    %broadcast_in_dim3A_380 = arith.constant 0 : i32
    %broadcast_in_dim3A_381 = vector.broadcast %broadcast_in_dim3A_380 : i32 to vector<16xi32>
    tpu.vector_store_idx %arg13[%add3A_379, %broadcast_in_dim3A_381], %div3A_376 : memref<64x2xf32, #tpu.memory_space<vmem>>[vector<16xi32>, vector<16xi32>], vector<16xf32>,
    %add3A_382 = arith.constant 1 : i32
    %add3A_383 = vector.broadcast %add3A_382 : i32 to vector<16xi32>
    %add3A_384 = arith.addi %broadcast_in_dim3A_381, %add3A_383 : vector<16xi32>
    %sub3A_385 = arith.constant 1.000000e+00 : f32
    %sub3A_386 = vector.broadcast %sub3A_385 : f32 to vector<16xf32>
    %sub3A_387 = arith.subf %sub3A_386, %div3A_376 : vector<16xf32>
    tpu.vector_store_idx %arg13[%add3A_379, %add3A_384], %sub3A_387 : memref<64x2xf32, #tpu.memory_space<vmem>>[vector<16xi32>, vector<16xi32>], vector<16xf32>,
    %add3A_388 = arith.constant 32 : i32
    %add3A_389 = arith.addi %add3A_4, %add3A_388 : i32
    %dma_wait3A_390 = arith.constant 0 : i32
    %dma_wait3A_391 = tpu.memref_slice %arg2[%add3A_389, %dma_wait3A_390] : memref<8192x2048xf32, #tpu.memory_space<hbm>> -> memref<16x2048xf32, #tpu.memory_space<hbm>>
    %dma_wait3A_392 = arith.constant 0 : i32
    %dma_wait3A_393 = tpu.memref_slice %arg2[%add3A_389, %dma_wait3A_392] : memref<8192x2048xf32, #tpu.memory_space<hbm>> -> memref<16x2048xf32, #tpu.memory_space<hbm>>
    tpu.wait_dma2 semaphore(%arg16 : memref<!tpu.dma_semaphore, #tpu.memory_space<semaphore_mem>>) src(%dma_wait3A_393 : memref<16x2048xf32, #tpu.memory_space<hbm>>) dst(%arg11 : memref<16x2048xf32, #tpu.memory_space<vmem>>)
    %broadcast_in_dim3A_394 = arith.constant 0.000000e+00 : f32
    %broadcast_in_dim3A_395 = vector.broadcast %broadcast_in_dim3A_394 : f32 to vector<16xf32>
    %broadcast_in_dim3A_396 = arith.constant 0.000000e+00 : f32
    %broadcast_in_dim3A_397 = vector.broadcast %broadcast_in_dim3A_396 : f32 to vector<16xf32>
    %broadcast_in_dim3A_398 = arith.constant 0.000000e+00 : f32
    %broadcast_in_dim3A_399 = vector.broadcast %broadcast_in_dim3A_398 : f32 to vector<16xf32>
    %broadcast_in_dim3A_400 = arith.constant 0.000000e+00 : f32
    %broadcast_in_dim3A_401 = vector.broadcast %broadcast_in_dim3A_400 : f32 to vector<16xf32>
    %broadcast_in_dim3A_402 = arith.constant 0.000000e+00 : f32
    %broadcast_in_dim3A_403 = vector.broadcast %broadcast_in_dim3A_402 : f32 to vector<16xf32>
    %broadcast_in_dim3A_404 = arith.constant 0.000000e+00 : f32
    %broadcast_in_dim3A_405 = vector.broadcast %broadcast_in_dim3A_404 : f32 to vector<16xf32>
    %broadcast_in_dim3A_406 = arith.constant 0.000000e+00 : f32
    %broadcast_in_dim3A_407 = vector.broadcast %broadcast_in_dim3A_406 : f32 to vector<16xf32>
    %broadcast_in_dim3A_408 = arith.constant 0.000000e+00 : f32
    %broadcast_in_dim3A_409 = vector.broadcast %broadcast_in_dim3A_408 : f32 to vector<16xf32>
    %broadcast_in_dim3A_410 = arith.constant 0.000000e+00 : f32
    %broadcast_in_dim3A_411 = vector.broadcast %broadcast_in_dim3A_410 : f32 to vector<16xf32>
    %broadcast_in_dim3A_412 = arith.constant 0.000000e+00 : f32
    %broadcast_in_dim3A_413 = vector.broadcast %broadcast_in_dim3A_412 : f32 to vector<16xf32>
    %broadcast_in_dim3A_414 = arith.constant 0.000000e+00 : f32
    %broadcast_in_dim3A_415 = vector.broadcast %broadcast_in_dim3A_414 : f32 to vector<16xf32>
    %broadcast_in_dim3A_416 = arith.constant 0.000000e+00 : f32
    %broadcast_in_dim3A_417 = vector.broadcast %broadcast_in_dim3A_416 : f32 to vector<16xf32>
    %broadcast_in_dim3A_418 = arith.constant 0.000000e+00 : f32
    %broadcast_in_dim3A_419 = vector.broadcast %broadcast_in_dim3A_418 : f32 to vector<16xf32>
    %broadcast_in_dim3A_420 = arith.constant 0.000000e+00 : f32
    %broadcast_in_dim3A_421 = vector.broadcast %broadcast_in_dim3A_420 : f32 to vector<16xf32>
    %broadcast_in_dim3A_422 = arith.constant 0.000000e+00 : f32
    %broadcast_in_dim3A_423 = vector.broadcast %broadcast_in_dim3A_422 : f32 to vector<16xf32>
    %broadcast_in_dim3A_424 = arith.constant 0.000000e+00 : f32
    %broadcast_in_dim3A_425 = vector.broadcast %broadcast_in_dim3A_424 : f32 to vector<16xf32>
    %parallel_loop3A_426 = arith.constant 0 : i32
    %parallel_loop3A_427 = arith.constant 2048 : i32
    %parallel_loop3A_428 = arith.constant 16 : i32
    %parallel_loop3A_429:16 = scf.for %parallel_loop3A_748 = %parallel_loop3A_426 to %parallel_loop3A_427 step %parallel_loop3A_428 iter_args(%parallel_loop3A_749 = %broadcast_in_dim3A_395, %parallel_loop3A_750 = %broadcast_in_dim3A_397, %parallel_loop3A_751 = %broadcast_in_dim3A_399, %parallel_loop3A_752 = %broadcast_in_dim3A_401, %parallel_loop3A_753 = %broadcast_in_dim3A_403, %parallel_loop3A_754 = %broadcast_in_dim3A_405, %parallel_loop3A_755 = %broadcast_in_dim3A_407, %parallel_loop3A_756 = %broadcast_in_dim3A_409, %parallel_loop3A_757 = %broadcast_in_dim3A_411, %parallel_loop3A_758 = %broadcast_in_dim3A_413, %parallel_loop3A_759 = %broadcast_in_dim3A_415, %parallel_loop3A_760 = %broadcast_in_dim3A_417, %parallel_loop3A_761 = %broadcast_in_dim3A_419, %parallel_loop3A_762 = %broadcast_in_dim3A_421, %parallel_loop3A_763 = %broadcast_in_dim3A_423, %parallel_loop3A_764 = %broadcast_in_dim3A_425) -> (vector<16xf32>, vector<16xf32>, vector<16xf32>, vector<16xf32>, vector<16xf32>, vector<16xf32>, vector<16xf32>, vector<16xf32>, vector<16xf32>, vector<16xf32>, vector<16xf32>, vector<16xf32>, vector<16xf32>, vector<16xf32>, vector<16xf32>, vector<16xf32>)  : i32 {
      %parallel_loop3A_765 = arith.index_cast %parallel_loop3A_748 : i32 to index
      %parallel_loop3A_766 = tpu.vector_load %arg8[%parallel_loop3A_765] {strides = array<i32>} : memref<2048xf32, #tpu.memory_space<vmem>>, vector<16xf32>,
      %parallel_loop3A_767 = arith.constant 0 : i32
      %parallel_loop3A_768 = arith.index_cast %parallel_loop3A_767 : i32 to index
      %parallel_loop3A_769 = arith.index_cast %parallel_loop3A_748 : i32 to index
      %parallel_loop3A_770 = tpu.vector_load %arg11[%parallel_loop3A_768, %parallel_loop3A_769] {strides = array<i32>} : memref<16x2048xf32, #tpu.memory_space<vmem>>, vector<16xf32>,
      %parallel_loop3A_771 = arith.mulf %parallel_loop3A_770, %parallel_loop3A_766 : vector<16xf32>
      %parallel_loop3A_772 = arith.addf %parallel_loop3A_749, %parallel_loop3A_771 : vector<16xf32>
      %parallel_loop3A_773 = arith.constant 1 : i32
      %parallel_loop3A_774 = arith.index_cast %parallel_loop3A_773 : i32 to index
      %parallel_loop3A_775 = arith.index_cast %parallel_loop3A_748 : i32 to index
      %parallel_loop3A_776 = tpu.vector_load %arg11[%parallel_loop3A_774, %parallel_loop3A_775] {strides = array<i32>} : memref<16x2048xf32, #tpu.memory_space<vmem>>, vector<16xf32>,
      %parallel_loop3A_777 = arith.mulf %parallel_loop3A_776, %parallel_loop3A_766 : vector<16xf32>
      %parallel_loop3A_778 = arith.addf %parallel_loop3A_750, %parallel_loop3A_777 : vector<16xf32>
      %parallel_loop3A_779 = arith.constant 2 : i32
      %parallel_loop3A_780 = arith.index_cast %parallel_loop3A_779 : i32 to index
      %parallel_loop3A_781 = arith.index_cast %parallel_loop3A_748 : i32 to index
      %parallel_loop3A_782 = tpu.vector_load %arg11[%parallel_loop3A_780, %parallel_loop3A_781] {strides = array<i32>} : memref<16x2048xf32, #tpu.memory_space<vmem>>, vector<16xf32>,
      %parallel_loop3A_783 = arith.mulf %parallel_loop3A_782, %parallel_loop3A_766 : vector<16xf32>
      %parallel_loop3A_784 = arith.addf %parallel_loop3A_751, %parallel_loop3A_783 : vector<16xf32>
      %parallel_loop3A_785 = arith.constant 3 : i32
      %parallel_loop3A_786 = arith.index_cast %parallel_loop3A_785 : i32 to index
      %parallel_loop3A_787 = arith.index_cast %parallel_loop3A_748 : i32 to index
      %parallel_loop3A_788 = tpu.vector_load %arg11[%parallel_loop3A_786, %parallel_loop3A_787] {strides = array<i32>} : memref<16x2048xf32, #tpu.memory_space<vmem>>, vector<16xf32>,
      %parallel_loop3A_789 = arith.mulf %parallel_loop3A_788, %parallel_loop3A_766 : vector<16xf32>
      %parallel_loop3A_790 = arith.addf %parallel_loop3A_752, %parallel_loop3A_789 : vector<16xf32>
      %parallel_loop3A_791 = arith.constant 4 : i32
      %parallel_loop3A_792 = arith.index_cast %parallel_loop3A_791 : i32 to index
      %parallel_loop3A_793 = arith.index_cast %parallel_loop3A_748 : i32 to index
      %parallel_loop3A_794 = tpu.vector_load %arg11[%parallel_loop3A_792, %parallel_loop3A_793] {strides = array<i32>} : memref<16x2048xf32, #tpu.memory_space<vmem>>, vector<16xf32>,
      %parallel_loop3A_795 = arith.mulf %parallel_loop3A_794, %parallel_loop3A_766 : vector<16xf32>
      %parallel_loop3A_796 = arith.addf %parallel_loop3A_753, %parallel_loop3A_795 : vector<16xf32>
      %parallel_loop3A_797 = arith.constant 5 : i32
      %parallel_loop3A_798 = arith.index_cast %parallel_loop3A_797 : i32 to index
      %parallel_loop3A_799 = arith.index_cast %parallel_loop3A_748 : i32 to index
      %parallel_loop3A_800 = tpu.vector_load %arg11[%parallel_loop3A_798, %parallel_loop3A_799] {strides = array<i32>} : memref<16x2048xf32, #tpu.memory_space<vmem>>, vector<16xf32>,
      %parallel_loop3A_801 = arith.mulf %parallel_loop3A_800, %parallel_loop3A_766 : vector<16xf32>
      %parallel_loop3A_802 = arith.addf %parallel_loop3A_754, %parallel_loop3A_801 : vector<16xf32>
      %parallel_loop3A_803 = arith.constant 6 : i32
      %parallel_loop3A_804 = arith.index_cast %parallel_loop3A_803 : i32 to index
      %parallel_loop3A_805 = arith.index_cast %parallel_loop3A_748 : i32 to index
      %parallel_loop3A_806 = tpu.vector_load %arg11[%parallel_loop3A_804, %parallel_loop3A_805] {strides = array<i32>} : memref<16x2048xf32, #tpu.memory_space<vmem>>, vector<16xf32>,
      %parallel_loop3A_807 = arith.mulf %parallel_loop3A_806, %parallel_loop3A_766 : vector<16xf32>
      %parallel_loop3A_808 = arith.addf %parallel_loop3A_755, %parallel_loop3A_807 : vector<16xf32>
      %parallel_loop3A_809 = arith.constant 7 : i32
      %parallel_loop3A_810 = arith.index_cast %parallel_loop3A_809 : i32 to index
      %parallel_loop3A_811 = arith.index_cast %parallel_loop3A_748 : i32 to index
      %parallel_loop3A_812 = tpu.vector_load %arg11[%parallel_loop3A_810, %parallel_loop3A_811] {strides = array<i32>} : memref<16x2048xf32, #tpu.memory_space<vmem>>, vector<16xf32>,
      %parallel_loop3A_813 = arith.mulf %parallel_loop3A_812, %parallel_loop3A_766 : vector<16xf32>
      %parallel_loop3A_814 = arith.addf %parallel_loop3A_756, %parallel_loop3A_813 : vector<16xf32>
      %parallel_loop3A_815 = arith.constant 8 : i32
      %parallel_loop3A_816 = arith.index_cast %parallel_loop3A_815 : i32 to index
      %parallel_loop3A_817 = arith.index_cast %parallel_loop3A_748 : i32 to index
      %parallel_loop3A_818 = tpu.vector_load %arg11[%parallel_loop3A_816, %parallel_loop3A_817] {strides = array<i32>} : memref<16x2048xf32, #tpu.memory_space<vmem>>, vector<16xf32>,
      %parallel_loop3A_819 = arith.mulf %parallel_loop3A_818, %parallel_loop3A_766 : vector<16xf32>
      %parallel_loop3A_820 = arith.addf %parallel_loop3A_757, %parallel_loop3A_819 : vector<16xf32>
      %parallel_loop3A_821 = arith.constant 9 : i32
      %parallel_loop3A_822 = arith.index_cast %parallel_loop3A_821 : i32 to index
      %parallel_loop3A_823 = arith.index_cast %parallel_loop3A_748 : i32 to index
      %parallel_loop3A_824 = tpu.vector_load %arg11[%parallel_loop3A_822, %parallel_loop3A_823] {strides = array<i32>} : memref<16x2048xf32, #tpu.memory_space<vmem>>, vector<16xf32>,
      %parallel_loop3A_825 = arith.mulf %parallel_loop3A_824, %parallel_loop3A_766 : vector<16xf32>
      %parallel_loop3A_826 = arith.addf %parallel_loop3A_758, %parallel_loop3A_825 : vector<16xf32>
      %parallel_loop3A_827 = arith.constant 10 : i32
      %parallel_loop3A_828 = arith.index_cast %parallel_loop3A_827 : i32 to index
      %parallel_loop3A_829 = arith.index_cast %parallel_loop3A_748 : i32 to index
      %parallel_loop3A_830 = tpu.vector_load %arg11[%parallel_loop3A_828, %parallel_loop3A_829] {strides = array<i32>} : memref<16x2048xf32, #tpu.memory_space<vmem>>, vector<16xf32>,
      %parallel_loop3A_831 = arith.mulf %parallel_loop3A_830, %parallel_loop3A_766 : vector<16xf32>
      %parallel_loop3A_832 = arith.addf %parallel_loop3A_759, %parallel_loop3A_831 : vector<16xf32>
      %parallel_loop3A_833 = arith.constant 11 : i32
      %parallel_loop3A_834 = arith.index_cast %parallel_loop3A_833 : i32 to index
      %parallel_loop3A_835 = arith.index_cast %parallel_loop3A_748 : i32 to index
      %parallel_loop3A_836 = tpu.vector_load %arg11[%parallel_loop3A_834, %parallel_loop3A_835] {strides = array<i32>} : memref<16x2048xf32, #tpu.memory_space<vmem>>, vector<16xf32>,
      %parallel_loop3A_837 = arith.mulf %parallel_loop3A_836, %parallel_loop3A_766 : vector<16xf32>
      %parallel_loop3A_838 = arith.addf %parallel_loop3A_760, %parallel_loop3A_837 : vector<16xf32>
      %parallel_loop3A_839 = arith.constant 12 : i32
      %parallel_loop3A_840 = arith.index_cast %parallel_loop3A_839 : i32 to index
      %parallel_loop3A_841 = arith.index_cast %parallel_loop3A_748 : i32 to index
      %parallel_loop3A_842 = tpu.vector_load %arg11[%parallel_loop3A_840, %parallel_loop3A_841] {strides = array<i32>} : memref<16x2048xf32, #tpu.memory_space<vmem>>, vector<16xf32>,
      %parallel_loop3A_843 = arith.mulf %parallel_loop3A_842, %parallel_loop3A_766 : vector<16xf32>
      %parallel_loop3A_844 = arith.addf %parallel_loop3A_761, %parallel_loop3A_843 : vector<16xf32>
      %parallel_loop3A_845 = arith.constant 13 : i32
      %parallel_loop3A_846 = arith.index_cast %parallel_loop3A_845 : i32 to index
      %parallel_loop3A_847 = arith.index_cast %parallel_loop3A_748 : i32 to index
      %parallel_loop3A_848 = tpu.vector_load %arg11[%parallel_loop3A_846, %parallel_loop3A_847] {strides = array<i32>} : memref<16x2048xf32, #tpu.memory_space<vmem>>, vector<16xf32>,
      %parallel_loop3A_849 = arith.mulf %parallel_loop3A_848, %parallel_loop3A_766 : vector<16xf32>
      %parallel_loop3A_850 = arith.addf %parallel_loop3A_762, %parallel_loop3A_849 : vector<16xf32>
      %parallel_loop3A_851 = arith.constant 14 : i32
      %parallel_loop3A_852 = arith.index_cast %parallel_loop3A_851 : i32 to index
      %parallel_loop3A_853 = arith.index_cast %parallel_loop3A_748 : i32 to index
      %parallel_loop3A_854 = tpu.vector_load %arg11[%parallel_loop3A_852, %parallel_loop3A_853] {strides = array<i32>} : memref<16x2048xf32, #tpu.memory_space<vmem>>, vector<16xf32>,
      %parallel_loop3A_855 = arith.mulf %parallel_loop3A_854, %parallel_loop3A_766 : vector<16xf32>
      %parallel_loop3A_856 = arith.addf %parallel_loop3A_763, %parallel_loop3A_855 : vector<16xf32>
      %parallel_loop3A_857 = arith.constant 15 : i32
      %parallel_loop3A_858 = arith.index_cast %parallel_loop3A_857 : i32 to index
      %parallel_loop3A_859 = arith.index_cast %parallel_loop3A_748 : i32 to index
      %parallel_loop3A_860 = tpu.vector_load %arg11[%parallel_loop3A_858, %parallel_loop3A_859] {strides = array<i32>} : memref<16x2048xf32, #tpu.memory_space<vmem>>, vector<16xf32>,
      %parallel_loop3A_861 = arith.mulf %parallel_loop3A_860, %parallel_loop3A_766 : vector<16xf32>
      %parallel_loop3A_862 = arith.addf %parallel_loop3A_764, %parallel_loop3A_861 : vector<16xf32>
      scf.yield %parallel_loop3A_772, %parallel_loop3A_778, %parallel_loop3A_784, %parallel_loop3A_790, %parallel_loop3A_796, %parallel_loop3A_802, %parallel_loop3A_808, %parallel_loop3A_814, %parallel_loop3A_820, %parallel_loop3A_826, %parallel_loop3A_832, %parallel_loop3A_838, %parallel_loop3A_844, %parallel_loop3A_850, %parallel_loop3A_856, %parallel_loop3A_862 : vector<16xf32>, vector<16xf32>, vector<16xf32>, vector<16xf32>, vector<16xf32>, vector<16xf32>, vector<16xf32>, vector<16xf32>, vector<16xf32>, vector<16xf32>, vector<16xf32>, vector<16xf32>, vector<16xf32>, vector<16xf32>, vector<16xf32>, vector<16xf32>
    } {sc.loop_unroll_factor = 2 : i64, sc.parallel_access}
    %swap3A_430 = arith.constant 0 : index
    %swap3A_431 = tpu.vector_load %arg12[%swap3A_430] {strides = array<i32>} : memref<272xf32, #tpu.memory_space<vmem>>, vector<16xf32>,
    tpu.vector_store %arg12[%swap3A_430], %parallel_loop3A_429#0 {strides = array<i32>} : memref<272xf32, #tpu.memory_space<vmem>>, vector<16xf32>,
    %swap3A_432 = arith.constant 17 : index
    %swap3A_433 = tpu.vector_load %arg12[%swap3A_432] {strides = array<i32>} : memref<272xf32, #tpu.memory_space<vmem>>, vector<16xf32>,
    tpu.vector_store %arg12[%swap3A_432], %parallel_loop3A_429#1 {strides = array<i32>} : memref<272xf32, #tpu.memory_space<vmem>>, vector<16xf32>,
    %swap3A_434 = arith.constant 34 : index
    %swap3A_435 = tpu.vector_load %arg12[%swap3A_434] {strides = array<i32>} : memref<272xf32, #tpu.memory_space<vmem>>, vector<16xf32>,
    tpu.vector_store %arg12[%swap3A_434], %parallel_loop3A_429#2 {strides = array<i32>} : memref<272xf32, #tpu.memory_space<vmem>>, vector<16xf32>,
    %swap3A_436 = arith.constant 51 : index
    %swap3A_437 = tpu.vector_load %arg12[%swap3A_436] {strides = array<i32>} : memref<272xf32, #tpu.memory_space<vmem>>, vector<16xf32>,
    tpu.vector_store %arg12[%swap3A_436], %parallel_loop3A_429#3 {strides = array<i32>} : memref<272xf32, #tpu.memory_space<vmem>>, vector<16xf32>,
    %swap3A_438 = arith.constant 68 : index
    %swap3A_439 = tpu.vector_load %arg12[%swap3A_438] {strides = array<i32>} : memref<272xf32, #tpu.memory_space<vmem>>, vector<16xf32>,
    tpu.vector_store %arg12[%swap3A_438], %parallel_loop3A_429#4 {strides = array<i32>} : memref<272xf32, #tpu.memory_space<vmem>>, vector<16xf32>,
    %swap3A_440 = arith.constant 85 : index
    %swap3A_441 = tpu.vector_load %arg12[%swap3A_440] {strides = array<i32>} : memref<272xf32, #tpu.memory_space<vmem>>, vector<16xf32>,
    tpu.vector_store %arg12[%swap3A_440], %parallel_loop3A_429#5 {strides = array<i32>} : memref<272xf32, #tpu.memory_space<vmem>>, vector<16xf32>,
    %swap3A_442 = arith.constant 102 : index
    %swap3A_443 = tpu.vector_load %arg12[%swap3A_442] {strides = array<i32>} : memref<272xf32, #tpu.memory_space<vmem>>, vector<16xf32>,
    tpu.vector_store %arg12[%swap3A_442], %parallel_loop3A_429#6 {strides = array<i32>} : memref<272xf32, #tpu.memory_space<vmem>>, vector<16xf32>,
    %swap3A_444 = arith.constant 119 : index
    %swap3A_445 = tpu.vector_load %arg12[%swap3A_444] {strides = array<i32>} : memref<272xf32, #tpu.memory_space<vmem>>, vector<16xf32>,
    tpu.vector_store %arg12[%swap3A_444], %parallel_loop3A_429#7 {strides = array<i32>} : memref<272xf32, #tpu.memory_space<vmem>>, vector<16xf32>,
    %swap3A_446 = arith.constant 136 : index
    %swap3A_447 = tpu.vector_load %arg12[%swap3A_446] {strides = array<i32>} : memref<272xf32, #tpu.memory_space<vmem>>, vector<16xf32>,
    tpu.vector_store %arg12[%swap3A_446], %parallel_loop3A_429#8 {strides = array<i32>} : memref<272xf32, #tpu.memory_space<vmem>>, vector<16xf32>,
    %swap3A_448 = arith.constant 153 : index
    %swap3A_449 = tpu.vector_load %arg12[%swap3A_448] {strides = array<i32>} : memref<272xf32, #tpu.memory_space<vmem>>, vector<16xf32>,
    tpu.vector_store %arg12[%swap3A_448], %parallel_loop3A_429#9 {strides = array<i32>} : memref<272xf32, #tpu.memory_space<vmem>>, vector<16xf32>,
    %swap3A_450 = arith.constant 170 : index
    %swap3A_451 = tpu.vector_load %arg12[%swap3A_450] {strides = array<i32>} : memref<272xf32, #tpu.memory_space<vmem>>, vector<16xf32>,
    tpu.vector_store %arg12[%swap3A_450], %parallel_loop3A_429#10 {strides = array<i32>} : memref<272xf32, #tpu.memory_space<vmem>>, vector<16xf32>,
    %swap3A_452 = arith.constant 187 : index
    %swap3A_453 = tpu.vector_load %arg12[%swap3A_452] {strides = array<i32>} : memref<272xf32, #tpu.memory_space<vmem>>, vector<16xf32>,
    tpu.vector_store %arg12[%swap3A_452], %parallel_loop3A_429#11 {strides = array<i32>} : memref<272xf32, #tpu.memory_space<vmem>>, vector<16xf32>,
    %swap3A_454 = arith.constant 204 : index
    %swap3A_455 = tpu.vector_load %arg12[%swap3A_454] {strides = array<i32>} : memref<272xf32, #tpu.memory_space<vmem>>, vector<16xf32>,
    tpu.vector_store %arg12[%swap3A_454], %parallel_loop3A_429#12 {strides = array<i32>} : memref<272xf32, #tpu.memory_space<vmem>>, vector<16xf32>,
    %swap3A_456 = arith.constant 221 : index
    %swap3A_457 = tpu.vector_load %arg12[%swap3A_456] {strides = array<i32>} : memref<272xf32, #tpu.memory_space<vmem>>, vector<16xf32>,
    tpu.vector_store %arg12[%swap3A_456], %parallel_loop3A_429#13 {strides = array<i32>} : memref<272xf32, #tpu.memory_space<vmem>>, vector<16xf32>,
    %swap3A_458 = arith.constant 238 : index
    %swap3A_459 = tpu.vector_load %arg12[%swap3A_458] {strides = array<i32>} : memref<272xf32, #tpu.memory_space<vmem>>, vector<16xf32>,
    tpu.vector_store %arg12[%swap3A_458], %parallel_loop3A_429#14 {strides = array<i32>} : memref<272xf32, #tpu.memory_space<vmem>>, vector<16xf32>,
    %swap3A_460 = arith.constant 255 : index
    %swap3A_461 = tpu.vector_load %arg12[%swap3A_460] {strides = array<i32>} : memref<272xf32, #tpu.memory_space<vmem>>, vector<16xf32>,
    tpu.vector_store %arg12[%swap3A_460], %parallel_loop3A_429#15 {strides = array<i32>} : memref<272xf32, #tpu.memory_space<vmem>>, vector<16xf32>,
    %broadcast_in_dim3A_462 = arith.constant 0.000000e+00 : f32
    %broadcast_in_dim3A_463 = vector.broadcast %broadcast_in_dim3A_462 : f32 to vector<16xf32>
    %add3A_464 = arith.constant 0 : i32
    %add3A_465 = vector.broadcast %add3A_464 : i32 to vector<16xi32>
    %add3A_466 = arith.addi %mul3A_13, %add3A_465 : vector<16xi32>
    %gather3A_467 = tpu.vector_load_idx %arg12[%add3A_466] : memref<272xf32, #tpu.memory_space<vmem>>[vector<16xi32>], vector<16xf32>,
    %add3A_468 = arith.addf %broadcast_in_dim3A_463, %gather3A_467 : vector<16xf32>
    %add3A_469 = arith.constant 1 : i32
    %add3A_470 = vector.broadcast %add3A_469 : i32 to vector<16xi32>
    %add3A_471 = arith.addi %mul3A_13, %add3A_470 : vector<16xi32>
    %gather3A_472 = tpu.vector_load_idx %arg12[%add3A_471] : memref<272xf32, #tpu.memory_space<vmem>>[vector<16xi32>], vector<16xf32>,
    %add3A_473 = arith.addf %add3A_468, %gather3A_472 : vector<16xf32>
    %add3A_474 = arith.constant 2 : i32
    %add3A_475 = vector.broadcast %add3A_474 : i32 to vector<16xi32>
    %add3A_476 = arith.addi %mul3A_13, %add3A_475 : vector<16xi32>
    %gather3A_477 = tpu.vector_load_idx %arg12[%add3A_476] : memref<272xf32, #tpu.memory_space<vmem>>[vector<16xi32>], vector<16xf32>,
    %add3A_478 = arith.addf %add3A_473, %gather3A_477 : vector<16xf32>
    %add3A_479 = arith.constant 3 : i32
    %add3A_480 = vector.broadcast %add3A_479 : i32 to vector<16xi32>
    %add3A_481 = arith.addi %mul3A_13, %add3A_480 : vector<16xi32>
    %gather3A_482 = tpu.vector_load_idx %arg12[%add3A_481] : memref<272xf32, #tpu.memory_space<vmem>>[vector<16xi32>], vector<16xf32>,
    %add3A_483 = arith.addf %add3A_478, %gather3A_482 : vector<16xf32>
    %add3A_484 = arith.constant 4 : i32
    %add3A_485 = vector.broadcast %add3A_484 : i32 to vector<16xi32>
    %add3A_486 = arith.addi %mul3A_13, %add3A_485 : vector<16xi32>
    %gather3A_487 = tpu.vector_load_idx %arg12[%add3A_486] : memref<272xf32, #tpu.memory_space<vmem>>[vector<16xi32>], vector<16xf32>,
    %add3A_488 = arith.addf %add3A_483, %gather3A_487 : vector<16xf32>
    %add3A_489 = arith.constant 5 : i32
    %add3A_490 = vector.broadcast %add3A_489 : i32 to vector<16xi32>
    %add3A_491 = arith.addi %mul3A_13, %add3A_490 : vector<16xi32>
    %gather3A_492 = tpu.vector_load_idx %arg12[%add3A_491] : memref<272xf32, #tpu.memory_space<vmem>>[vector<16xi32>], vector<16xf32>,
    %add3A_493 = arith.addf %add3A_488, %gather3A_492 : vector<16xf32>
    %add3A_494 = arith.constant 6 : i32
    %add3A_495 = vector.broadcast %add3A_494 : i32 to vector<16xi32>
    %add3A_496 = arith.addi %mul3A_13, %add3A_495 : vector<16xi32>
    %gather3A_497 = tpu.vector_load_idx %arg12[%add3A_496] : memref<272xf32, #tpu.memory_space<vmem>>[vector<16xi32>], vector<16xf32>,
    %add3A_498 = arith.addf %add3A_493, %gather3A_497 : vector<16xf32>
    %add3A_499 = arith.constant 7 : i32
    %add3A_500 = vector.broadcast %add3A_499 : i32 to vector<16xi32>
    %add3A_501 = arith.addi %mul3A_13, %add3A_500 : vector<16xi32>
    %gather3A_502 = tpu.vector_load_idx %arg12[%add3A_501] : memref<272xf32, #tpu.memory_space<vmem>>[vector<16xi32>], vector<16xf32>,
    %add3A_503 = arith.addf %add3A_498, %gather3A_502 : vector<16xf32>
    %add3A_504 = arith.constant 8 : i32
    %add3A_505 = vector.broadcast %add3A_504 : i32 to vector<16xi32>
    %add3A_506 = arith.addi %mul3A_13, %add3A_505 : vector<16xi32>
    %gather3A_507 = tpu.vector_load_idx %arg12[%add3A_506] : memref<272xf32, #tpu.memory_space<vmem>>[vector<16xi32>], vector<16xf32>,
    %add3A_508 = arith.addf %add3A_503, %gather3A_507 : vector<16xf32>
    %add3A_509 = arith.constant 9 : i32
    %add3A_510 = vector.broadcast %add3A_509 : i32 to vector<16xi32>
    %add3A_511 = arith.addi %mul3A_13, %add3A_510 : vector<16xi32>
    %gather3A_512 = tpu.vector_load_idx %arg12[%add3A_511] : memref<272xf32, #tpu.memory_space<vmem>>[vector<16xi32>], vector<16xf32>,
    %add3A_513 = arith.addf %add3A_508, %gather3A_512 : vector<16xf32>
    %add3A_514 = arith.constant 10 : i32
    %add3A_515 = vector.broadcast %add3A_514 : i32 to vector<16xi32>
    %add3A_516 = arith.addi %mul3A_13, %add3A_515 : vector<16xi32>
    %gather3A_517 = tpu.vector_load_idx %arg12[%add3A_516] : memref<272xf32, #tpu.memory_space<vmem>>[vector<16xi32>], vector<16xf32>,
    %add3A_518 = arith.addf %add3A_513, %gather3A_517 : vector<16xf32>
    %add3A_519 = arith.constant 11 : i32
    %add3A_520 = vector.broadcast %add3A_519 : i32 to vector<16xi32>
    %add3A_521 = arith.addi %mul3A_13, %add3A_520 : vector<16xi32>
    %gather3A_522 = tpu.vector_load_idx %arg12[%add3A_521] : memref<272xf32, #tpu.memory_space<vmem>>[vector<16xi32>], vector<16xf32>,
    %add3A_523 = arith.addf %add3A_518, %gather3A_522 : vector<16xf32>
    %add3A_524 = arith.constant 12 : i32
    %add3A_525 = vector.broadcast %add3A_524 : i32 to vector<16xi32>
    %add3A_526 = arith.addi %mul3A_13, %add3A_525 : vector<16xi32>
    %gather3A_527 = tpu.vector_load_idx %arg12[%add3A_526] : memref<272xf32, #tpu.memory_space<vmem>>[vector<16xi32>], vector<16xf32>,
    %add3A_528 = arith.addf %add3A_523, %gather3A_527 : vector<16xf32>
    %add3A_529 = arith.constant 13 : i32
    %add3A_530 = vector.broadcast %add3A_529 : i32 to vector<16xi32>
    %add3A_531 = arith.addi %mul3A_13, %add3A_530 : vector<16xi32>
    %gather3A_532 = tpu.vector_load_idx %arg12[%add3A_531] : memref<272xf32, #tpu.memory_space<vmem>>[vector<16xi32>], vector<16xf32>,
    %add3A_533 = arith.addf %add3A_528, %gather3A_532 : vector<16xf32>
    %add3A_534 = arith.constant 14 : i32
    %add3A_535 = vector.broadcast %add3A_534 : i32 to vector<16xi32>
    %add3A_536 = arith.addi %mul3A_13, %add3A_535 : vector<16xi32>
    %gather3A_537 = tpu.vector_load_idx %arg12[%add3A_536] : memref<272xf32, #tpu.memory_space<vmem>>[vector<16xi32>], vector<16xf32>,
    %add3A_538 = arith.addf %add3A_533, %gather3A_537 : vector<16xf32>
    %add3A_539 = arith.constant 15 : i32
    %add3A_540 = vector.broadcast %add3A_539 : i32 to vector<16xi32>
    %add3A_541 = arith.addi %mul3A_13, %add3A_540 : vector<16xi32>
    %gather3A_542 = tpu.vector_load_idx %arg12[%add3A_541] : memref<272xf32, #tpu.memory_space<vmem>>[vector<16xi32>], vector<16xf32>,
    %add3A_543 = arith.addf %add3A_538, %gather3A_542 : vector<16xf32>
    %add3A_544 = vector.broadcast %sub3A : f32 to vector<16xf32>
    %add3A_545 = arith.addf %add3A_543, %add3A_544 : vector<16xf32>
    %neg3A_546 = arith.constant 0.000000e+00 : f32
    %neg3A_547 = vector.broadcast %neg3A_546 : f32 to vector<16xf32>
    %neg3A_548 = arith.subf %neg3A_547, %add3A_545 : vector<16xf32>
    %exp3A_549 = math.exp %neg3A_548 : vector<16xf32>
    %add3A_550 = arith.constant 1.000000e+00 : f32
    %add3A_551 = vector.broadcast %add3A_550 : f32 to vector<16xf32>
    %add3A_552 = arith.addf %add3A_551, %exp3A_549 : vector<16xf32>
    %div3A_553 = arith.constant 1.000000e+00 : f32
    %div3A_554 = vector.broadcast %div3A_553 : f32 to vector<16xf32>
    %div3A_555 = arith.divf %div3A_554, %add3A_552 : vector<16xf32>
    %add3A_556 = arith.constant 32 : i32
    %add3A_557 = vector.broadcast %add3A_556 : i32 to vector<16xi32>
    %add3A_558 = arith.addi %add3A_557, %iota3A : vector<16xi32>
    %broadcast_in_dim3A_559 = arith.constant 0 : i32
    %broadcast_in_dim3A_560 = vector.broadcast %broadcast_in_dim3A_559 : i32 to vector<16xi32>
    tpu.vector_store_idx %arg13[%add3A_558, %broadcast_in_dim3A_560], %div3A_555 : memref<64x2xf32, #tpu.memory_space<vmem>>[vector<16xi32>, vector<16xi32>], vector<16xf32>,
    %add3A_561 = arith.constant 1 : i32
    %add3A_562 = vector.broadcast %add3A_561 : i32 to vector<16xi32>
    %add3A_563 = arith.addi %broadcast_in_dim3A_560, %add3A_562 : vector<16xi32>
    %sub3A_564 = arith.constant 1.000000e+00 : f32
    %sub3A_565 = vector.broadcast %sub3A_564 : f32 to vector<16xf32>
    %sub3A_566 = arith.subf %sub3A_565, %div3A_555 : vector<16xf32>
    tpu.vector_store_idx %arg13[%add3A_558, %add3A_563], %sub3A_566 : memref<64x2xf32, #tpu.memory_space<vmem>>[vector<16xi32>, vector<16xi32>], vector<16xf32>,
    %add3A_567 = arith.constant 48 : i32
    %add3A_568 = arith.addi %add3A_4, %add3A_567 : i32
    %dma_wait3A_569 = arith.constant 0 : i32
    %dma_wait3A_570 = tpu.memref_slice %arg2[%add3A_568, %dma_wait3A_569] : memref<8192x2048xf32, #tpu.memory_space<hbm>> -> memref<16x2048xf32, #tpu.memory_space<hbm>>
    %dma_wait3A_571 = arith.constant 0 : i32
    %dma_wait3A_572 = tpu.memref_slice %arg2[%add3A_568, %dma_wait3A_571] : memref<8192x2048xf32, #tpu.memory_space<hbm>> -> memref<16x2048xf32, #tpu.memory_space<hbm>>
    tpu.wait_dma2 semaphore(%arg14 : memref<!tpu.dma_semaphore, #tpu.memory_space<semaphore_mem>>) src(%dma_wait3A_572 : memref<16x2048xf32, #tpu.memory_space<hbm>>) dst(%arg9 : memref<16x2048xf32, #tpu.memory_space<vmem>>)
    %broadcast_in_dim3A_573 = arith.constant 0.000000e+00 : f32
    %broadcast_in_dim3A_574 = vector.broadcast %broadcast_in_dim3A_573 : f32 to vector<16xf32>
    %broadcast_in_dim3A_575 = arith.constant 0.000000e+00 : f32
    %broadcast_in_dim3A_576 = vector.broadcast %broadcast_in_dim3A_575 : f32 to vector<16xf32>
    %broadcast_in_dim3A_577 = arith.constant 0.000000e+00 : f32
    %broadcast_in_dim3A_578 = vector.broadcast %broadcast_in_dim3A_577 : f32 to vector<16xf32>
    %broadcast_in_dim3A_579 = arith.constant 0.000000e+00 : f32
    %broadcast_in_dim3A_580 = vector.broadcast %broadcast_in_dim3A_579 : f32 to vector<16xf32>
    %broadcast_in_dim3A_581 = arith.constant 0.000000e+00 : f32
    %broadcast_in_dim3A_582 = vector.broadcast %broadcast_in_dim3A_581 : f32 to vector<16xf32>
    %broadcast_in_dim3A_583 = arith.constant 0.000000e+00 : f32
    %broadcast_in_dim3A_584 = vector.broadcast %broadcast_in_dim3A_583 : f32 to vector<16xf32>
    %broadcast_in_dim3A_585 = arith.constant 0.000000e+00 : f32
    %broadcast_in_dim3A_586 = vector.broadcast %broadcast_in_dim3A_585 : f32 to vector<16xf32>
    %broadcast_in_dim3A_587 = arith.constant 0.000000e+00 : f32
    %broadcast_in_dim3A_588 = vector.broadcast %broadcast_in_dim3A_587 : f32 to vector<16xf32>
    %broadcast_in_dim3A_589 = arith.constant 0.000000e+00 : f32
    %broadcast_in_dim3A_590 = vector.broadcast %broadcast_in_dim3A_589 : f32 to vector<16xf32>
    %broadcast_in_dim3A_591 = arith.constant 0.000000e+00 : f32
    %broadcast_in_dim3A_592 = vector.broadcast %broadcast_in_dim3A_591 : f32 to vector<16xf32>
    %broadcast_in_dim3A_593 = arith.constant 0.000000e+00 : f32
    %broadcast_in_dim3A_594 = vector.broadcast %broadcast_in_dim3A_593 : f32 to vector<16xf32>
    %broadcast_in_dim3A_595 = arith.constant 0.000000e+00 : f32
    %broadcast_in_dim3A_596 = vector.broadcast %broadcast_in_dim3A_595 : f32 to vector<16xf32>
    %broadcast_in_dim3A_597 = arith.constant 0.000000e+00 : f32
    %broadcast_in_dim3A_598 = vector.broadcast %broadcast_in_dim3A_597 : f32 to vector<16xf32>
    %broadcast_in_dim3A_599 = arith.constant 0.000000e+00 : f32
    %broadcast_in_dim3A_600 = vector.broadcast %broadcast_in_dim3A_599 : f32 to vector<16xf32>
    %broadcast_in_dim3A_601 = arith.constant 0.000000e+00 : f32
    %broadcast_in_dim3A_602 = vector.broadcast %broadcast_in_dim3A_601 : f32 to vector<16xf32>
    %broadcast_in_dim3A_603 = arith.constant 0.000000e+00 : f32
    %broadcast_in_dim3A_604 = vector.broadcast %broadcast_in_dim3A_603 : f32 to vector<16xf32>
    %parallel_loop3A_605 = arith.constant 0 : i32
    %parallel_loop3A_606 = arith.constant 2048 : i32
    %parallel_loop3A_607 = arith.constant 16 : i32
    %parallel_loop3A_608:16 = scf.for %parallel_loop3A_748 = %parallel_loop3A_605 to %parallel_loop3A_606 step %parallel_loop3A_607 iter_args(%parallel_loop3A_749 = %broadcast_in_dim3A_574, %parallel_loop3A_750 = %broadcast_in_dim3A_576, %parallel_loop3A_751 = %broadcast_in_dim3A_578, %parallel_loop3A_752 = %broadcast_in_dim3A_580, %parallel_loop3A_753 = %broadcast_in_dim3A_582, %parallel_loop3A_754 = %broadcast_in_dim3A_584, %parallel_loop3A_755 = %broadcast_in_dim3A_586, %parallel_loop3A_756 = %broadcast_in_dim3A_588, %parallel_loop3A_757 = %broadcast_in_dim3A_590, %parallel_loop3A_758 = %broadcast_in_dim3A_592, %parallel_loop3A_759 = %broadcast_in_dim3A_594, %parallel_loop3A_760 = %broadcast_in_dim3A_596, %parallel_loop3A_761 = %broadcast_in_dim3A_598, %parallel_loop3A_762 = %broadcast_in_dim3A_600, %parallel_loop3A_763 = %broadcast_in_dim3A_602, %parallel_loop3A_764 = %broadcast_in_dim3A_604) -> (vector<16xf32>, vector<16xf32>, vector<16xf32>, vector<16xf32>, vector<16xf32>, vector<16xf32>, vector<16xf32>, vector<16xf32>, vector<16xf32>, vector<16xf32>, vector<16xf32>, vector<16xf32>, vector<16xf32>, vector<16xf32>, vector<16xf32>, vector<16xf32>)  : i32 {
      %parallel_loop3A_765 = arith.index_cast %parallel_loop3A_748 : i32 to index
      %parallel_loop3A_766 = tpu.vector_load %arg8[%parallel_loop3A_765] {strides = array<i32>} : memref<2048xf32, #tpu.memory_space<vmem>>, vector<16xf32>,
      %parallel_loop3A_767 = arith.constant 0 : i32
      %parallel_loop3A_768 = arith.index_cast %parallel_loop3A_767 : i32 to index
      %parallel_loop3A_769 = arith.index_cast %parallel_loop3A_748 : i32 to index
      %parallel_loop3A_770 = tpu.vector_load %arg9[%parallel_loop3A_768, %parallel_loop3A_769] {strides = array<i32>} : memref<16x2048xf32, #tpu.memory_space<vmem>>, vector<16xf32>,
      %parallel_loop3A_771 = arith.mulf %parallel_loop3A_770, %parallel_loop3A_766 : vector<16xf32>
      %parallel_loop3A_772 = arith.addf %parallel_loop3A_749, %parallel_loop3A_771 : vector<16xf32>
      %parallel_loop3A_773 = arith.constant 1 : i32
      %parallel_loop3A_774 = arith.index_cast %parallel_loop3A_773 : i32 to index
      %parallel_loop3A_775 = arith.index_cast %parallel_loop3A_748 : i32 to index
      %parallel_loop3A_776 = tpu.vector_load %arg9[%parallel_loop3A_774, %parallel_loop3A_775] {strides = array<i32>} : memref<16x2048xf32, #tpu.memory_space<vmem>>, vector<16xf32>,
      %parallel_loop3A_777 = arith.mulf %parallel_loop3A_776, %parallel_loop3A_766 : vector<16xf32>
      %parallel_loop3A_778 = arith.addf %parallel_loop3A_750, %parallel_loop3A_777 : vector<16xf32>
      %parallel_loop3A_779 = arith.constant 2 : i32
      %parallel_loop3A_780 = arith.index_cast %parallel_loop3A_779 : i32 to index
      %parallel_loop3A_781 = arith.index_cast %parallel_loop3A_748 : i32 to index
      %parallel_loop3A_782 = tpu.vector_load %arg9[%parallel_loop3A_780, %parallel_loop3A_781] {strides = array<i32>} : memref<16x2048xf32, #tpu.memory_space<vmem>>, vector<16xf32>,
      %parallel_loop3A_783 = arith.mulf %parallel_loop3A_782, %parallel_loop3A_766 : vector<16xf32>
      %parallel_loop3A_784 = arith.addf %parallel_loop3A_751, %parallel_loop3A_783 : vector<16xf32>
      %parallel_loop3A_785 = arith.constant 3 : i32
      %parallel_loop3A_786 = arith.index_cast %parallel_loop3A_785 : i32 to index
      %parallel_loop3A_787 = arith.index_cast %parallel_loop3A_748 : i32 to index
      %parallel_loop3A_788 = tpu.vector_load %arg9[%parallel_loop3A_786, %parallel_loop3A_787] {strides = array<i32>} : memref<16x2048xf32, #tpu.memory_space<vmem>>, vector<16xf32>,
      %parallel_loop3A_789 = arith.mulf %parallel_loop3A_788, %parallel_loop3A_766 : vector<16xf32>
      %parallel_loop3A_790 = arith.addf %parallel_loop3A_752, %parallel_loop3A_789 : vector<16xf32>
      %parallel_loop3A_791 = arith.constant 4 : i32
      %parallel_loop3A_792 = arith.index_cast %parallel_loop3A_791 : i32 to index
      %parallel_loop3A_793 = arith.index_cast %parallel_loop3A_748 : i32 to index
      %parallel_loop3A_794 = tpu.vector_load %arg9[%parallel_loop3A_792, %parallel_loop3A_793] {strides = array<i32>} : memref<16x2048xf32, #tpu.memory_space<vmem>>, vector<16xf32>,
      %parallel_loop3A_795 = arith.mulf %parallel_loop3A_794, %parallel_loop3A_766 : vector<16xf32>
      %parallel_loop3A_796 = arith.addf %parallel_loop3A_753, %parallel_loop3A_795 : vector<16xf32>
      %parallel_loop3A_797 = arith.constant 5 : i32
      %parallel_loop3A_798 = arith.index_cast %parallel_loop3A_797 : i32 to index
      %parallel_loop3A_799 = arith.index_cast %parallel_loop3A_748 : i32 to index
      %parallel_loop3A_800 = tpu.vector_load %arg9[%parallel_loop3A_798, %parallel_loop3A_799] {strides = array<i32>} : memref<16x2048xf32, #tpu.memory_space<vmem>>, vector<16xf32>,
      %parallel_loop3A_801 = arith.mulf %parallel_loop3A_800, %parallel_loop3A_766 : vector<16xf32>
      %parallel_loop3A_802 = arith.addf %parallel_loop3A_754, %parallel_loop3A_801 : vector<16xf32>
      %parallel_loop3A_803 = arith.constant 6 : i32
      %parallel_loop3A_804 = arith.index_cast %parallel_loop3A_803 : i32 to index
      %parallel_loop3A_805 = arith.index_cast %parallel_loop3A_748 : i32 to index
      %parallel_loop3A_806 = tpu.vector_load %arg9[%parallel_loop3A_804, %parallel_loop3A_805] {strides = array<i32>} : memref<16x2048xf32, #tpu.memory_space<vmem>>, vector<16xf32>,
      %parallel_loop3A_807 = arith.mulf %parallel_loop3A_806, %parallel_loop3A_766 : vector<16xf32>
      %parallel_loop3A_808 = arith.addf %parallel_loop3A_755, %parallel_loop3A_807 : vector<16xf32>
      %parallel_loop3A_809 = arith.constant 7 : i32
      %parallel_loop3A_810 = arith.index_cast %parallel_loop3A_809 : i32 to index
      %parallel_loop3A_811 = arith.index_cast %parallel_loop3A_748 : i32 to index
      %parallel_loop3A_812 = tpu.vector_load %arg9[%parallel_loop3A_810, %parallel_loop3A_811] {strides = array<i32>} : memref<16x2048xf32, #tpu.memory_space<vmem>>, vector<16xf32>,
      %parallel_loop3A_813 = arith.mulf %parallel_loop3A_812, %parallel_loop3A_766 : vector<16xf32>
      %parallel_loop3A_814 = arith.addf %parallel_loop3A_756, %parallel_loop3A_813 : vector<16xf32>
      %parallel_loop3A_815 = arith.constant 8 : i32
      %parallel_loop3A_816 = arith.index_cast %parallel_loop3A_815 : i32 to index
      %parallel_loop3A_817 = arith.index_cast %parallel_loop3A_748 : i32 to index
      %parallel_loop3A_818 = tpu.vector_load %arg9[%parallel_loop3A_816, %parallel_loop3A_817] {strides = array<i32>} : memref<16x2048xf32, #tpu.memory_space<vmem>>, vector<16xf32>,
      %parallel_loop3A_819 = arith.mulf %parallel_loop3A_818, %parallel_loop3A_766 : vector<16xf32>
      %parallel_loop3A_820 = arith.addf %parallel_loop3A_757, %parallel_loop3A_819 : vector<16xf32>
      %parallel_loop3A_821 = arith.constant 9 : i32
      %parallel_loop3A_822 = arith.index_cast %parallel_loop3A_821 : i32 to index
      %parallel_loop3A_823 = arith.index_cast %parallel_loop3A_748 : i32 to index
      %parallel_loop3A_824 = tpu.vector_load %arg9[%parallel_loop3A_822, %parallel_loop3A_823] {strides = array<i32>} : memref<16x2048xf32, #tpu.memory_space<vmem>>, vector<16xf32>,
      %parallel_loop3A_825 = arith.mulf %parallel_loop3A_824, %parallel_loop3A_766 : vector<16xf32>
      %parallel_loop3A_826 = arith.addf %parallel_loop3A_758, %parallel_loop3A_825 : vector<16xf32>
      %parallel_loop3A_827 = arith.constant 10 : i32
      %parallel_loop3A_828 = arith.index_cast %parallel_loop3A_827 : i32 to index
      %parallel_loop3A_829 = arith.index_cast %parallel_loop3A_748 : i32 to index
      %parallel_loop3A_830 = tpu.vector_load %arg9[%parallel_loop3A_828, %parallel_loop3A_829] {strides = array<i32>} : memref<16x2048xf32, #tpu.memory_space<vmem>>, vector<16xf32>,
      %parallel_loop3A_831 = arith.mulf %parallel_loop3A_830, %parallel_loop3A_766 : vector<16xf32>
      %parallel_loop3A_832 = arith.addf %parallel_loop3A_759, %parallel_loop3A_831 : vector<16xf32>
      %parallel_loop3A_833 = arith.constant 11 : i32
      %parallel_loop3A_834 = arith.index_cast %parallel_loop3A_833 : i32 to index
      %parallel_loop3A_835 = arith.index_cast %parallel_loop3A_748 : i32 to index
      %parallel_loop3A_836 = tpu.vector_load %arg9[%parallel_loop3A_834, %parallel_loop3A_835] {strides = array<i32>} : memref<16x2048xf32, #tpu.memory_space<vmem>>, vector<16xf32>,
      %parallel_loop3A_837 = arith.mulf %parallel_loop3A_836, %parallel_loop3A_766 : vector<16xf32>
      %parallel_loop3A_838 = arith.addf %parallel_loop3A_760, %parallel_loop3A_837 : vector<16xf32>
      %parallel_loop3A_839 = arith.constant 12 : i32
      %parallel_loop3A_840 = arith.index_cast %parallel_loop3A_839 : i32 to index
      %parallel_loop3A_841 = arith.index_cast %parallel_loop3A_748 : i32 to index
      %parallel_loop3A_842 = tpu.vector_load %arg9[%parallel_loop3A_840, %parallel_loop3A_841] {strides = array<i32>} : memref<16x2048xf32, #tpu.memory_space<vmem>>, vector<16xf32>,
      %parallel_loop3A_843 = arith.mulf %parallel_loop3A_842, %parallel_loop3A_766 : vector<16xf32>
      %parallel_loop3A_844 = arith.addf %parallel_loop3A_761, %parallel_loop3A_843 : vector<16xf32>
      %parallel_loop3A_845 = arith.constant 13 : i32
      %parallel_loop3A_846 = arith.index_cast %parallel_loop3A_845 : i32 to index
      %parallel_loop3A_847 = arith.index_cast %parallel_loop3A_748 : i32 to index
      %parallel_loop3A_848 = tpu.vector_load %arg9[%parallel_loop3A_846, %parallel_loop3A_847] {strides = array<i32>} : memref<16x2048xf32, #tpu.memory_space<vmem>>, vector<16xf32>,
      %parallel_loop3A_849 = arith.mulf %parallel_loop3A_848, %parallel_loop3A_766 : vector<16xf32>
      %parallel_loop3A_850 = arith.addf %parallel_loop3A_762, %parallel_loop3A_849 : vector<16xf32>
      %parallel_loop3A_851 = arith.constant 14 : i32
      %parallel_loop3A_852 = arith.index_cast %parallel_loop3A_851 : i32 to index
      %parallel_loop3A_853 = arith.index_cast %parallel_loop3A_748 : i32 to index
      %parallel_loop3A_854 = tpu.vector_load %arg9[%parallel_loop3A_852, %parallel_loop3A_853] {strides = array<i32>} : memref<16x2048xf32, #tpu.memory_space<vmem>>, vector<16xf32>,
      %parallel_loop3A_855 = arith.mulf %parallel_loop3A_854, %parallel_loop3A_766 : vector<16xf32>
      %parallel_loop3A_856 = arith.addf %parallel_loop3A_763, %parallel_loop3A_855 : vector<16xf32>
      %parallel_loop3A_857 = arith.constant 15 : i32
      %parallel_loop3A_858 = arith.index_cast %parallel_loop3A_857 : i32 to index
      %parallel_loop3A_859 = arith.index_cast %parallel_loop3A_748 : i32 to index
      %parallel_loop3A_860 = tpu.vector_load %arg9[%parallel_loop3A_858, %parallel_loop3A_859] {strides = array<i32>} : memref<16x2048xf32, #tpu.memory_space<vmem>>, vector<16xf32>,
      %parallel_loop3A_861 = arith.mulf %parallel_loop3A_860, %parallel_loop3A_766 : vector<16xf32>
      %parallel_loop3A_862 = arith.addf %parallel_loop3A_764, %parallel_loop3A_861 : vector<16xf32>
      scf.yield %parallel_loop3A_772, %parallel_loop3A_778, %parallel_loop3A_784, %parallel_loop3A_790, %parallel_loop3A_796, %parallel_loop3A_802, %parallel_loop3A_808, %parallel_loop3A_814, %parallel_loop3A_820, %parallel_loop3A_826, %parallel_loop3A_832, %parallel_loop3A_838, %parallel_loop3A_844, %parallel_loop3A_850, %parallel_loop3A_856, %parallel_loop3A_862 : vector<16xf32>, vector<16xf32>, vector<16xf32>, vector<16xf32>, vector<16xf32>, vector<16xf32>, vector<16xf32>, vector<16xf32>, vector<16xf32>, vector<16xf32>, vector<16xf32>, vector<16xf32>, vector<16xf32>, vector<16xf32>, vector<16xf32>, vector<16xf32>
    } {sc.loop_unroll_factor = 2 : i64, sc.parallel_access}
    %swap3A_609 = arith.constant 0 : index
    %swap3A_610 = tpu.vector_load %arg12[%swap3A_609] {strides = array<i32>} : memref<272xf32, #tpu.memory_space<vmem>>, vector<16xf32>,
    tpu.vector_store %arg12[%swap3A_609], %parallel_loop3A_608#0 {strides = array<i32>} : memref<272xf32, #tpu.memory_space<vmem>>, vector<16xf32>,
    %swap3A_611 = arith.constant 17 : index
    %swap3A_612 = tpu.vector_load %arg12[%swap3A_611] {strides = array<i32>} : memref<272xf32, #tpu.memory_space<vmem>>, vector<16xf32>,
    tpu.vector_store %arg12[%swap3A_611], %parallel_loop3A_608#1 {strides = array<i32>} : memref<272xf32, #tpu.memory_space<vmem>>, vector<16xf32>,
    %swap3A_613 = arith.constant 34 : index
    %swap3A_614 = tpu.vector_load %arg12[%swap3A_613] {strides = array<i32>} : memref<272xf32, #tpu.memory_space<vmem>>, vector<16xf32>,
    tpu.vector_store %arg12[%swap3A_613], %parallel_loop3A_608#2 {strides = array<i32>} : memref<272xf32, #tpu.memory_space<vmem>>, vector<16xf32>,
    %swap3A_615 = arith.constant 51 : index
    %swap3A_616 = tpu.vector_load %arg12[%swap3A_615] {strides = array<i32>} : memref<272xf32, #tpu.memory_space<vmem>>, vector<16xf32>,
    tpu.vector_store %arg12[%swap3A_615], %parallel_loop3A_608#3 {strides = array<i32>} : memref<272xf32, #tpu.memory_space<vmem>>, vector<16xf32>,
    %swap3A_617 = arith.constant 68 : index
    %swap3A_618 = tpu.vector_load %arg12[%swap3A_617] {strides = array<i32>} : memref<272xf32, #tpu.memory_space<vmem>>, vector<16xf32>,
    tpu.vector_store %arg12[%swap3A_617], %parallel_loop3A_608#4 {strides = array<i32>} : memref<272xf32, #tpu.memory_space<vmem>>, vector<16xf32>,
    %swap3A_619 = arith.constant 85 : index
    %swap3A_620 = tpu.vector_load %arg12[%swap3A_619] {strides = array<i32>} : memref<272xf32, #tpu.memory_space<vmem>>, vector<16xf32>,
    tpu.vector_store %arg12[%swap3A_619], %parallel_loop3A_608#5 {strides = array<i32>} : memref<272xf32, #tpu.memory_space<vmem>>, vector<16xf32>,
    %swap3A_621 = arith.constant 102 : index
    %swap3A_622 = tpu.vector_load %arg12[%swap3A_621] {strides = array<i32>} : memref<272xf32, #tpu.memory_space<vmem>>, vector<16xf32>,
    tpu.vector_store %arg12[%swap3A_621], %parallel_loop3A_608#6 {strides = array<i32>} : memref<272xf32, #tpu.memory_space<vmem>>, vector<16xf32>,
    %swap3A_623 = arith.constant 119 : index
    %swap3A_624 = tpu.vector_load %arg12[%swap3A_623] {strides = array<i32>} : memref<272xf32, #tpu.memory_space<vmem>>, vector<16xf32>,
    tpu.vector_store %arg12[%swap3A_623], %parallel_loop3A_608#7 {strides = array<i32>} : memref<272xf32, #tpu.memory_space<vmem>>, vector<16xf32>,
    %swap3A_625 = arith.constant 136 : index
    %swap3A_626 = tpu.vector_load %arg12[%swap3A_625] {strides = array<i32>} : memref<272xf32, #tpu.memory_space<vmem>>, vector<16xf32>,
    tpu.vector_store %arg12[%swap3A_625], %parallel_loop3A_608#8 {strides = array<i32>} : memref<272xf32, #tpu.memory_space<vmem>>, vector<16xf32>,
    %swap3A_627 = arith.constant 153 : index
    %swap3A_628 = tpu.vector_load %arg12[%swap3A_627] {strides = array<i32>} : memref<272xf32, #tpu.memory_space<vmem>>, vector<16xf32>,
    tpu.vector_store %arg12[%swap3A_627], %parallel_loop3A_608#9 {strides = array<i32>} : memref<272xf32, #tpu.memory_space<vmem>>, vector<16xf32>,
    %swap3A_629 = arith.constant 170 : index
    %swap3A_630 = tpu.vector_load %arg12[%swap3A_629] {strides = array<i32>} : memref<272xf32, #tpu.memory_space<vmem>>, vector<16xf32>,
    tpu.vector_store %arg12[%swap3A_629], %parallel_loop3A_608#10 {strides = array<i32>} : memref<272xf32, #tpu.memory_space<vmem>>, vector<16xf32>,
    %swap3A_631 = arith.constant 187 : index
    %swap3A_632 = tpu.vector_load %arg12[%swap3A_631] {strides = array<i32>} : memref<272xf32, #tpu.memory_space<vmem>>, vector<16xf32>,
    tpu.vector_store %arg12[%swap3A_631], %parallel_loop3A_608#11 {strides = array<i32>} : memref<272xf32, #tpu.memory_space<vmem>>, vector<16xf32>,
    %swap3A_633 = arith.constant 204 : index
    %swap3A_634 = tpu.vector_load %arg12[%swap3A_633] {strides = array<i32>} : memref<272xf32, #tpu.memory_space<vmem>>, vector<16xf32>,
    tpu.vector_store %arg12[%swap3A_633], %parallel_loop3A_608#12 {strides = array<i32>} : memref<272xf32, #tpu.memory_space<vmem>>, vector<16xf32>,
    %swap3A_635 = arith.constant 221 : index
    %swap3A_636 = tpu.vector_load %arg12[%swap3A_635] {strides = array<i32>} : memref<272xf32, #tpu.memory_space<vmem>>, vector<16xf32>,
    tpu.vector_store %arg12[%swap3A_635], %parallel_loop3A_608#13 {strides = array<i32>} : memref<272xf32, #tpu.memory_space<vmem>>, vector<16xf32>,
    %swap3A_637 = arith.constant 238 : index
    %swap3A_638 = tpu.vector_load %arg12[%swap3A_637] {strides = array<i32>} : memref<272xf32, #tpu.memory_space<vmem>>, vector<16xf32>,
    tpu.vector_store %arg12[%swap3A_637], %parallel_loop3A_608#14 {strides = array<i32>} : memref<272xf32, #tpu.memory_space<vmem>>, vector<16xf32>,
    %swap3A_639 = arith.constant 255 : index
    %swap3A_640 = tpu.vector_load %arg12[%swap3A_639] {strides = array<i32>} : memref<272xf32, #tpu.memory_space<vmem>>, vector<16xf32>,
    tpu.vector_store %arg12[%swap3A_639], %parallel_loop3A_608#15 {strides = array<i32>} : memref<272xf32, #tpu.memory_space<vmem>>, vector<16xf32>,
    %broadcast_in_dim3A_641 = arith.constant 0.000000e+00 : f32
    %broadcast_in_dim3A_642 = vector.broadcast %broadcast_in_dim3A_641 : f32 to vector<16xf32>
    %add3A_643 = arith.constant 0 : i32
    %add3A_644 = vector.broadcast %add3A_643 : i32 to vector<16xi32>
    %add3A_645 = arith.addi %mul3A_13, %add3A_644 : vector<16xi32>
    %gather3A_646 = tpu.vector_load_idx %arg12[%add3A_645] : memref<272xf32, #tpu.memory_space<vmem>>[vector<16xi32>], vector<16xf32>,
    %add3A_647 = arith.addf %broadcast_in_dim3A_642, %gather3A_646 : vector<16xf32>
    %add3A_648 = arith.constant 1 : i32
    %add3A_649 = vector.broadcast %add3A_648 : i32 to vector<16xi32>
    %add3A_650 = arith.addi %mul3A_13, %add3A_649 : vector<16xi32>
    %gather3A_651 = tpu.vector_load_idx %arg12[%add3A_650] : memref<272xf32, #tpu.memory_space<vmem>>[vector<16xi32>], vector<16xf32>,
    %add3A_652 = arith.addf %add3A_647, %gather3A_651 : vector<16xf32>
    %add3A_653 = arith.constant 2 : i32
    %add3A_654 = vector.broadcast %add3A_653 : i32 to vector<16xi32>
    %add3A_655 = arith.addi %mul3A_13, %add3A_654 : vector<16xi32>
    %gather3A_656 = tpu.vector_load_idx %arg12[%add3A_655] : memref<272xf32, #tpu.memory_space<vmem>>[vector<16xi32>], vector<16xf32>,
    %add3A_657 = arith.addf %add3A_652, %gather3A_656 : vector<16xf32>
    %add3A_658 = arith.constant 3 : i32
    %add3A_659 = vector.broadcast %add3A_658 : i32 to vector<16xi32>
    %add3A_660 = arith.addi %mul3A_13, %add3A_659 : vector<16xi32>
    %gather3A_661 = tpu.vector_load_idx %arg12[%add3A_660] : memref<272xf32, #tpu.memory_space<vmem>>[vector<16xi32>], vector<16xf32>,
    %add3A_662 = arith.addf %add3A_657, %gather3A_661 : vector<16xf32>
    %add3A_663 = arith.constant 4 : i32
    %add3A_664 = vector.broadcast %add3A_663 : i32 to vector<16xi32>
    %add3A_665 = arith.addi %mul3A_13, %add3A_664 : vector<16xi32>
    %gather3A_666 = tpu.vector_load_idx %arg12[%add3A_665] : memref<272xf32, #tpu.memory_space<vmem>>[vector<16xi32>], vector<16xf32>,
    %add3A_667 = arith.addf %add3A_662, %gather3A_666 : vector<16xf32>
    %add3A_668 = arith.constant 5 : i32
    %add3A_669 = vector.broadcast %add3A_668 : i32 to vector<16xi32>
    %add3A_670 = arith.addi %mul3A_13, %add3A_669 : vector<16xi32>
    %gather3A_671 = tpu.vector_load_idx %arg12[%add3A_670] : memref<272xf32, #tpu.memory_space<vmem>>[vector<16xi32>], vector<16xf32>,
    %add3A_672 = arith.addf %add3A_667, %gather3A_671 : vector<16xf32>
    %add3A_673 = arith.constant 6 : i32
    %add3A_674 = vector.broadcast %add3A_673 : i32 to vector<16xi32>
    %add3A_675 = arith.addi %mul3A_13, %add3A_674 : vector<16xi32>
    %gather3A_676 = tpu.vector_load_idx %arg12[%add3A_675] : memref<272xf32, #tpu.memory_space<vmem>>[vector<16xi32>], vector<16xf32>,
    %add3A_677 = arith.addf %add3A_672, %gather3A_676 : vector<16xf32>
    %add3A_678 = arith.constant 7 : i32
    %add3A_679 = vector.broadcast %add3A_678 : i32 to vector<16xi32>
    %add3A_680 = arith.addi %mul3A_13, %add3A_679 : vector<16xi32>
    %gather3A_681 = tpu.vector_load_idx %arg12[%add3A_680] : memref<272xf32, #tpu.memory_space<vmem>>[vector<16xi32>], vector<16xf32>,
    %add3A_682 = arith.addf %add3A_677, %gather3A_681 : vector<16xf32>
    %add3A_683 = arith.constant 8 : i32
    %add3A_684 = vector.broadcast %add3A_683 : i32 to vector<16xi32>
    %add3A_685 = arith.addi %mul3A_13, %add3A_684 : vector<16xi32>
    %gather3A_686 = tpu.vector_load_idx %arg12[%add3A_685] : memref<272xf32, #tpu.memory_space<vmem>>[vector<16xi32>], vector<16xf32>,
    %add3A_687 = arith.addf %add3A_682, %gather3A_686 : vector<16xf32>
    %add3A_688 = arith.constant 9 : i32
    %add3A_689 = vector.broadcast %add3A_688 : i32 to vector<16xi32>
    %add3A_690 = arith.addi %mul3A_13, %add3A_689 : vector<16xi32>
    %gather3A_691 = tpu.vector_load_idx %arg12[%add3A_690] : memref<272xf32, #tpu.memory_space<vmem>>[vector<16xi32>], vector<16xf32>,
    %add3A_692 = arith.addf %add3A_687, %gather3A_691 : vector<16xf32>
    %add3A_693 = arith.constant 10 : i32
    %add3A_694 = vector.broadcast %add3A_693 : i32 to vector<16xi32>
    %add3A_695 = arith.addi %mul3A_13, %add3A_694 : vector<16xi32>
    %gather3A_696 = tpu.vector_load_idx %arg12[%add3A_695] : memref<272xf32, #tpu.memory_space<vmem>>[vector<16xi32>], vector<16xf32>,
    %add3A_697 = arith.addf %add3A_692, %gather3A_696 : vector<16xf32>
    %add3A_698 = arith.constant 11 : i32
    %add3A_699 = vector.broadcast %add3A_698 : i32 to vector<16xi32>
    %add3A_700 = arith.addi %mul3A_13, %add3A_699 : vector<16xi32>
    %gather3A_701 = tpu.vector_load_idx %arg12[%add3A_700] : memref<272xf32, #tpu.memory_space<vmem>>[vector<16xi32>], vector<16xf32>,
    %add3A_702 = arith.addf %add3A_697, %gather3A_701 : vector<16xf32>
    %add3A_703 = arith.constant 12 : i32
    %add3A_704 = vector.broadcast %add3A_703 : i32 to vector<16xi32>
    %add3A_705 = arith.addi %mul3A_13, %add3A_704 : vector<16xi32>
    %gather3A_706 = tpu.vector_load_idx %arg12[%add3A_705] : memref<272xf32, #tpu.memory_space<vmem>>[vector<16xi32>], vector<16xf32>,
    %add3A_707 = arith.addf %add3A_702, %gather3A_706 : vector<16xf32>
    %add3A_708 = arith.constant 13 : i32
    %add3A_709 = vector.broadcast %add3A_708 : i32 to vector<16xi32>
    %add3A_710 = arith.addi %mul3A_13, %add3A_709 : vector<16xi32>
    %gather3A_711 = tpu.vector_load_idx %arg12[%add3A_710] : memref<272xf32, #tpu.memory_space<vmem>>[vector<16xi32>], vector<16xf32>,
    %add3A_712 = arith.addf %add3A_707, %gather3A_711 : vector<16xf32>
    %add3A_713 = arith.constant 14 : i32
    %add3A_714 = vector.broadcast %add3A_713 : i32 to vector<16xi32>
    %add3A_715 = arith.addi %mul3A_13, %add3A_714 : vector<16xi32>
    %gather3A_716 = tpu.vector_load_idx %arg12[%add3A_715] : memref<272xf32, #tpu.memory_space<vmem>>[vector<16xi32>], vector<16xf32>,
    %add3A_717 = arith.addf %add3A_712, %gather3A_716 : vector<16xf32>
    %add3A_718 = arith.constant 15 : i32
    %add3A_719 = vector.broadcast %add3A_718 : i32 to vector<16xi32>
    %add3A_720 = arith.addi %mul3A_13, %add3A_719 : vector<16xi32>
    %gather3A_721 = tpu.vector_load_idx %arg12[%add3A_720] : memref<272xf32, #tpu.memory_space<vmem>>[vector<16xi32>], vector<16xf32>,
    %add3A_722 = arith.addf %add3A_717, %gather3A_721 : vector<16xf32>
    %add3A_723 = vector.broadcast %sub3A : f32 to vector<16xf32>
    %add3A_724 = arith.addf %add3A_722, %add3A_723 : vector<16xf32>
    %neg3A_725 = arith.constant 0.000000e+00 : f32
    %neg3A_726 = vector.broadcast %neg3A_725 : f32 to vector<16xf32>
    %neg3A_727 = arith.subf %neg3A_726, %add3A_724 : vector<16xf32>
    %exp3A_728 = math.exp %neg3A_727 : vector<16xf32>
    %add3A_729 = arith.constant 1.000000e+00 : f32
    %add3A_730 = vector.broadcast %add3A_729 : f32 to vector<16xf32>
    %add3A_731 = arith.addf %add3A_730, %exp3A_728 : vector<16xf32>
    %div3A_732 = arith.constant 1.000000e+00 : f32
    %div3A_733 = vector.broadcast %div3A_732 : f32 to vector<16xf32>
    %div3A_734 = arith.divf %div3A_733, %add3A_731 : vector<16xf32>
    %add3A_735 = arith.constant 48 : i32
    %add3A_736 = vector.broadcast %add3A_735 : i32 to vector<16xi32>
    %add3A_737 = arith.addi %add3A_736, %iota3A : vector<16xi32>
    %broadcast_in_dim3A_738 = arith.constant 0 : i32
    %broadcast_in_dim3A_739 = vector.broadcast %broadcast_in_dim3A_738 : i32 to vector<16xi32>
    tpu.vector_store_idx %arg13[%add3A_737, %broadcast_in_dim3A_739], %div3A_734 : memref<64x2xf32, #tpu.memory_space<vmem>>[vector<16xi32>, vector<16xi32>], vector<16xf32>,
    %add3A_740 = arith.constant 1 : i32
    %add3A_741 = vector.broadcast %add3A_740 : i32 to vector<16xi32>
    %add3A_742 = arith.addi %broadcast_in_dim3A_739, %add3A_741 : vector<16xi32>
    %sub3A_743 = arith.constant 1.000000e+00 : f32
    %sub3A_744 = vector.broadcast %sub3A_743 : f32 to vector<16xf32>
    %sub3A_745 = arith.subf %sub3A_744, %div3A_734 : vector<16xf32>
    tpu.vector_store_idx %arg13[%add3A_737, %add3A_742], %sub3A_745 : memref<64x2xf32, #tpu.memory_space<vmem>>[vector<16xi32>, vector<16xi32>], vector<16xf32>,
    %mul3A_746 = arith.constant 64 : i32
    %mul3A_747 = arith.muli %add3A, %mul3A_746 : i32
    "tpu.region"() ({
      %run_scoped3A_748 = tpu.sem_alloc : memref<!tpu.dma_semaphore, #tpu.memory_space<semaphore_mem>>
      %dma_start3A_749 = arith.constant 0 : i32
      %dma_start3A_750 = tpu.memref_slice %arg5[%mul3A_747, %dma_start3A_749] : memref<2048x2xf32, #tpu.memory_space<hbm>> -> memref<64x2xf32, #tpu.memory_space<hbm>>
      %dma_start3A_751 = arith.constant 0 : i32
      %dma_start3A_752 = tpu.memref_slice %arg5[%mul3A_747, %dma_start3A_751] : memref<2048x2xf32, #tpu.memory_space<hbm>> -> memref<64x2xf32, #tpu.memory_space<hbm>>
      tpu.enqueue_dma source(%arg13 : memref<64x2xf32, #tpu.memory_space<vmem>>) target(%dma_start3A_752 : memref<64x2xf32, #tpu.memory_space<hbm>>) target_semaphore(%run_scoped3A_748 : memref<!tpu.dma_semaphore, #tpu.memory_space<semaphore_mem>>)
      %dma_wait3A_753 = arith.constant 0 : i32
      %dma_wait3A_754 = tpu.memref_slice %arg5[%mul3A_747, %dma_wait3A_753] : memref<2048x2xf32, #tpu.memory_space<hbm>> -> memref<64x2xf32, #tpu.memory_space<hbm>>
      %dma_wait3A_755 = arith.constant 0 : i32
      %dma_wait3A_756 = tpu.memref_slice %arg5[%mul3A_747, %dma_wait3A_755] : memref<2048x2xf32, #tpu.memory_space<hbm>> -> memref<64x2xf32, #tpu.memory_space<hbm>>
      tpu.wait_dma2 semaphore(%run_scoped3A_748 : memref<!tpu.dma_semaphore, #tpu.memory_space<semaphore_mem>>) src(%arg13 : memref<64x2xf32, #tpu.memory_space<vmem>>) dst(%dma_wait3A_756 : memref<64x2xf32, #tpu.memory_space<hbm>>)
      tpu.yield
    }) : () -> ()
    return
  }
}

module attributes {stable_mosaic.version = 14 : i64} {
  func.func @_tc_block(%arg0: i32, %arg1: memref<1024x2048xf32, #tpu.memory_space<vmem>>, %arg2: memref<2x2048xf32, #tpu.memory_space<vmem>>, %arg3: memref<2xf32, #tpu.memory_space<vmem>>, %arg4: memref<1024x2xf32, #tpu.memory_space<vmem>>) attributes {dimension_semantics = [#tpu.dimension_semantics<arbitrary>], iteration_bounds = array<i64: 6>, scalar_prefetch = 0 : i64, scratch_operands = 0 : i64, tpu.core_type = #tpu.core_type<tc>, window_params = [{transform_indices = @transform_0, window_bounds = array<i64: 1024, 2048>}, {pipeline_mode = #tpu.pipeline_mode<synchronous>, transform_indices = @transform_1, window_bounds = array<i64: 2, 2048>}, {pipeline_mode = #tpu.pipeline_mode<synchronous>, transform_indices = @transform_2, window_bounds = array<i64: 2>}, {transform_indices = @transform_3, window_bounds = array<i64: 1024, 2>}]} {
    %get3A = arith.constant 0 : index
    %get3A_0 = arith.constant 0 : index
    %get3A_1 = vector.load %arg1[%get3A, %get3A_0] : memref<1024x2048xf32, #tpu.memory_space<vmem>>, vector<1024x2048xf32>
    %get3A_2 = arith.constant 0 : index
    %get3A_3 = arith.constant 0 : index
    %get3A_4 = vector.load %arg2[%get3A_2, %get3A_3] : memref<2x2048xf32, #tpu.memory_space<vmem>>, vector<2x2048xf32>
    %dot_general3A = arith.constant dense<0.000000e+00> : vector<1024x2xf32>
    %dot_general3A_5 = tpu.matmul %get3A_1, %get3A_4, %dot_general3A {dimension_numbers = #tpu.dot_dimension_numbers<[1], [1], [0], [0], [0, 0, 1, 0], [], []>, transpose_lhs_hint = false} : vector<1024x2048xf32>, vector<2x2048xf32>, vector<1024x2xf32> -> vector<1024x2xf32>
    %get3A_6 = arith.constant 0 : index
    %get3A_7 = vector.load %arg3[%get3A_6] : memref<2xf32, #tpu.memory_space<vmem>>, vector<2xf32>
    %broadcast_in_dim3A = vector.shape_cast %get3A_7 : vector<2xf32> to vector<1x2xf32>
    %add3A = vector.broadcast %broadcast_in_dim3A : vector<1x2xf32> to vector<1024x2xf32>
    %add3A_8 = arith.addf %dot_general3A_5, %add3A : vector<1024x2xf32>
    %reduce_max3A = arith.constant dense<0xFF800000> : vector<1024xf32>
    %reduce_max3A_9 = vector.multi_reduction <maximumf>, %add3A_8, %reduce_max3A [1] : vector<1024x2xf32> to vector<1024xf32>
    %broadcast_in_dim3A_10 = vector.shape_cast %reduce_max3A_9 : vector<1024xf32> to vector<1024x1xf32>
    %sub3A = vector.broadcast %broadcast_in_dim3A_10 : vector<1024x1xf32> to vector<1024x2xf32>
    %sub3A_11 = arith.subf %add3A_8, %sub3A : vector<1024x2xf32>
    %exp3A = math.exp %sub3A_11 : vector<1024x2xf32>
    %reduce_sum3A = arith.constant dense<0.000000e+00> : vector<1024xf32>
    %reduce_sum3A_12 = vector.multi_reduction <add>, %exp3A, %reduce_sum3A [1] : vector<1024x2xf32> to vector<1024xf32>
    %broadcast_in_dim3A_13 = vector.shape_cast %reduce_sum3A_12 : vector<1024xf32> to vector<1024x1xf32>
    %div3A = vector.broadcast %broadcast_in_dim3A_13 : vector<1024x1xf32> to vector<1024x2xf32>
    %div3A_14 = arith.divf %exp3A, %div3A : vector<1024x2xf32>
    %swap3A = arith.constant 0 : index
    %swap3A_15 = arith.constant 0 : index
    %swap3A_16 = vector.load %arg4[%swap3A, %swap3A_15] : memref<1024x2xf32, #tpu.memory_space<vmem>>, vector<1024x2xf32>
    tpu.vector_store %arg4[%swap3A, %swap3A_15], %div3A_14 {strides = array<i32>} : memref<1024x2xf32, #tpu.memory_space<vmem>>, vector<1024x2xf32>,
    return
  }
  func.func @transform_0(%arg0: i32) -> (i32, i32) {
    %c0_i32 = arith.constant 0 : i32
    %c0_i32_0 = arith.constant 0 : i32
    return %arg0, %c0_i32 : i32, i32
  }
  func.func @transform_1(%arg0: i32) -> (i32, i32) {
    %c0_i32 = arith.constant 0 : i32
    %c0_i32_0 = arith.constant 0 : i32
    %c0_i32_1 = arith.constant 0 : i32
    return %c0_i32, %c0_i32_0 : i32, i32
  }
  func.func @transform_2(%arg0: i32) -> i32 {
    %c0_i32 = arith.constant 0 : i32
    %c0_i32_0 = arith.constant 0 : i32
    return %c0_i32 : i32
  }
  func.func @transform_3(%arg0: i32) -> (i32, i32) {
    %c0_i32 = arith.constant 0 : i32
    %c0_i32_0 = arith.constant 0 : i32
    return %arg0, %c0_i32 : i32, i32
  }
}

</mosaic_0001>

<sc_bundles>
// kernel: kernel.4.cloned.1.call-start
scs
__scs_entry_jumppad:
0x0: {  	(pc) =	sbr.rel $0x88, $3  }
0x1: {  	(tag) =	ssettag $0x0;
	lr =	simm.s32 $0x1  }
0x2: {  	[smem:$0x3F9E] =	sst lr;
	_ =	strace $0xD0000000  }
0x3: {  	_ = 	snop  }
0x4: {  	_ = 	snop  }
0x5: {  	_ = 	snop  }
0x6: {  	_ = 	snop  }
0x7: {  	_ = 	snop  }
__scs_overlays_trampoline_lowered:
0x8: {  	[smem:$0x3FAD] =	sst s0  }
0x9: {  	[smem:$0x3FAE] =	sst s1  }
0xa: {  	[smem:$0x3FAF] =	sst s2  }
0xb: {  	[smem:$0x3FB0] =	sst s3  }
0xc: {  	[smem:$0x3FB1] =	sst s4  }
0xd: {  	[smem:$0x3FB2] =	sst s5  }
0xe: {  	[smem:$0x3FB3] =	sst s6  }
0xf: {  	[smem:$0x3FB4] =	sst s7  }
0x10: {  	[smem:$0x3FB5] =	sst s8  }
0x11: {  	[smem:$0x3FB6] =	sst s9;
	s0 =	simm.s32 @!p0 $0x0  }
0x12: {  	s1 =	sld [smem:$0x3F9C];
	s0 =	simm.s32 @p0 $0x1  }
0x13: {  	[smem:$0x3FB7] =	sst s0;
	s0 =	simm.s32 @!p1 $0x0  }
0x14: {  	s2 =	sld [smem:$0x3F9B];
	s0 =	simm.s32 @p1 $0x1  }
0x15: {  	[smem:$0x3FB8] =	sst s0;
	s0 =	simm.s32 @!p2 $0x0  }
0x16: {  	s3 =	sld [smem:$0x3FDB];
	s0 =	simm.s32 @p2 $0x1  }
0x17: {  	s4 =	simm.s32 $0x1BF5;
	[smem:$0x3FBA] =	sst s0  }
0x18: {  	s0 =	sld [smem:$0x3F9D];
	_ =	swait.ge [sflag:s4], $0x0  }
0x19: {  	s7 =	sld [smem:$0x3F9E]  }
0x1a: {  	s8 =	sadd.s32 $0xFFFFE003, lr  }
0x1b: {  	s9 =	sadd.s32 $0xFFFFFEF7, lr;
	s5 =	simm.s32 $0xFFFFFFFF;
	p2 =	slt.u32 s8, $0xFFFFF086  }
0x1c: {  	p1 =	slt.u32 s9, $0xF7A;
	s5 =	simm.s32 @!p2 $0x0  }
0x1d: {  	s5 =	simm.s32 @p1 $0x1;
	p0 =	seq.s32 s7, s2  }
0x1e: {  	s7 =	smul.u32 @!p0 $0xF7A, s2;
	p2 =	seq.s32 @!p0 s5, $0x0  }
0x1f: {  	s9 =	smul.u32 $0xF7A, s1;
	s8 =	simm.s32 @!p0 $0x1BF5;
	p2 =	por !p2, p0  }
0x20: {  	[sflag:s8] =	ssyncset.s32 @!p0 $0xFFFFF086;
	s6 =	sadd.s32 @!p0 s3, s7;
	s7 =	simm.s32 @!p0 $0x108  }
0x21: {  	s3 =	sadd.s32 s3, s9;
	s6 =	sadd.s32 @!p0 $0x88, s6;
	s7 =	simm.s32 @p2 $0x1082  }
0x22: {  	[simem:s7], [sflag:s8] =	dma.local @!p0 [hbm:s6], $0xF7A  }
0x23: {  	s9 =	sor.u32 $0xD0000000, s2;
	s6 =	simm.s32 $0x108;
	_ =	swait.ge @!p0 [sflag:s8], $0x0  }
0x24: {  	s3 =	sadd.s32 $0x88, s3;
	s6 =	simm.s32 @!p1 $0x1082;
	[sflag:s4] =	ssyncset.s32 $0xFFFFF086  }
0x25: {  	[simem:s6], [sflag:s4] =	dma.local [hbm:s3], $0xF7A  }
0x26: {  	[smem:$0x3F9E] =	sst s1;
	(tag) =	ssettag s2;
	_ =	strace s9  }
0x27: {  	s1 =	sld [smem:$0x3FAE]  }
0x28: {  	s2 =	sld [smem:$0x3FAF]  }
0x29: {  	s4 =	sld [smem:$0x3FB1]  }
0x2a: {  	p0 =	seq.s32 s5, $0x0;
	s5 =	sld [smem:$0x3FB2]  }
0x2b: {  	s6 =	sld [smem:$0x3FB3]  }
0x2c: {  	s7 =	sld [smem:$0x3FB4]  }
0x2d: {  	s3 =	simm.s32 $0x108;
	s8 =	sld [smem:$0x3FB5]  }
0x2e: {  	s3 =	simm.s32 @!p0 $0x1082;
	s9 =	sld [smem:$0x3FB6]  }
0x2f: {  	lr =	sadd.s32 s0, s3;
	s0 =	sld [smem:$0x3FAD]  }
0x30: {  	s3 =	sld [smem:$0x3FB0]  }
0x31: {  	[smem:$0x3FB9] =	sst s10  }
0x32: {  	s10 =	sld [smem:$0x3FB7];
	_ =	sdelay $0x3  }
0x33: {  	p0 =	seq.s32 s10, $0x1;
	s10 =	sld [smem:$0x3FB9];
	_ =	sdelay $0x3  }
0x34: {  	[smem:$0x3FB9] =	sst s10  }
0x35: {  	s10 =	sld [smem:$0x3FB8];
	_ =	sdelay $0x3  }
0x36: {  	p1 =	seq.s32 s10, $0x1;
	s10 =	sld [smem:$0x3FB9];
	_ =	sdelay $0x3  }
0x37: {  	[smem:$0x3FB9] =	sst s10  }
0x38: {  	s10 =	sld [smem:$0x3FBA]  }
0x39: {  	_ = 	snop;
	(pc) =	sbr.ind lr, $3  }
0x3a: {  	_ = 	snop  }
0x3b: {  	_ = 	snop  }
0x3c: {  	p2 =	seq.s32 s10, $0x1;
	s10 =	sld [smem:$0x3FB9]  }
0x3d: {  	_ =	shalt  }
0x3e: {  	_ =	shalt  }
0x3f: {  	_ =	shalt  }
0x40: {  	_ =	shalt  }
0x41: {  	_ =	shalt  }
0x42: {  	_ =	shalt  }
0x43: {  	_ =	shalt  }
0x44: {  	_ =	shalt  }
0x45: {  	_ =	shalt  }
0x46: {  	_ =	shalt  }
0x47: {  	_ =	shalt  }
0x48: {  	_ =	shalt  }
0x49: {  	_ =	shalt  }
0x4a: {  	_ =	shalt  }
0x4b: {  	_ =	shalt  }
0x4c: {  	_ =	shalt  }
0x4d: {  	_ =	shalt  }
0x4e: {  	_ =	shalt  }
0x4f: {  	_ =	shalt  }
0x50: {  	_ =	shalt  }
0x51: {  	_ =	shalt  }
0x52: {  	_ =	shalt  }
0x53: {  	_ =	shalt  }
0x54: {  	_ =	shalt  }
0x55: {  	_ =	shalt  }
0x56: {  	_ =	shalt  }
0x57: {  	_ =	shalt  }
0x58: {  	_ =	shalt  }
0x59: {  	_ =	shalt  }
0x5a: {  	_ =	shalt  }
0x5b: {  	_ =	shalt  }
0x5c: {  	_ =	shalt  }
0x5d: {  	_ =	shalt  }
0x5e: {  	_ =	shalt  }
0x5f: {  	_ =	shalt  }
0x60: {  	_ =	shalt  }
0x61: {  	_ =	shalt  }
0x62: {  	_ =	shalt  }
0x63: {  	_ =	shalt  }
0x64: {  	_ =	shalt  }
0x65: {  	_ =	shalt  }
0x66: {  	_ =	shalt  }
0x67: {  	_ =	shalt  }
0x68: {  	_ =	shalt  }
0x69: {  	_ =	shalt  }
0x6a: {  	_ =	shalt  }
0x6b: {  	_ =	shalt  }
0x6c: {  	_ =	shalt  }
0x6d: {  	_ =	shalt  }
0x6e: {  	_ =	shalt  }
0x6f: {  	_ =	shalt  }
0x70: {  	_ =	shalt  }
0x71: {  	_ =	shalt  }
0x72: {  	_ =	shalt  }
0x73: {  	_ =	shalt  }
0x74: {  	_ =	shalt  }
0x75: {  	_ =	shalt  }
0x76: {  	_ =	shalt  }
0x77: {  	_ =	shalt  }
0x78: {  	_ =	shalt  }
0x79: {  	_ =	shalt  }
0x7a: {  	_ =	shalt  }
0x7b: {  	_ =	shalt  }
0x7c: {  	_ =	shalt  }
0x7d: {  	_ =	shalt  }
0x7e: {  	_ =	shalt  }
0x7f: {  	_ =	shalt  }
0x80: {  	_ =	shalt  }
0x81: {  	_ =	shalt  }
0x82: {  	_ =	shalt  }
0x83: {  	_ =	shalt  }
0x84: {  	_ =	shalt  }
0x85: {  	_ =	shalt  }
0x86: {  	_ =	shalt  }
0x87: {  	_ =	shalt  }
.Lfunc_end0:
.L_simem_size_0:
called_computation_lowered:
.L_overlay_start_0:
0x88: {  	s2 =	sld [smem:$0x3FD9]  }
0x89: {  	s3 =	sld [smem:$0x3FFE];
	_ =	sdelay $0x1  }
0x8a: {  	s1 =	srdreg.scid  }
0x8b: {  	s0 =	sand.u32 $0x1, s1  }
0x8c: {  	s17 =	sshll.u32 s0, $0xA;
	s2 =	sadd.s32 s3, s2  }
0x8d: {  	s2 =	sadd.s32 s2, s17  }
0x8e: {  	[smem:$0x3FC5] =	sst s2  }
0x8f: {  	_ = 	snop  }
0x90: {  	s2 =	sld [smem:$0x3FC9]  }
0x91: {  	s18 =	sld [smem:$0x3FC8]  }
0x92: {  	s4 =	sld [smem:$0x3FC7];
	(tm) =	ssettm $0x1  }
0x93: {  	s5 =	sld [smem:$0x3FFB];
	_ =	sdelay $0x3  }
0x94: {  	_ =	strace s5  }
0x95: {  	s5 =	sld [smem:$0x3FFC];
	_ =	sdelay $0x3  }
0x96: {  	_ =	strace s5  }
0x97: {  	s5 =	sld [smem:$0x3FFD];
	_ =	sdelay $0x3  }
0x98: {  	_ =	strace s5  }
0x99: {  	_ =	strace $0x8FFFFFFF  }
0x9a: {  	s19 =	sld [smem:$0x3FDB];
	_ =	sdelay $0x1  }
0x9b: {  	s6 =	simm.s32 $_scs_section_size  }
0x9c: {  	s7 =	simm.s32 $_size__tile_overlayer_lowered;
	s8 =	simm.s32 $_tile_overlayer_lowered  }
0x9d: {  	s22 =	simm.s32 $0x1BFF;
	s21 =	sshll.u32 s8, $0x1;
	s5 =	sadd.s32 s6, s19  }
0x9e: {  	s9 =	simm.s32 $0x0;
	s20 =	sshll.u32 s7, $0x1;
	s7 =	sadd.s32 s21, s5  }
0x9f: {  	[timem:s9], [sflag:s22] =	dma.local [hbm:s7], s20  }
0xa0: {  	_ =	swait.ge [sflag:s22], s20  }
0xa1: {  	s6 =	ssub.s32 $0x0, s20;
	[sflag:s22] =	ssyncset.done $0x0  }
0xa2: {  	[sflag:s22] =	ssyncadd.s32 s6;
	_ =	sdelay $0x1  }
0xa3: {  	s23 =	simm.s32 $0x1B8B  }
0xa4: {  	_ =	swait.ge [sflag:s23], $0x1  }
0xa5: {  	[sflag:s23] =	ssyncset.done $0x0  }
0xa6: {  	s25 =	simm.s32 $0x1B8E;
	s24 =	sld [smem:$0x3FFE];
	[sflag:s23] =	ssyncadd.s32 $0xFFFFFFFF  }
0xa7: {  	s26 =	simm.s32 $execute0_lowered;
	[smem:$0x3FD2] =	sst s25  }
0xa8: {  	s7 =	sshll.u32 s26, $0x1;
	_ =	strace $0x80000046;
	[dreg:$0x1] =	wrdreg $0xFFFFFFFF  }
0xa9: {  	s28 =	simm.s32 $_size_execute0_lowered;
	s5 =	sadd.s32 s5, s7;
	[dreg:$0x0] =	wrdreg $0x0  }
0xaa: {  	s7 =	sshll.u32 s28, $0x1;
	[dreg:$0x2] =	wrdreg s5  }
0xab: {  	[dreg:$0x3] =	wrdreg s7  }
0xac: {  	[dreg:$0x4] =	wrdreg $0xC0  }
0xad: {  	_ =	task [dreg:s9], $0x5FFFF  }
0xae: {  	[dreg:$0x1] =	wrdreg $0xFFFFFFFF  }
0xaf: {  	[dreg:$0x0] =	wrdreg $0x60  }
0xb0: {  	[dreg:$0x2] =	wrdreg s2  }
0xb1: {  	[dreg:$0x3] =	wrdreg s18  }
0xb2: {  	[dreg:$0x4] =	wrdreg s4  }
0xb3: {  	[dreg:$0x5] =	wrdreg s24  }
0xb4: {  	[dreg:$0x6] =	wrdreg $0x9  }
0xb5: {  	_ =	task.clear_ibuf [dreg:s9], $0x7FFFF;
	_ =	strace $0x90000046  }
0xb6: {  	s29 =	simm.s32 $0x9;
	_ =	strace $0x80000048  }
0xb7: {  	_ =	swait.ge [sflag:s29], $0x1  }
0xb8: {  	[sflag:s29] =	ssyncadd.s32 $0xFFFFFFFF  }
0xb9: {  	_ =	strace $0x90000048  }
0xba: {  	_ =	sfence  }
0xbb: {  	s30 =	sld [smem:$0x0];
	_ =	sdelay $0x2  }
0xbc: {  	s31 =	sshll.u32 s1, $0xD;
	s1 =	sshrl.u32 s1, $0x2  }
0xbd: {  	s3 =	sand.u32 $0x4000, s31;
	s1 =	sadd.s32 s1, s30  }
0xbe: {  	s0 =	sor.u32 s3, s0;
	s1 =	sshll.u32 s1, $0x11  }
0xbf: {  	s0 =	sor.u32 s1, s0  }
0xc0: {  	s0 =	sadd.s32 $0x8F2B, s0  }
0xc1: {  	[sflag:s0] =	ssyncadd.remote.s32 $0x1  }
0xc2: {  	_ =	sfence.sel $0xFFFF  }
0xc3: {  	[dreg:$0x0] =	wrdreg $0xFFFFFFFF;
	(pc) =	sbr.abs _section_cstart, $3  }
0xc4: {  	[dreg:$0x1] =	wrdreg $0xFFFFFFFF  }
0xc5: {  	_ =	task.clear_ibuf [dreg:s9], $0x2FFFF;
	_ =	strace $0x9FFFFFFF  }
0xc6: {  	(tm) =	ssettm $0x7FFFFFFF  }
0xc7: {  	_ =	shalt  }
tec
execute0_lowered:
.L_overlay_start_1:
0x0: {  	(tag) =	ssettag $0x1  }
0x1: {  	s0 =	rddreg [dreg:$0x0]  }
0x2: {  	s1 =	rddreg [dreg:$0x1]  }
0x3: {  	s2 =	rddreg [dreg:$0x3];
	s3 =	srdreg.scid  }
0x4: {  	s4 =	simm.s32 $0x0;
	s5 =	stileid.u32;
	s14 =	simm.s32 $0x4  }
0x5: {  	v13 =	vlaneseq.u32;
	s17 =	simm.s32 $0x1880;
	s20 =	simm.s32 $0x1;
	s21 =	simm.s32 $0x19880  }
0x6: {  	s22 =	simm.s32 $0x19A00;
	s23 =	simm.s32 $0x2;
	s24 =	simm.s32 $0x3;
	v0 =	vmul.u32 $0x11, v13  }
0x7: {  	s25 =	simm.s32 $0x0;
	s3 =	sand.u32 $0x1, s3;
	[smem:$0x7FF] =	sst s4;
	v13 =	vmul.u32 $0x80, v13  }
0x8: {  	s5 =	sshll.u32 s5, $0x7;
	s6 =	sshll.u32 s3, $0x6;
	s3 =	ssub.s32 $0x2, s3;
	v1 =	vadd.s32 $0x1, v0;
	v2 =	vadd.s32 $0x2, v0;
	v3 =	vadd.s32 $0x3, v0  }
0x9: {  	_ =	strace $0x80000047;
	s5 =	sor.u32 s6, s5;
	s7 =	sshrl.u32 s3, $0x1;
	v4 =	vadd.s32 $0x4, v0;
	v5 =	vadd.s32 $0x5, v0;
	v6 =	vadd.s32 $0x6, v0  }
0xa: {  	v7 =	vadd.s32 $0x7, v0;
	v8 =	vadd.s32 $0x8, v0;
	v9 =	vadd.s32 $0x9, v0;
	s6 =	sshll.u32 s5, $0x4;
	s5 =	sshll.u32 s5, $0x8;
	s3 =	ssub.s32 s3, s7  }
0xb: {  	v10 =	vadd.s32 $0xA, v0;
	v11 =	vadd.s32 $0xB, v0;
	v12 =	vadd.s32 $0xC, v0;
	s2 =	sadd.s32 s6, s2;
	s0 =	sadd.s32 s5, s0;
	s5 =	sadd.s32 $0x10, s1  }
0xc: {  	v14 =	vadd.s32 $0xD, v0;
	v15 =	vadd.s32 $0xE, v0;
	v16 =	vadd.s32 $0xF, v0;
	s11 =	smax.u32 s3, $0x1;
	s6 =	sadd.s32 $0x180000, s0;
	s7 =	sadd.s32 $0x181000, s0  }
0xd: {  	v17 =	vor.u32 $0x1, v13;
	v18 =	vor.u32 $0x800, v13;
	v19 =	vor.u32 $0x801, v13;
	s8 =	sadd.s32 $0x182000, s0;
	s9 =	sadd.s32 $0x183000, s0;
	s10 =	sadd.s32 $0x800, s2  }
.LBB2_1:
0xe: {  	s0 =	rddreg [dreg:$0x1];
	s1 =	simm.s32 $0x80;
	s2 =	simm.s32 $0x100  }
0xf: {  	[tilespmem:s4], [sflag:$0x4] =	stream.strided.gather [hbm4b:s0+s1], $0x800, s2, s1, $0x38;
	[tilespmem:$0x1BA00] =	vst v63  }
0x10: {  	_ =	swait.ge [sflag:s14], $0x800  }
0x11: {  	[sflag:s14] =	ssyncset.done $0x0  }
0x12: {  	s29 =	simm.s32 $0x880;
	[sflag:s14] =	ssyncadd.s32 $0xFFFFF800  }
0x13: {  	[tilespmem:s29], [sflag:$0x4] =	stream.strided.gather [hbm4b:s5+s1], $0x800, s2, s1, $0x38;
	[tilespmem:$0x1BA00] =	vst v63  }
0x14: {  	_ =	swait.ge [sflag:s14], $0x800  }
0x15: {  	[sflag:s14] =	ssyncset.done $0x0  }
0x16: {  	[sflag:s14] =	ssyncadd.s32 $0xFFFFF800  }
0x17: {  	s31 =	simm.s32 $0x800;
	s30 =	rddreg [dreg:$0x2]  }
0x18: {  	[tilespmem:s31], [sflag:$0x4] =	stream.linear.gather [hbm4b:s30+s4], $0x2, $0x38;
	[tilespmem:$0x1BA00] =	vst v63  }
0x19: {  	_ =	swait.ge [sflag:s14], $0x2  }
0x1a: {  	[sflag:s14] =	ssyncset.done $0x0  }
0x1b: {  	s15 =	simm.s32 $0x20;
	[sflag:s14] =	ssyncadd.s32 $0xFFFFFFFE  }
0x1c: {  	s0 =	simm.s32 $0x8A0;
	v25 =	vld [tilespmem:s15+$0x10]  }
0x1d: {  	v26 =	vld [tilespmem:s0+$0x10]  }
0x1e: {  	v22 =	vld [tilespmem:s0+$0xFFFFFFE0]  }
0x1f: {  	v20 =	vld [tilespmem:s15+$0xFFFFFFF0]  }
0x20: {  	v24 =	vld [tilespmem:s0+$0xFFFFFFF0]  }
0x21: {  	v21 =	vld [tilespmem:s15+$0x0]  }
0x22: {  	v23 =	vld [tilespmem:s0+$0x0];
	v26 =	vsub.f32 v25, v26  }
0x23: {  	s3 =	simm.s32 $0x0;
	s2 =	simm.s32 $0x10A0;
	v25 =	vld [tilespmem:s15+$0xFFFFFFE0];
	s15 =	simm.s32 $0x60  }
.LBB2_2:
0x24: {  	v27 =	vld [tilespmem:s15+$0x10];
	[tilespmem:s2+$0x10] =	vst v26;
	s0 =	sadd.s32 $0x40, s0  }
0x25: {  	s3 =	sadd.s32 $0x40, s3;
	v26 =	vld [tilespmem:s0+$0x10];
	v24 =	vsub.f32 v20, v24  }
0x26: {  	p0 =	slt.u32 s3, $0x7C0;
	v28 =	vld [tilespmem:s0+$0xFFFFFFE0]  }
.Ltmp0:
0x27: {  	v20 =	vld [tilespmem:s15+$0xFFFFFFF0];
	[tilespmem:s2+$0xFFFFFFF0] =	vst v24;
	v23 =	vsub.f32 v21, v23;
	(pc) =	sbr.rel @p0 .LBB2_2-.Ltmp0, $4  }
0x28: {  	v24 =	vld [tilespmem:s0+$0xFFFFFFF0];
	v29 =	vsub.f32 v25, v22  }
0x29: {  	v21 =	vld [tilespmem:s15+$0x0];
	[tilespmem:s2+$0x0] =	vst v23  }
0x2a: {  	v23 =	vld [tilespmem:s0+$0x0];
	v26 =	vsub.f32 v27, v26;
	[tilespmem:s2+$0xFFFFFFE0] =	vst v29  }
0x2b: {  	s2 =	sadd.s32 $0x40, s2;
	v25 =	vld [tilespmem:s15+$0xFFFFFFE0];
	s15 =	sadd.s32 $0x40, s15;
	v22 =	vmov v28  }
0x2c: {  	_ =	sdelay $0x1  }
0x2d: {  	v20 =	vsub.f32 v20, v24  }
0x2e: {  	[tilespmem:s2+$0x10] =	vst v26;
	v21 =	vsub.f32 v21, v23  }
0x2f: {  	[tilespmem:s2+$0xFFFFFFF0] =	vst v20;
	v20 =	vsub.f32 v25, v22  }
0x30: {  	[tilespmem:s2+$0x0] =	vst v21  }
0x31: {  	s26 =	simm.s32 $0x0;
	[tilespmem:s2+$0xFFFFFFE0] =	vst v20  }
0x32: {  	v20 =	vld [tilespmem:$0x800];
	[tilespmem:s17], [sflag:$0x1] =	stream.linear.gather [hbm4b:s6+s26], $0x8000, $0x38  }
0x33: {  	s0 =	simm.s32 $0x9880  }
0x34: {  	[tilespmem:s0], [sflag:$0x2] =	stream.linear.gather [hbm4b:s7+s26], $0x8000, $0x38;
	[tilespmem:$0x1BA00] =	vst v63  }
0x35: {  	s19 =	simm.s32 $0x11880  }
0x36: {  	[tilespmem:s19], [sflag:$0x3] =	stream.linear.gather [hbm4b:s8+s26], $0x8000, $0x38;
	[tilespmem:$0x1BA00] =	vst v63  }
0x37: {  	s28 =	simm.s32 $0x0;
	s29 =	simm.s32 $0x1080;
	_ =	swait.ge [sflag:s20], $0x8000  }
0x38: {  	s3 =	sand.u32 $0x3C00, s26;
	s0 =	sand.u32 $0x60, s28;
	[sflag:s20] =	ssyncset.done $0x0  }
0x39: {  	s1 =	sand.u32 $0x780, s28;
	s30 =	sor.u32 $0x10, s0;
	[sflag:s20] =	ssyncadd.s32 $0xFFFF8000  }
0x3a: {  	s31 =	sadd.s32 $0x1880, s3;
	s2 =	sor.u32 s30, s1;
	v22 =	vld [tilespmem:s29+$0x0]  }
0x3b: {  	s12 =	sor.u32 s30, s31;
	v21 =	vld [tilespmem:s2+$0x1080]  }
0x3c: {  	v23 =	vld [tilespmem:s12+$0x0]  }
0x3d: {  	v24 =	vld [tilespmem:s12+$0x80]  }
0x3e: {  	v25 =	vld [tilespmem:s12+$0x100]  }
0x3f: {  	v26 =	vld [tilespmem:s12+$0x180]  }
0x40: {  	s19 =	sadd.s32 $0x5880, s3;
	v27 =	vld [tilespmem:s12+$0x200]  }
0x41: {  	s1 =	sadd.s32 $0x5900, s3;
	s13 =	sor.u32 s30, s19;
	v28 =	vld [tilespmem:s12+$0x280]  }
0x42: {  	s15 =	sor.u32 s30, s1;
	v29 =	vld [tilespmem:s13+$0x0]  }
0x43: {  	s31 =	sor.u32 s0, s31;
	v30 =	vld [tilespmem:s15+$0x0]  }
0x44: {  	v35 =	vld [tilespmem:s31+$0x0]  }
0x45: {  	v36 =	vld [tilespmem:s31+$0x80]  }
0x46: {  	v41 =	vld [tilespmem:s31+$0x100]  }
0x47: {  	s18 =	sadd.s32 $0x5980, s3;
	v43 =	vld [tilespmem:s31+$0x180]  }
0x48: {  	s16 =	sadd.s32 $0x5A00, s3;
	s12 =	sor.u32 s30, s18;
	v47 =	vld [tilespmem:s31+$0x200]  }
0x49: {  	s15 =	sadd.s32 $0x5A80, s3;
	v31 =	vld [tilespmem:s12+$0x0];
	s12 =	sor.u32 s30, s16;
	v42 =	vmul.f32 v23, v21  }
0x4a: {  	s2 =	sadd.s32 $0x5B00, s3;
	s13 =	sor.u32 s30, s15;
	v32 =	vld [tilespmem:s12+$0x0];
	v24 =	vmul.f32 v24, v21;
	v25 =	vmul.f32 v25, v21  }
0x4b: {  	v33 =	vld [tilespmem:s13+$0x0];
	s13 =	sor.u32 s30, s2;
	v44 =	vmul.f32 v26, v21;
	v46 =	vmul.f32 v27, v21  }
0x4c: {  	v34 =	vld [tilespmem:s13+$0x0];
	s13 =	sand.u32 $0x3, s26;
	v45 =	vmul.f32 v28, v21;
	v40 =	vmul.f32 v29, v21  }
0x4d: {  	s19 =	sor.u32 s0, s19;
	s12 =	sshll.u32 s13, $0x5;
	v27 =	vld [tilespmem:s31+$0x280];
	v38 =	vmul.f32 v30, v21;
	v57 =	vmul.f32 v36, v22  }
0x4e: {  	s1 =	sor.u32 s0, s1;
	s12 =	sadd.s32 $0x0, s12;
	v28 =	vld [tilespmem:s19+$0x0];
	v59 =	vmul.f32 v41, v22;
	v60 =	vmul.f32 v43, v22  }
0x4f: {  	v30 =	vld [tilespmem:s1+$0x0];
	v23 =	vimm.f32 $0.0e+00;
	v62 =	vmul.f32 v47, v22;
	v39 =	vmul.f32 v31, v21;
	s13 =	sor.u32 $0x300, s12  }
0x50: {  	v36 =	vimm.f32 $0.0e+00;
	v31 =	vmul.f32 v35, v22;
	s19 =	sor.u32 $0x380, s12;
	s12 =	sadd.s32 $0x10, s12;
	v37 =	vmul.f32 v32, v21;
	v58 =	vld [tilespmem:s13+$0x1880]  }
0x51: {  	v29 =	vmul.f32 v33, v21;
	v61 =	vld [tilespmem:s19+$0x1880];
	s13 =	sor.u32 $0x300, s12;
	v32 =	vadd.f32 v57, v23;
	v35 =	vadd.f32 v60, v23  }
0x52: {  	v41 =	vadd.f32 v62, v23;
	v26 =	vmul.f32 v34, v21;
	v63 =	vld [tilespmem:s13+$0x1880];
	v31 =	vadd.f32 v31, v23  }
0x53: {  	s19 =	sor.u32 $0x380, s12;
	v34 =	vadd.f32 v59, v23;
	v27 =	vmul.f32 v27, v22;
	v47 =	vmul.f32 v28, v22  }
0x54: {  	s12 =	sor.u32 s0, s18;
	v28 =	vld [tilespmem:s19+$0x1880];
	v48 =	vmul.f32 v30, v22;
	v30 =	vadd.f32 v42, v31;
	v31 =	vadd.f32 v24, v32  }
0x55: {  	v53 =	vld [tilespmem:s12+$0x0];
	s13 =	sor.u32 s0, s16;
	v32 =	vadd.f32 v25, v34;
	v34 =	vadd.f32 v44, v35;
	v35 =	vimm.f32 $0.0e+00  }
0x56: {  	s16 =	sor.u32 s0, s15;
	v51 =	vld [tilespmem:s13+$0x0];
	v25 =	vimm.f32 $0.0e+00;
	v33 =	vmul.f32 v58, v22;
	v24 =	vmul.f32 v61, v22  }
0x57: {  	s18 =	sor.u32 s0, s2;
	s2 =	sadd.s32 $0x5B80, s3;
	v49 =	vld [tilespmem:s16+$0x0];
	v42 =	vadd.f32 v27, v23;
	v27 =	vimm.f32 $0.0e+00;
	v54 =	vmul.f32 v63, v21  }
0x58: {  	s3 =	sadd.s32 $0x5C00, s3;
	v50 =	vld [tilespmem:s18+$0x0];
	s19 =	sor.u32 s0, s2;
	v43 =	vadd.f32 v33, v23;
	v44 =	vadd.f32 v24, v23;
	v33 =	vimm.f32 $0.0e+00  }
0x59: {  	s31 =	simm.s32 $0x0;
	s0 =	sor.u32 s0, s3;
	v52 =	vld [tilespmem:s19+$0x0];
	v24 =	vimm.f32 $0.0e+00;
	v55 =	vmul.f32 v28, v21;
	v28 =	vimm.f32 $0.0e+00  }
.LBB2_4:
0x5a: {  	s28 =	sadd.s32 $0x20, s28;
	v53 =	vmul.f32 v53, v22;
	v56 =	vld [tilespmem:s0+$0x0];
	v41 =	vadd.f32 v46, v41;
	v42 =	vadd.f32 v45, v42;
	s1 =	sor.u32 s30, s2;
	s26 =	sadd.s32 $0x100, s26  }
0x5b: {  	s29 =	sadd.s32 $0x20, s29;
	s0 =	sand.u32 $0x60, s28;
	v45 =	vmul.f32 v51, v22;
	v43 =	vadd.f32 v54, v43;
	v44 =	vadd.f32 v55, v44;
	v46 =	vld [tilespmem:s1+$0x0];
	s1 =	sor.u32 s30, s3  }
0x5c: {  	v23 =	vadd.f32 v47, v23;
	v36 =	vadd.f32 v48, v36;
	s3 =	sand.u32 $0x3C00, s26;
	s2 =	sand.u32 $0x780, s28;
	s30 =	sor.u32 $0x10, s0;
	v47 =	vmul.f32 v49, v22;
	v48 =	vld [tilespmem:s1+$0x0]  }
0x5d: {  	p0 =	slt.u32 s28, $0x7E0;
	s1 =	sadd.s32 $0x1880, s3;
	v35 =	vadd.f32 v53, v35;
	v49 =	vld [tilespmem:s29+$0x0];
	s2 =	sor.u32 s30, s2;
	v33 =	vadd.f32 v45, v33;
	v45 =	vmul.f32 v50, v22  }
0x5e: {  	v23 =	vadd.f32 v40, v23;
	v36 =	vadd.f32 v38, v36;
	v50 =	vld [tilespmem:s2+$0x1080];
	s2 =	sor.u32 s30, s1;
	v51 =	vmul.f32 v52, v22  }
0x5f: {  	v35 =	vadd.f32 v39, v35;
	v38 =	vld [tilespmem:s2+$0x0];
	v52 =	vmul.f32 v56, v22;
	v33 =	vadd.f32 v37, v33  }
0x60: {  	v28 =	vadd.f32 v47, v28;
	v27 =	vadd.f32 v45, v27;
	v37 =	vld [tilespmem:s2+$0x80];
	v39 =	vmul.f32 v46, v21  }
0x61: {  	v25 =	vadd.f32 v51, v25;
	v40 =	vld [tilespmem:s2+$0x100];
	v24 =	vadd.f32 v52, v24;
	v46 =	vmul.f32 v48, v21  }
0x62: {  	v28 =	vadd.f32 v29, v28;
	v27 =	vadd.f32 v26, v27;
	v45 =	vld [tilespmem:s2+$0x180];
	v22 =	vmov v49  }
0x63: {  	s12 =	sadd.s32 $0x5880, s3;
	v25 =	vadd.f32 v39, v25;
	v26 =	vld [tilespmem:s2+$0x200];
	v24 =	vadd.f32 v46, v24;
	v21 =	vmov v50  }
0x64: {  	s19 =	sadd.s32 $0x5900, s3;
	v29 =	vld [tilespmem:s2+$0x280];
	s2 =	sor.u32 s30, s12  }
0x65: {  	s18 =	sadd.s32 $0x5980, s3;
	v39 =	vld [tilespmem:s2+$0x0];
	s2 =	sor.u32 s30, s19  }
0x66: {  	s15 =	sadd.s32 $0x5A00, s3;
	v47 =	vld [tilespmem:s2+$0x0];
	s2 =	sor.u32 s30, s18  }
0x67: {  	s16 =	sadd.s32 $0x5A80, s3;
	s13 =	sor.u32 s30, s15;
	v48 =	vld [tilespmem:s2+$0x0]  }
0x68: {  	s2 =	sadd.s32 $0x5B00, s3;
	v49 =	vld [tilespmem:s13+$0x0];
	s13 =	sor.u32 s30, s16  }
0x69: {  	v50 =	vld [tilespmem:s13+$0x0];
	s13 =	sor.u32 s30, s2  }
0x6a: {  	s1 =	sor.u32 s0, s1;
	v51 =	vld [tilespmem:s13+$0x0]  }
0x6b: {  	v52 =	vld [tilespmem:s1+$0x0]  }
0x6c: {  	v53 =	vld [tilespmem:s1+$0x80]  }
0x6d: {  	v55 =	vmul.f32 v38, v21;
	v56 =	vmul.f32 v37, v21;
	v54 =	vld [tilespmem:s1+$0x100]  }
0x6e: {  	s31 =	sadd.s32 $0x1, s31;
	v58 =	vmul.f32 v40, v21;
	v59 =	vmul.f32 v45, v21;
	v57 =	vld [tilespmem:s1+$0x180]  }
0x6f: {  	v46 =	vmul.f32 v26, v21;
	v45 =	vmul.f32 v29, v21;
	s13 =	sand.u32 $0x3, s31;
	v60 =	vld [tilespmem:s1+$0x200]  }
0x70: {  	v40 =	vmul.f32 v39, v21;
	s13 =	sshll.u32 s13, $0x5;
	v38 =	vmul.f32 v47, v21;
	v61 =	vld [tilespmem:s1+$0x280];
	s1 =	sor.u32 s0, s12  }
0x71: {  	v39 =	vmul.f32 v48, v21;
	v37 =	vmul.f32 v49, v21;
	s12 =	sadd.s32 s13, s26;
	v47 =	vld [tilespmem:s1+$0x0];
	s1 =	sor.u32 s0, s19  }
0x72: {  	v29 =	vmul.f32 v50, v21;
	v26 =	vmul.f32 v51, v21;
	s13 =	sor.u32 $0x300, s12;
	v48 =	vld [tilespmem:s1+$0x0]  }
0x73: {  	v49 =	vmul.f32 v52, v22;
	v50 =	vmul.f32 v53, v22;
	s1 =	sor.u32 $0x380, s12;
	s12 =	sadd.s32 $0x10, s12;
	v51 =	vld [tilespmem:s13+$0x1880]  }
0x74: {  	v52 =	vmul.f32 v54, v22;
	v53 =	vmul.f32 v57, v22;
	v54 =	vld [tilespmem:s1+$0x1880];
	s1 =	sor.u32 $0x300, s12  }
0x75: {  	v57 =	vmul.f32 v60, v22;
	v60 =	vmul.f32 v61, v22;
	v61 =	vld [tilespmem:s1+$0x1880];
	s1 =	sor.u32 $0x380, s12  }
0x76: {  	v30 =	vadd.f32 v49, v30;
	v31 =	vadd.f32 v50, v31;
	s12 =	sor.u32 s0, s18;
	v47 =	vmul.f32 v47, v22;
	v62 =	vld [tilespmem:s1+$0x1880]  }
.Ltmp1:
0x77: {  	v32 =	vadd.f32 v52, v32;
	v34 =	vadd.f32 v53, v34;
	s1 =	sor.u32 s0, s15;
	v48 =	vmul.f32 v48, v22;
	v53 =	vld [tilespmem:s12+$0x0];
	(pc) =	sbr.rel @p0 .LBB2_4-.Ltmp1, $4  }
0x78: {  	v30 =	vadd.f32 v55, v30;
	v31 =	vadd.f32 v56, v31;
	v52 =	vmul.f32 v51, v22;
	v51 =	vld [tilespmem:s1+$0x0];
	s1 =	sor.u32 s0, s16  }
0x79: {  	v32 =	vadd.f32 v58, v32;
	v34 =	vadd.f32 v59, v34;
	v55 =	vmul.f32 v54, v22;
	v49 =	vld [tilespmem:s1+$0x0];
	s1 =	sor.u32 s0, s2;
	s2 =	sadd.s32 $0x5B80, s3  }
0x7a: {  	v41 =	vadd.f32 v57, v41;
	v42 =	vadd.f32 v60, v42;
	s3 =	sadd.s32 $0x5C00, s3;
	v50 =	vld [tilespmem:s1+$0x0];
	s1 =	sor.u32 s0, s2;
	v54 =	vmul.f32 v61, v21  }
0x7b: {  	v43 =	vadd.f32 v52, v43;
	s0 =	sor.u32 s0, s3;
	v44 =	vadd.f32 v55, v44;
	v52 =	vld [tilespmem:s1+$0x0];
	v55 =	vmul.f32 v62, v21  }
0x7c: {  	v56 =	vld [tilespmem:s0+$0x0];
	s12 =	sor.u32 s30, s2  }
0x7d: {  	s13 =	sor.u32 s30, s3;
	v57 =	vld [tilespmem:s12+$0x0]  }
0x7e: {  	v58 =	vld [tilespmem:s13+$0x0];
	[tilespmem:$0x19880] =	vst v30  }
0x7f: {  	[tilespmem:$0x19891] =	vst v31  }
0x80: {  	v30 =	vadd.f32 v46, v41;
	[tilespmem:$0x198A2] =	vst v32  }
0x81: {  	v31 =	vadd.f32 v45, v42;
	[tilespmem:$0x198B3] =	vst v34  }
0x82: {  	v62 =	vmul.f32 v53, v22;
	v23 =	vadd.f32 v47, v23;
	v63 =	vadd.f32 v54, v43;
	[tilespmem:$0x198C4] =	vst v30  }
0x83: {  	v36 =	vadd.f32 v48, v36;
	v44 =	vadd.f32 v55, v44;
	v30 =	vmul.f32 v51, v22;
	[tilespmem:$0x198D5] =	vst v31  }
0x84: {  	v32 =	vadd.f32 v62, v35;
	v23 =	vadd.f32 v40, v23;
	v31 =	vmul.f32 v49, v22;
	[tilespmem:$0x198E6] =	vst v63  }
0x85: {  	v46 =	vadd.f32 v38, v36;
	v45 =	vmul.f32 v50, v22;
	[tilespmem:$0x198F7] =	vst v44;
	v30 =	vadd.f32 v30, v33  }
0x86: {  	v47 =	vmul.f32 v52, v22;
	v32 =	vadd.f32 v39, v32;
	[tilespmem:$0x19908] =	vst v23;
	v28 =	vadd.f32 v31, v28  }
0x87: {  	[tilespmem:$0x19919] =	vst v46;
	v22 =	vmul.f32 v56, v22;
	v27 =	vadd.f32 v45, v27;
	v23 =	vadd.f32 v37, v30  }
0x88: {  	v25 =	vadd.f32 v47, v25;
	[tilespmem:$0x1992A] =	vst v32;
	v30 =	vmul.f32 v57, v21;
	v28 =	vadd.f32 v29, v28  }
0x89: {  	v22 =	vadd.f32 v22, v24;
	v21 =	vmul.f32 v58, v21;
	v24 =	vadd.f32 v26, v27;
	[tilespmem:$0x1993B] =	vst v23  }
0x8a: {  	v23 =	vadd.f32 v30, v25;
	[tilespmem:$0x1994C] =	vst v28  }
0x8b: {  	v21 =	vadd.f32 v21, v22;
	[tilespmem:$0x1995D] =	vst v24  }
0x8c: {  	[tilespmem:$0x1996E] =	vst v23  }
0x8d: {  	[tilespmem:$0x1997F] =	vst v21  }
0x8e: {  	v21 =	vld.idx.msk [tilespmem:v0+s21+$0x0], $0xffff;
	_ =	sdelay $0x1  }
0x8f: {  	v22 =	vld.idx.msk [tilespmem:v1+s21+$0x0], $0xffff;
	_ =	sdelay $0x1  }
0x90: {  	v23 =	vld.idx.msk [tilespmem:v2+s21+$0x0], $0xffff  }
0x91: {  	v21 =	vadd.f32 $0.0e+00, v21  }
0x92: {  	v24 =	vld.idx.msk [tilespmem:v3+s21+$0x0], $0xffff  }
0x93: {  	v21 =	vadd.f32 v22, v21  }
0x94: {  	v22 =	vld.idx.msk [tilespmem:v4+s21+$0x0], $0xffff  }
0x95: {  	v21 =	vadd.f32 v23, v21  }
0x96: {  	v23 =	vld.idx.msk [tilespmem:v5+s21+$0x0], $0xffff  }
0x97: {  	v21 =	vadd.f32 v24, v21  }
0x98: {  	v24 =	vld.idx.msk [tilespmem:v6+s21+$0x0], $0xffff  }
0x99: {  	v21 =	vadd.f32 v22, v21  }
0x9a: {  	v22 =	vld.idx.msk [tilespmem:v7+s21+$0x0], $0xffff  }
0x9b: {  	v21 =	vadd.f32 v23, v21  }
0x9c: {  	v23 =	vld.idx.msk [tilespmem:v8+s21+$0x0], $0xffff  }
0x9d: {  	v21 =	vadd.f32 v24, v21  }
0x9e: {  	(v2sf) =	vpush v20, $0x0;
	v24 =	vld.idx.msk [tilespmem:v9+s21+$0x0], $0xffff  }
0x9f: {  	(v2sf) =	vpush v20, $0x1;
	v20 =	vadd.f32 v22, v21  }
0xa0: {  	v21 =	vld.idx.msk [tilespmem:v10+s21+$0x0], $0xffff  }
0xa1: {  	v20 =	vadd.f32 v23, v20  }
0xa2: {  	v22 =	vld.idx.msk [tilespmem:v11+s21+$0x0], $0xffff  }
0xa3: {  	v20 =	vadd.f32 v24, v20  }
0xa4: {  	v23 =	vld.idx.msk [tilespmem:v12+s21+$0x0], $0xffff  }
0xa5: {  	v20 =	vadd.f32 v21, v20  }
0xa6: {  	v21 =	vld.idx.msk [tilespmem:v14+s21+$0x0], $0xffff  }
0xa7: {  	v20 =	vadd.f32 v22, v20  }
0xa8: {  	v22 =	vld.idx.msk [tilespmem:v15+s21+$0x0], $0xffff  }
0xa9: {  	v20 =	vadd.f32 v23, v20  }
0xaa: {  	v23 =	vld.idx.msk [tilespmem:v16+s21+$0x0], $0xffff  }
0xab: {  	v20 =	vadd.f32 v21, v20;
	_ =	sdelay $0x1  }
0xac: {  	s15 =	spop (v2sf);
	v20 =	vadd.f32 v22, v20  }
0xad: {  	s1 =	spop (v2sf)  }
0xae: {  	s31 =	ssub.f32 s15, s1;
	v20 =	vadd.f32 v23, v20;
	_ =	sdelay $0x1  }
0xaf: {  	v20 =	vadd.f32 s31, v20;
	_ =	sdelay $0x1  }
0xb0: {  	v20 =	vsub.f32 $0.0e+00, v20;
	_ =	sdelay $0x1  }
0xb1: {  	v20 =	vmul.f32 $1.442695020e+00, v20;
	_ =	sdelay $0x1  }
0xb2: {  	(erf) = vpow2.f32 v20;
	_ =	sdelay $0x8  }
0xb3: {  	v20 =	vpop (erf)  }
0xb4: {  	v20 =	vadd.f32 $1.000000000e+00, v20;
	_ =	sdelay $0x1  }
0xb5: {  	(erf) = vrcp.f32 v20;
	_ =	sdelay $0x8  }
0xb6: {  	v20 =	vpop (erf)  }
0xb7: {  	v21 =	vsub.f32 $1.000000000e+00, v20  }
0xb8: {  	[tilespmem:v13+s22+$0x0] =	vst.idx.msk $0xffff, v20  }
0xb9: {  	s26 =	simm.s32 $0x0;
	[tilespmem:v17+s22+$0x0] =	vst.idx.msk $0xffff, v21  }
0xba: {  	[tilespmem:s17], [sflag:$0x1] =	stream.linear.gather [hbm4b:s9+s26], $0x8000, $0x38;
	[tilespmem:$0x1BA00] =	vst v63  }
0xbb: {  	s28 =	simm.s32 $0x0;
	s29 =	simm.s32 $0x1080;
	_ =	swait.ge [sflag:s23], $0x8000  }
0xbc: {  	s0 =	sand.u32 $0x60, s28;
	s3 =	sand.u32 $0x3C00, s26;
	[sflag:s23] =	ssyncset.done $0x0  }
0xbd: {  	s16 =	sand.u32 $0x780, s28;
	s30 =	sor.u32 $0x10, s0;
	[sflag:s23] =	ssyncadd.s32 $0xFFFF8000  }
0xbe: {  	s12 =	sadd.s32 $0x9880, s3;
	s1 =	sor.u32 s30, s16;
	v22 =	vld [tilespmem:s29+$0x0]  }
0xbf: {  	s18 =	sor.u32 s30, s12;
	v21 =	vld [tilespmem:s1+$0x1080]  }
0xc0: {  	v20 =	vld [tilespmem:s18+$0x0]  }
0xc1: {  	v23 =	vld [tilespmem:s18+$0x80]  }
0xc2: {  	v24 =	vld [tilespmem:s18+$0x100]  }
0xc3: {  	v25 =	vld [tilespmem:s18+$0x180]  }
0xc4: {  	s13 =	sadd.s32 $0xD880, s3;
	v26 =	vld [tilespmem:s18+$0x200]  }
0xc5: {  	s19 =	sadd.s32 $0xD900, s3;
	s2 =	sor.u32 s30, s13;
	v27 =	vld [tilespmem:s18+$0x280]  }
0xc6: {  	s15 =	sor.u32 s30, s19;
	v28 =	vld [tilespmem:s2+$0x0]  }
0xc7: {  	s12 =	sor.u32 s0, s12;
	v29 =	vld [tilespmem:s15+$0x0]  }
0xc8: {  	v50 =	vld [tilespmem:s12+$0x0]  }
0xc9: {  	v51 =	vld [tilespmem:s12+$0x80]  }
0xca: {  	v52 =	vld [tilespmem:s12+$0x100]  }
0xcb: {  	s16 =	sadd.s32 $0xDA00, s3;
	v55 =	vld [tilespmem:s12+$0x180]  }
0xcc: {  	s18 =	sadd.s32 $0xD980, s3;
	s1 =	sor.u32 s30, s16;
	v57 =	vld [tilespmem:s12+$0x200]  }
0xcd: {  	s15 =	sadd.s32 $0xDA80, s3;
	s2 =	sor.u32 s30, s18;
	v31 =	vld [tilespmem:s1+$0x0]  }
0xce: {  	s1 =	sor.u32 s30, s15;
	v30 =	vld [tilespmem:s2+$0x0];
	s2 =	sadd.s32 $0xDB00, s3;
	v53 =	vmul.f32 v20, v21;
	v54 =	vmul.f32 v23, v21  }
0xcf: {  	v48 =	vld [tilespmem:s1+$0x0];
	s1 =	sor.u32 s30, s2;
	v24 =	vmul.f32 v24, v21;
	v56 =	vmul.f32 v25, v21  }
0xd0: {  	v49 =	vld [tilespmem:s1+$0x0];
	s1 =	sand.u32 $0x3, s26;
	v46 =	vmul.f32 v26, v21;
	v45 =	vmul.f32 v27, v21  }
0xd1: {  	v35 =	vimm.f32 $0.0e+00;
	s13 =	sor.u32 s0, s13;
	v26 =	vld [tilespmem:s12+$0x280];
	s1 =	sshll.u32 s1, $0x5;
	v40 =	vmul.f32 v28, v21;
	v38 =	vmul.f32 v29, v21  }
0xd2: {  	v37 =	vimm.f32 $0.0e+00;
	v27 =	vld [tilespmem:s13+$0x0];
	s13 =	sor.u32 s0, s19;
	v59 =	vmul.f32 v52, v22;
	v60 =	vmul.f32 v55, v22;
	s1 =	sadd.s32 $0x0, s1  }
0xd3: {  	v23 =	vimm.f32 $0.0e+00;
	v62 =	vmul.f32 v57, v22;
	v36 =	vmul.f32 v31, v21;
	v28 =	vld [tilespmem:s13+$0x0];
	s19 =	sor.u32 $0x300, s1  }
0xd4: {  	v20 =	vmov s31;
	v31 =	vmul.f32 v51, v22;
	v39 =	vmul.f32 v30, v21;
	s13 =	sor.u32 $0x380, s1;
	s1 =	sadd.s32 $0x10, s1;
	v58 =	vld [tilespmem:s19+$0x9880]  }
0xd5: {  	v30 =	vmul.f32 v50, v22;
	v33 =	vadd.f32 v59, v23;
	v34 =	vadd.f32 v60, v23;
	v61 =	vld [tilespmem:s13+$0x9880];
	s19 =	sor.u32 $0x300, s1  }
0xd6: {  	v29 =	vmul.f32 v48, v21;
	v41 =	vadd.f32 v62, v23;
	s1 =	sor.u32 $0x380, s1;
	v31 =	vadd.f32 v31, v23;
	v63 =	vld [tilespmem:s19+$0x9880]  }
0xd7: {  	v25 =	vmul.f32 v49, v21;
	v30 =	vadd.f32 v30, v23;
	v47 =	vmul.f32 v27, v22;
	v27 =	vld [tilespmem:s1+$0x9880]  }
0xd8: {  	s12 =	sor.u32 s0, s18;
	v32 =	vadd.f32 v24, v33;
	v34 =	vadd.f32 v56, v34;
	v33 =	vimm.f32 $0.0e+00  }
0xd9: {  	s13 =	sor.u32 s0, s16;
	v26 =	vmul.f32 v26, v22;
	v48 =	vmul.f32 v28, v22;
	v30 =	vadd.f32 v53, v30;
	v53 =	vld [tilespmem:s12+$0x0]  }
0xda: {  	s16 =	sor.u32 s0, s15;
	v51 =	vld [tilespmem:s13+$0x0];
	v31 =	vadd.f32 v54, v31;
	v28 =	vmul.f32 v58, v22;
	v24 =	vmul.f32 v61, v22  }
0xdb: {  	s18 =	sor.u32 s0, s2;
	s2 =	sadd.s32 $0xDB80, s3;
	v49 =	vld [tilespmem:s16+$0x0];
	v42 =	vadd.f32 v26, v23;
	v26 =	vimm.f32 $0.0e+00;
	v54 =	vmul.f32 v63, v21  }
0xdc: {  	s3 =	sadd.s32 $0xDC00, s3;
	v50 =	vld [tilespmem:s18+$0x0];
	s19 =	sor.u32 s0, s2;
	v43 =	vadd.f32 v28, v23;
	v44 =	vadd.f32 v24, v23;
	v55 =	vmul.f32 v27, v21  }
0xdd: {  	s31 =	simm.s32 $0x0;
	s0 =	sor.u32 s0, s3;
	v52 =	vld [tilespmem:s19+$0x0];
	v28 =	vimm.f32 $0.0e+00;
	v27 =	vimm.f32 $0.0e+00;
	v24 =	vimm.f32 $0.0e+00  }
.LBB2_6:
0xde: {  	s28 =	sadd.s32 $0x20, s28;
	v53 =	vmul.f32 v53, v22;
	v56 =	vld [tilespmem:s0+$0x0];
	v41 =	vadd.f32 v46, v41;
	v42 =	vadd.f32 v45, v42;
	s1 =	sor.u32 s30, s2;
	s26 =	sadd.s32 $0x100, s26  }
0xdf: {  	s29 =	sadd.s32 $0x20, s29;
	s0 =	sand.u32 $0x60, s28;
	v45 =	vmul.f32 v51, v22;
	v43 =	vadd.f32 v54, v43;
	v44 =	vadd.f32 v55, v44;
	v46 =	vld [tilespmem:s1+$0x0];
	s1 =	sor.u32 s30, s3  }
0xe0: {  	v23 =	vadd.f32 v47, v23;
	v37 =	vadd.f32 v48, v37;
	s3 =	sand.u32 $0x3C00, s26;
	s2 =	sand.u32 $0x780, s28;
	s30 =	sor.u32 $0x10, s0;
	v47 =	vmul.f32 v49, v22;
	v48 =	vld [tilespmem:s1+$0x0]  }
0xe1: {  	p0 =	slt.u32 s28, $0x7E0;
	s1 =	sadd.s32 $0x9880, s3;
	v35 =	vadd.f32 v53, v35;
	v49 =	vld [tilespmem:s29+$0x0];
	s2 =	sor.u32 s30, s2;
	v33 =	vadd.f32 v45, v33;
	v45 =	vmul.f32 v50, v22  }
0xe2: {  	v23 =	vadd.f32 v40, v23;
	v37 =	vadd.f32 v38, v37;
	v50 =	vld [tilespmem:s2+$0x1080];
	s2 =	sor.u32 s30, s1;
	v51 =	vmul.f32 v52, v22  }
0xe3: {  	v35 =	vadd.f32 v39, v35;
	v38 =	vld [tilespmem:s2+$0x0];
	v52 =	vmul.f32 v56, v22;
	v33 =	vadd.f32 v36, v33  }
0xe4: {  	v28 =	vadd.f32 v47, v28;
	v27 =	vadd.f32 v45, v27;
	v36 =	vld [tilespmem:s2+$0x80];
	v39 =	vmul.f32 v46, v21  }
0xe5: {  	v26 =	vadd.f32 v51, v26;
	v40 =	vld [tilespmem:s2+$0x100];
	v24 =	vadd.f32 v52, v24;
	v46 =	vmul.f32 v48, v21  }
0xe6: {  	v28 =	vadd.f32 v29, v28;
	v27 =	vadd.f32 v25, v27;
	v45 =	vld [tilespmem:s2+$0x180];
	v22 =	vmov v49  }
0xe7: {  	s12 =	sadd.s32 $0xD880, s3;
	v26 =	vadd.f32 v39, v26;
	v25 =	vld [tilespmem:s2+$0x200];
	v24 =	vadd.f32 v46, v24;
	v21 =	vmov v50  }
0xe8: {  	s13 =	sadd.s32 $0xD900, s3;
	v29 =	vld [tilespmem:s2+$0x280];
	s2 =	sor.u32 s30, s12  }
0xe9: {  	s18 =	sadd.s32 $0xD980, s3;
	v39 =	vld [tilespmem:s2+$0x0];
	s2 =	sor.u32 s30, s13  }
0xea: {  	s15 =	sadd.s32 $0xDA00, s3;
	v47 =	vld [tilespmem:s2+$0x0];
	s2 =	sor.u32 s30, s18  }
0xeb: {  	s16 =	sadd.s32 $0xDA80, s3;
	s19 =	sor.u32 s30, s15;
	v48 =	vld [tilespmem:s2+$0x0]  }
0xec: {  	s2 =	sadd.s32 $0xDB00, s3;
	v49 =	vld [tilespmem:s19+$0x0];
	s19 =	sor.u32 s30, s16  }
0xed: {  	v50 =	vld [tilespmem:s19+$0x0];
	s19 =	sor.u32 s30, s2  }
0xee: {  	s1 =	sor.u32 s0, s1;
	v51 =	vld [tilespmem:s19+$0x0]  }
0xef: {  	v52 =	vld [tilespmem:s1+$0x0]  }
0xf0: {  	v53 =	vld [tilespmem:s1+$0x80]  }
0xf1: {  	v55 =	vmul.f32 v38, v21;
	v56 =	vmul.f32 v36, v21;
	v54 =	vld [tilespmem:s1+$0x100]  }
0xf2: {  	s31 =	sadd.s32 $0x1, s31;
	v58 =	vmul.f32 v40, v21;
	v59 =	vmul.f32 v45, v21;
	v57 =	vld [tilespmem:s1+$0x180]  }
0xf3: {  	v46 =	vmul.f32 v25, v21;
	v45 =	vmul.f32 v29, v21;
	s19 =	sand.u32 $0x3, s31;
	v60 =	vld [tilespmem:s1+$0x200]  }
0xf4: {  	v40 =	vmul.f32 v39, v21;
	s19 =	sshll.u32 s19, $0x5;
	v38 =	vmul.f32 v47, v21;
	v61 =	vld [tilespmem:s1+$0x280];
	s1 =	sor.u32 s0, s12  }
0xf5: {  	v39 =	vmul.f32 v48, v21;
	v36 =	vmul.f32 v49, v21;
	s12 =	sadd.s32 s19, s26;
	v47 =	vld [tilespmem:s1+$0x0];
	s1 =	sor.u32 s0, s13  }
0xf6: {  	v29 =	vmul.f32 v50, v21;
	v25 =	vmul.f32 v51, v21;
	s13 =	sor.u32 $0x300, s12;
	v48 =	vld [tilespmem:s1+$0x0]  }
0xf7: {  	v49 =	vmul.f32 v52, v22;
	v50 =	vmul.f32 v53, v22;
	s1 =	sor.u32 $0x380, s12;
	s12 =	sadd.s32 $0x10, s12;
	v51 =	vld [tilespmem:s13+$0x9880]  }
0xf8: {  	v52 =	vmul.f32 v54, v22;
	v53 =	vmul.f32 v57, v22;
	v54 =	vld [tilespmem:s1+$0x9880];
	s1 =	sor.u32 $0x300, s12  }
0xf9: {  	v57 =	vmul.f32 v60, v22;
	v60 =	vmul.f32 v61, v22;
	v61 =	vld [tilespmem:s1+$0x9880];
	s1 =	sor.u32 $0x380, s12  }
0xfa: {  	v30 =	vadd.f32 v49, v30;
	v31 =	vadd.f32 v50, v31;
	s12 =	sor.u32 s0, s18;
	v47 =	vmul.f32 v47, v22;
	v62 =	vld [tilespmem:s1+$0x9880]  }
.Ltmp2:
0xfb: {  	v32 =	vadd.f32 v52, v32;
	v34 =	vadd.f32 v53, v34;
	s1 =	sor.u32 s0, s15;
	v48 =	vmul.f32 v48, v22;
	v53 =	vld [tilespmem:s12+$0x0];
	(pc) =	sbr.rel @p0 .LBB2_6-.Ltmp2, $4  }
0xfc: {  	v30 =	vadd.f32 v55, v30;
	v31 =	vadd.f32 v56, v31;
	v52 =	vmul.f32 v51, v22;
	v51 =	vld [tilespmem:s1+$0x0];
	s1 =	sor.u32 s0, s16  }
0xfd: {  	v32 =	vadd.f32 v58, v32;
	v34 =	vadd.f32 v59, v34;
	v55 =	vmul.f32 v54, v22;
	v49 =	vld [tilespmem:s1+$0x0];
	s1 =	sor.u32 s0, s2;
	s2 =	sadd.s32 $0xDB80, s3  }
0xfe: {  	v41 =	vadd.f32 v57, v41;
	v42 =	vadd.f32 v60, v42;
	s3 =	sadd.s32 $0xDC00, s3;
	v50 =	vld [tilespmem:s1+$0x0];
	s1 =	sor.u32 s0, s2;
	v54 =	vmul.f32 v61, v21  }
0xff: {  	v43 =	vadd.f32 v52, v43;
	s0 =	sor.u32 s0, s3;
	v44 =	vadd.f32 v55, v44;
	v52 =	vld [tilespmem:s1+$0x0];
	v55 =	vmul.f32 v62, v21  }
0x100: {  	v56 =	vld [tilespmem:s0+$0x0];
	s15 =	sor.u32 s30, s2  }
0x101: {  	s16 =	sor.u32 s30, s3;
	v57 =	vld [tilespmem:s15+$0x0]  }
0x102: {  	v58 =	vld [tilespmem:s16+$0x0];
	[tilespmem:$0x19880] =	vst v30  }
0x103: {  	[tilespmem:$0x19891] =	vst v31  }
0x104: {  	v30 =	vadd.f32 v46, v41;
	[tilespmem:$0x198A2] =	vst v32  }
0x105: {  	v31 =	vadd.f32 v45, v42;
	[tilespmem:$0x198B3] =	vst v34  }
0x106: {  	v62 =	vmul.f32 v53, v22;
	v23 =	vadd.f32 v47, v23;
	v63 =	vadd.f32 v54, v43;
	[tilespmem:$0x198C4] =	vst v30  }
0x107: {  	v37 =	vadd.f32 v48, v37;
	v44 =	vadd.f32 v55, v44;
	v30 =	vmul.f32 v51, v22;
	[tilespmem:$0x198D5] =	vst v31  }
0x108: {  	v32 =	vadd.f32 v62, v35;
	v23 =	vadd.f32 v40, v23;
	v31 =	vmul.f32 v49, v22;
	[tilespmem:$0x198E6] =	vst v63  }
0x109: {  	v46 =	vadd.f32 v38, v37;
	v45 =	vmul.f32 v50, v22;
	[tilespmem:$0x198F7] =	vst v44;
	v30 =	vadd.f32 v30, v33  }
0x10a: {  	v47 =	vmul.f32 v52, v22;
	v32 =	vadd.f32 v39, v32;
	[tilespmem:$0x19908] =	vst v23;
	v28 =	vadd.f32 v31, v28  }
0x10b: {  	[tilespmem:$0x19919] =	vst v46;
	v22 =	vmul.f32 v56, v22;
	v27 =	vadd.f32 v45, v27;
	v23 =	vadd.f32 v36, v30  }
0x10c: {  	v26 =	vadd.f32 v47, v26;
	[tilespmem:$0x1992A] =	vst v32;
	v30 =	vmul.f32 v57, v21;
	v28 =	vadd.f32 v29, v28  }
0x10d: {  	v22 =	vadd.f32 v22, v24;
	v21 =	vmul.f32 v58, v21;
	v24 =	vadd.f32 v25, v27;
	[tilespmem:$0x1993B] =	vst v23  }
0x10e: {  	v23 =	vadd.f32 v30, v26;
	[tilespmem:$0x1994C] =	vst v28  }
0x10f: {  	v21 =	vadd.f32 v21, v22;
	[tilespmem:$0x1995D] =	vst v24  }
0x110: {  	[tilespmem:$0x1996E] =	vst v23  }
0x111: {  	[tilespmem:$0x1997F] =	vst v21  }
0x112: {  	v21 =	vld.idx.msk [tilespmem:v0+s21+$0x0], $0xffff;
	_ =	sdelay $0x1  }
0x113: {  	v22 =	vld.idx.msk [tilespmem:v1+s21+$0x0], $0xffff;
	_ =	sdelay $0x1  }
0x114: {  	v23 =	vld.idx.msk [tilespmem:v2+s21+$0x0], $0xffff  }
0x115: {  	v21 =	vadd.f32 $0.0e+00, v21  }
0x116: {  	v24 =	vld.idx.msk [tilespmem:v3+s21+$0x0], $0xffff  }
0x117: {  	v21 =	vadd.f32 v22, v21  }
0x118: {  	v22 =	vld.idx.msk [tilespmem:v4+s21+$0x0], $0xffff  }
0x119: {  	v21 =	vadd.f32 v23, v21  }
0x11a: {  	v23 =	vld.idx.msk [tilespmem:v5+s21+$0x0], $0xffff  }
0x11b: {  	v21 =	vadd.f32 v24, v21  }
0x11c: {  	v24 =	vld.idx.msk [tilespmem:v6+s21+$0x0], $0xffff  }
0x11d: {  	v21 =	vadd.f32 v22, v21  }
0x11e: {  	v22 =	vld.idx.msk [tilespmem:v7+s21+$0x0], $0xffff  }
0x11f: {  	v21 =	vadd.f32 v23, v21  }
0x120: {  	v23 =	vld.idx.msk [tilespmem:v8+s21+$0x0], $0xffff  }
0x121: {  	v21 =	vadd.f32 v24, v21  }
0x122: {  	v24 =	vld.idx.msk [tilespmem:v9+s21+$0x0], $0xffff  }
0x123: {  	v21 =	vadd.f32 v22, v21  }
0x124: {  	v22 =	vld.idx.msk [tilespmem:v10+s21+$0x0], $0xffff  }
0x125: {  	v21 =	vadd.f32 v23, v21  }
0x126: {  	v23 =	vld.idx.msk [tilespmem:v11+s21+$0x0], $0xffff  }
0x127: {  	v21 =	vadd.f32 v24, v21  }
0x128: {  	v24 =	vld.idx.msk [tilespmem:v12+s21+$0x0], $0xffff  }
0x129: {  	v21 =	vadd.f32 v22, v21  }
0x12a: {  	v22 =	vld.idx.msk [tilespmem:v14+s21+$0x0], $0xffff  }
0x12b: {  	v21 =	vadd.f32 v23, v21  }
0x12c: {  	v23 =	vld.idx.msk [tilespmem:v15+s21+$0x0], $0xffff  }
0x12d: {  	v21 =	vadd.f32 v24, v21  }
0x12e: {  	v24 =	vld.idx.msk [tilespmem:v16+s21+$0x0], $0xffff  }
0x12f: {  	v21 =	vadd.f32 v22, v21;
	_ =	sdelay $0x1  }
0x130: {  	v21 =	vadd.f32 v23, v21;
	_ =	sdelay $0x1  }
0x131: {  	v21 =	vadd.f32 v24, v21;
	_ =	sdelay $0x1  }
0x132: {  	v21 =	vadd.f32 v21, v20;
	_ =	sdelay $0x1  }
0x133: {  	v21 =	vsub.f32 $0.0e+00, v21;
	_ =	sdelay $0x1  }
0x134: {  	v21 =	vmul.f32 $1.442695020e+00, v21;
	_ =	sdelay $0x1  }
0x135: {  	(erf) = vpow2.f32 v21;
	_ =	sdelay $0x8  }
0x136: {  	v21 =	vpop (erf)  }
0x137: {  	v21 =	vadd.f32 $1.000000000e+00, v21;
	_ =	sdelay $0x1  }
0x138: {  	(erf) = vrcp.f32 v21;
	_ =	sdelay $0x8  }
0x139: {  	v21 =	vpop (erf)  }
0x13a: {  	v22 =	vsub.f32 $1.000000000e+00, v21  }
0x13b: {  	[tilespmem:v18+s22+$0x0] =	vst.idx.msk $0xffff, v21  }
0x13c: {  	s26 =	simm.s32 $0x0;
	[tilespmem:v19+s22+$0x0] =	vst.idx.msk $0xffff, v22  }
0x13d: {  	s28 =	simm.s32 $0x0;
	s29 =	simm.s32 $0x1080;
	_ =	swait.ge [sflag:s24], $0x8000  }
0x13e: {  	s0 =	sand.u32 $0x60, s26;
	s3 =	sand.u32 $0x3C00, s28;
	[sflag:s24] =	ssyncset.done $0x0  }
0x13f: {  	s1 =	sand.u32 $0x780, s26;
	s30 =	sor.u32 $0x10, s0;
	[sflag:s24] =	ssyncadd.s32 $0xFFFF8000  }
0x140: {  	s12 =	sadd.s32 $0x11880, s3;
	s1 =	sor.u32 s30, s1;
	v22 =	vld [tilespmem:s29+$0x0]  }
0x141: {  	s18 =	sor.u32 s30, s12;
	v21 =	vld [tilespmem:s1+$0x1080]  }
0x142: {  	v23 =	vld [tilespmem:s18+$0x0]  }
0x143: {  	v24 =	vld [tilespmem:s18+$0x80]  }
0x144: {  	v25 =	vld [tilespmem:s18+$0x100]  }
0x145: {  	v26 =	vld [tilespmem:s18+$0x180]  }
0x146: {  	s13 =	sadd.s32 $0x15880, s3;
	v27 =	vld [tilespmem:s18+$0x200]  }
0x147: {  	s19 =	sadd.s32 $0x15900, s3;
	s2 =	sor.u32 s30, s13;
	v28 =	vld [tilespmem:s18+$0x280]  }
0x148: {  	s15 =	sor.u32 s30, s19;
	v29 =	vld [tilespmem:s2+$0x0]  }
0x149: {  	s12 =	sor.u32 s0, s12;
	v30 =	vld [tilespmem:s15+$0x0]  }
0x14a: {  	v51 =	vld [tilespmem:s12+$0x0]  }
0x14b: {  	v52 =	vld [tilespmem:s12+$0x80]  }
0x14c: {  	v53 =	vld [tilespmem:s12+$0x100]  }
0x14d: {  	s16 =	sadd.s32 $0x15A00, s3;
	v55 =	vld [tilespmem:s12+$0x180]  }
0x14e: {  	s18 =	sadd.s32 $0x15980, s3;
	s1 =	sor.u32 s30, s16;
	v56 =	vld [tilespmem:s12+$0x200]  }
0x14f: {  	s15 =	sadd.s32 $0x15A80, s3;
	s2 =	sor.u32 s30, s18;
	v48 =	vld [tilespmem:s1+$0x0];
	v54 =	vmul.f32 v23, v21  }
0x150: {  	s1 =	sor.u32 s30, s15;
	v31 =	vld [tilespmem:s2+$0x0];
	s2 =	sadd.s32 $0x15B00, s3;
	v24 =	vmul.f32 v24, v21;
	v25 =	vmul.f32 v25, v21  }
0x151: {  	v49 =	vld [tilespmem:s1+$0x0];
	s1 =	sor.u32 s30, s2;
	v44 =	vmul.f32 v26, v21;
	v46 =	vmul.f32 v27, v21  }
0x152: {  	v50 =	vld [tilespmem:s1+$0x0];
	s1 =	sand.u32 $0x3, s28;
	v45 =	vmul.f32 v28, v21;
	v40 =	vmul.f32 v29, v21  }
0x153: {  	s13 =	sor.u32 s0, s13;
	s1 =	sshll.u32 s1, $0x5;
	v27 =	vld [tilespmem:s12+$0x280];
	v38 =	vmul.f32 v30, v21;
	v57 =	vmul.f32 v52, v22  }
0x154: {  	v28 =	vld [tilespmem:s13+$0x0];
	s13 =	sor.u32 s0, s19;
	v59 =	vmul.f32 v53, v22;
	v60 =	vmul.f32 v55, v22;
	s1 =	sadd.s32 $0x0, s1  }
0x155: {  	v36 =	vimm.f32 $0.0e+00;
	v62 =	vmul.f32 v56, v22;
	v37 =	vmul.f32 v48, v21;
	v30 =	vld [tilespmem:s13+$0x0];
	s19 =	sor.u32 $0x300, s1  }
0x156: {  	v23 =	vimm.f32 $0.0e+00;
	v39 =	vmul.f32 v31, v21;
	v31 =	vmul.f32 v51, v22;
	s13 =	sor.u32 $0x380, s1;
	s1 =	sadd.s32 $0x10, s1;
	v58 =	vld [tilespmem:s19+$0x11880]  }
0x157: {  	v29 =	vmul.f32 v49, v21;
	v32 =	vadd.f32 v57, v23;
	v34 =	vadd.f32 v59, v23;
	v61 =	vld [tilespmem:s13+$0x11880];
	s19 =	sor.u32 $0x300, s1  }
0x158: {  	v35 =	vadd.f32 v60, v23;
	s1 =	sor.u32 $0x380, s1;
	v26 =	vmul.f32 v50, v21;
	v63 =	vld [tilespmem:s19+$0x11880];
	v31 =	vadd.f32 v31, v23  }
0x159: {  	v41 =	vadd.f32 v62, v23;
	v27 =	vmul.f32 v27, v22;
	v47 =	vmul.f32 v28, v22;
	v28 =	vld [tilespmem:s1+$0x11880]  }
0x15a: {  	s12 =	sor.u32 s0, s18;
	v48 =	vmul.f32 v30, v22;
	v30 =	vadd.f32 v54, v31;
	v31 =	vadd.f32 v24, v32  }
0x15b: {  	v53 =	vld [tilespmem:s12+$0x0];
	s13 =	sor.u32 s0, s16;
	v32 =	vadd.f32 v25, v34;
	v34 =	vadd.f32 v44, v35;
	v35 =	vimm.f32 $0.0e+00  }
0x15c: {  	s16 =	sor.u32 s0, s15;
	v51 =	vld [tilespmem:s13+$0x0];
	v25 =	vimm.f32 $0.0e+00;
	v33 =	vmul.f32 v58, v22;
	v24 =	vmul.f32 v61, v22  }
0x15d: {  	s18 =	sor.u32 s0, s2;
	s2 =	sadd.s32 $0x15B80, s3;
	v49 =	vld [tilespmem:s16+$0x0];
	v42 =	vadd.f32 v27, v23;
	v27 =	vimm.f32 $0.0e+00;
	v54 =	vmul.f32 v63, v21  }
0x15e: {  	s3 =	sadd.s32 $0x15C00, s3;
	v50 =	vld [tilespmem:s18+$0x0];
	s19 =	sor.u32 s0, s2;
	v43 =	vadd.f32 v33, v23;
	v44 =	vadd.f32 v24, v23;
	v55 =	vmul.f32 v28, v21  }
0x15f: {  	s31 =	simm.s32 $0x0;
	s0 =	sor.u32 s0, s3;
	v52 =	vld [tilespmem:s19+$0x0];
	v33 =	vimm.f32 $0.0e+00;
	v28 =	vimm.f32 $0.0e+00;
	v24 =	vimm.f32 $0.0e+00  }
.LBB2_8:
0x160: {  	s26 =	sadd.s32 $0x20, s26;
	v53 =	vmul.f32 v53, v22;
	v56 =	vld [tilespmem:s0+$0x0];
	v41 =	vadd.f32 v46, v41;
	v42 =	vadd.f32 v45, v42;
	s1 =	sor.u32 s30, s2;
	s28 =	sadd.s32 $0x100, s28  }
0x161: {  	s29 =	sadd.s32 $0x20, s29;
	s0 =	sand.u32 $0x60, s26;
	v45 =	vmul.f32 v51, v22;
	v43 =	vadd.f32 v54, v43;
	v44 =	vadd.f32 v55, v44;
	v46 =	vld [tilespmem:s1+$0x0];
	s1 =	sor.u32 s30, s3  }
0x162: {  	v23 =	vadd.f32 v47, v23;
	v36 =	vadd.f32 v48, v36;
	s3 =	sand.u32 $0x3C00, s28;
	s2 =	sand.u32 $0x780, s26;
	s30 =	sor.u32 $0x10, s0;
	v47 =	vmul.f32 v49, v22;
	v48 =	vld [tilespmem:s1+$0x0]  }
0x163: {  	p0 =	slt.u32 s26, $0x7E0;
	s1 =	sadd.s32 $0x11880, s3;
	v35 =	vadd.f32 v53, v35;
	v49 =	vld [tilespmem:s29+$0x0];
	s2 =	sor.u32 s30, s2;
	v33 =	vadd.f32 v45, v33;
	v45 =	vmul.f32 v50, v22  }
0x164: {  	v23 =	vadd.f32 v40, v23;
	v36 =	vadd.f32 v38, v36;
	v50 =	vld [tilespmem:s2+$0x1080];
	s2 =	sor.u32 s30, s1;
	v51 =	vmul.f32 v52, v22  }
0x165: {  	v35 =	vadd.f32 v39, v35;
	v38 =	vld [tilespmem:s2+$0x0];
	v52 =	vmul.f32 v56, v22;
	v33 =	vadd.f32 v37, v33  }
0x166: {  	v28 =	vadd.f32 v47, v28;
	v27 =	vadd.f32 v45, v27;
	v37 =	vld [tilespmem:s2+$0x80];
	v39 =	vmul.f32 v46, v21  }
0x167: {  	v25 =	vadd.f32 v51, v25;
	v40 =	vld [tilespmem:s2+$0x100];
	v24 =	vadd.f32 v52, v24;
	v46 =	vmul.f32 v48, v21  }
0x168: {  	v28 =	vadd.f32 v29, v28;
	v27 =	vadd.f32 v26, v27;
	v45 =	vld [tilespmem:s2+$0x180];
	v22 =	vmov v49  }
0x169: {  	s12 =	sadd.s32 $0x15880, s3;
	v25 =	vadd.f32 v39, v25;
	v26 =	vld [tilespmem:s2+$0x200];
	v24 =	vadd.f32 v46, v24;
	v21 =	vmov v50  }
0x16a: {  	s13 =	sadd.s32 $0x15900, s3;
	v29 =	vld [tilespmem:s2+$0x280];
	s2 =	sor.u32 s30, s12  }
0x16b: {  	s18 =	sadd.s32 $0x15980, s3;
	v39 =	vld [tilespmem:s2+$0x0];
	s2 =	sor.u32 s30, s13  }
0x16c: {  	s15 =	sadd.s32 $0x15A00, s3;
	v47 =	vld [tilespmem:s2+$0x0];
	s2 =	sor.u32 s30, s18  }
0x16d: {  	s16 =	sadd.s32 $0x15A80, s3;
	s19 =	sor.u32 s30, s15;
	v48 =	vld [tilespmem:s2+$0x0]  }
0x16e: {  	s2 =	sadd.s32 $0x15B00, s3;
	v49 =	vld [tilespmem:s19+$0x0];
	s19 =	sor.u32 s30, s16  }
0x16f: {  	v50 =	vld [tilespmem:s19+$0x0];
	s19 =	sor.u32 s30, s2  }
0x170: {  	s1 =	sor.u32 s0, s1;
	v51 =	vld [tilespmem:s19+$0x0]  }
0x171: {  	v52 =	vld [tilespmem:s1+$0x0]  }
0x172: {  	v53 =	vld [tilespmem:s1+$0x80]  }
0x173: {  	v55 =	vmul.f32 v38, v21;
	v56 =	vmul.f32 v37, v21;
	v54 =	vld [tilespmem:s1+$0x100]  }
0x174: {  	s31 =	sadd.s32 $0x1, s31;
	v58 =	vmul.f32 v40, v21;
	v59 =	vmul.f32 v45, v21;
	v57 =	vld [tilespmem:s1+$0x180]  }
0x175: {  	v46 =	vmul.f32 v26, v21;
	v45 =	vmul.f32 v29, v21;
	s19 =	sand.u32 $0x3, s31;
	v60 =	vld [tilespmem:s1+$0x200]  }
0x176: {  	v40 =	vmul.f32 v39, v21;
	s19 =	sshll.u32 s19, $0x5;
	v38 =	vmul.f32 v47, v21;
	v61 =	vld [tilespmem:s1+$0x280];
	s1 =	sor.u32 s0, s12  }
0x177: {  	v39 =	vmul.f32 v48, v21;
	v37 =	vmul.f32 v49, v21;
	s12 =	sadd.s32 s19, s28;
	v47 =	vld [tilespmem:s1+$0x0];
	s1 =	sor.u32 s0, s13  }
0x178: {  	v29 =	vmul.f32 v50, v21;
	v26 =	vmul.f32 v51, v21;
	s13 =	sor.u32 $0x300, s12;
	v48 =	vld [tilespmem:s1+$0x0]  }
0x179: {  	v49 =	vmul.f32 v52, v22;
	v50 =	vmul.f32 v53, v22;
	s1 =	sor.u32 $0x380, s12;
	s12 =	sadd.s32 $0x10, s12;
	v51 =	vld [tilespmem:s13+$0x11880]  }
0x17a: {  	v52 =	vmul.f32 v54, v22;
	v53 =	vmul.f32 v57, v22;
	v54 =	vld [tilespmem:s1+$0x11880];
	s1 =	sor.u32 $0x300, s12  }
0x17b: {  	v57 =	vmul.f32 v60, v22;
	v60 =	vmul.f32 v61, v22;
	v61 =	vld [tilespmem:s1+$0x11880];
	s1 =	sor.u32 $0x380, s12  }
0x17c: {  	v30 =	vadd.f32 v49, v30;
	v31 =	vadd.f32 v50, v31;
	s12 =	sor.u32 s0, s18;
	v47 =	vmul.f32 v47, v22;
	v62 =	vld [tilespmem:s1+$0x11880]  }
.Ltmp3:
0x17d: {  	v32 =	vadd.f32 v52, v32;
	v34 =	vadd.f32 v53, v34;
	s1 =	sor.u32 s0, s15;
	v48 =	vmul.f32 v48, v22;
	v53 =	vld [tilespmem:s12+$0x0];
	(pc) =	sbr.rel @p0 .LBB2_8-.Ltmp3, $4  }
0x17e: {  	v30 =	vadd.f32 v55, v30;
	v31 =	vadd.f32 v56, v31;
	v52 =	vmul.f32 v51, v22;
	v51 =	vld [tilespmem:s1+$0x0];
	s1 =	sor.u32 s0, s16  }
0x17f: {  	v32 =	vadd.f32 v58, v32;
	v34 =	vadd.f32 v59, v34;
	v55 =	vmul.f32 v54, v22;
	v49 =	vld [tilespmem:s1+$0x0];
	s1 =	sor.u32 s0, s2;
	s2 =	sadd.s32 $0x15B80, s3  }
0x180: {  	v41 =	vadd.f32 v57, v41;
	v42 =	vadd.f32 v60, v42;
	s3 =	sadd.s32 $0x15C00, s3;
	v50 =	vld [tilespmem:s1+$0x0];
	s1 =	sor.u32 s0, s2;
	v54 =	vmul.f32 v61, v21  }
0x181: {  	v43 =	vadd.f32 v52, v43;
	s0 =	sor.u32 s0, s3;
	v44 =	vadd.f32 v55, v44;
	v52 =	vld [tilespmem:s1+$0x0];
	v55 =	vmul.f32 v62, v21  }
0x182: {  	v56 =	vld [tilespmem:s0+$0x0];
	s15 =	sor.u32 s30, s2  }
0x183: {  	s16 =	sor.u32 s30, s3;
	v57 =	vld [tilespmem:s15+$0x0]  }
0x184: {  	v58 =	vld [tilespmem:s16+$0x0];
	[tilespmem:$0x19880] =	vst v30  }
0x185: {  	[tilespmem:$0x19891] =	vst v31  }
0x186: {  	v30 =	vadd.f32 v46, v41;
	[tilespmem:$0x198A2] =	vst v32  }
0x187: {  	v31 =	vadd.f32 v45, v42;
	[tilespmem:$0x198B3] =	vst v34  }
0x188: {  	v62 =	vmul.f32 v53, v22;
	v23 =	vadd.f32 v47, v23;
	v63 =	vadd.f32 v54, v43;
	[tilespmem:$0x198C4] =	vst v30  }
0x189: {  	v36 =	vadd.f32 v48, v36;
	v44 =	vadd.f32 v55, v44;
	v30 =	vmul.f32 v51, v22;
	[tilespmem:$0x198D5] =	vst v31  }
0x18a: {  	v32 =	vadd.f32 v62, v35;
	v23 =	vadd.f32 v40, v23;
	v31 =	vmul.f32 v49, v22;
	[tilespmem:$0x198E6] =	vst v63  }
0x18b: {  	v46 =	vadd.f32 v38, v36;
	v45 =	vmul.f32 v50, v22;
	[tilespmem:$0x198F7] =	vst v44;
	v30 =	vadd.f32 v30, v33  }
0x18c: {  	v47 =	vmul.f32 v52, v22;
	v32 =	vadd.f32 v39, v32;
	[tilespmem:$0x19908] =	vst v23;
	v28 =	vadd.f32 v31, v28  }
0x18d: {  	[tilespmem:$0x19919] =	vst v46;
	v22 =	vmul.f32 v56, v22;
	v27 =	vadd.f32 v45, v27;
	v23 =	vadd.f32 v37, v30  }
0x18e: {  	v25 =	vadd.f32 v47, v25;
	[tilespmem:$0x1992A] =	vst v32;
	v30 =	vmul.f32 v57, v21;
	v28 =	vadd.f32 v29, v28  }
0x18f: {  	v22 =	vadd.f32 v22, v24;
	v21 =	vmul.f32 v58, v21;
	v24 =	vadd.f32 v26, v27;
	[tilespmem:$0x1993B] =	vst v23  }
0x190: {  	v23 =	vadd.f32 v30, v25;
	[tilespmem:$0x1994C] =	vst v28  }
0x191: {  	v21 =	vadd.f32 v21, v22;
	[tilespmem:$0x1995D] =	vst v24  }
0x192: {  	[tilespmem:$0x1996E] =	vst v23  }
0x193: {  	[tilespmem:$0x1997F] =	vst v21  }
0x194: {  	v21 =	vld.idx.msk [tilespmem:v0+s21+$0x0], $0xffff;
	_ =	sdelay $0x1  }
0x195: {  	v22 =	vld.idx.msk [tilespmem:v1+s21+$0x0], $0xffff;
	_ =	sdelay $0x1  }
0x196: {  	v23 =	vld.idx.msk [tilespmem:v2+s21+$0x0], $0xffff  }
0x197: {  	v21 =	vadd.f32 $0.0e+00, v21  }
0x198: {  	v24 =	vld.idx.msk [tilespmem:v3+s21+$0x0], $0xffff  }
0x199: {  	v21 =	vadd.f32 v22, v21  }
0x19a: {  	v22 =	vld.idx.msk [tilespmem:v4+s21+$0x0], $0xffff  }
0x19b: {  	v21 =	vadd.f32 v23, v21  }
0x19c: {  	v23 =	vld.idx.msk [tilespmem:v5+s21+$0x0], $0xffff  }
0x19d: {  	v21 =	vadd.f32 v24, v21  }
0x19e: {  	v24 =	vld.idx.msk [tilespmem:v6+s21+$0x0], $0xffff  }
0x19f: {  	v21 =	vadd.f32 v22, v21  }
0x1a0: {  	v22 =	vld.idx.msk [tilespmem:v7+s21+$0x0], $0xffff  }
0x1a1: {  	v21 =	vadd.f32 v23, v21  }
0x1a2: {  	v23 =	vld.idx.msk [tilespmem:v8+s21+$0x0], $0xffff  }
0x1a3: {  	v21 =	vadd.f32 v24, v21  }
0x1a4: {  	v24 =	vld.idx.msk [tilespmem:v9+s21+$0x0], $0xffff  }
0x1a5: {  	v21 =	vadd.f32 v22, v21  }
0x1a6: {  	v22 =	vld.idx.msk [tilespmem:v10+s21+$0x0], $0xffff  }
0x1a7: {  	v21 =	vadd.f32 v23, v21  }
0x1a8: {  	v23 =	vld.idx.msk [tilespmem:v11+s21+$0x0], $0xffff  }
0x1a9: {  	v21 =	vadd.f32 v24, v21  }
0x1aa: {  	v24 =	vld.idx.msk [tilespmem:v12+s21+$0x0], $0xffff  }
0x1ab: {  	v21 =	vadd.f32 v22, v21  }
0x1ac: {  	v22 =	vld.idx.msk [tilespmem:v14+s21+$0x0], $0xffff  }
0x1ad: {  	v21 =	vadd.f32 v23, v21  }
0x1ae: {  	v23 =	vld.idx.msk [tilespmem:v15+s21+$0x0], $0xffff  }
0x1af: {  	v21 =	vadd.f32 v24, v21  }
0x1b0: {  	v24 =	vld.idx.msk [tilespmem:v16+s21+$0x0], $0xffff  }
0x1b1: {  	v21 =	vadd.f32 v22, v21;
	_ =	sdelay $0x1  }
0x1b2: {  	v21 =	vadd.f32 v23, v21;
	_ =	sdelay $0x1  }
0x1b3: {  	v21 =	vadd.f32 v24, v21;
	_ =	sdelay $0x1  }
0x1b4: {  	v21 =	vadd.f32 v21, v20;
	_ =	sdelay $0x1  }
0x1b5: {  	v21 =	vsub.f32 $0.0e+00, v21;
	_ =	sdelay $0x1  }
0x1b6: {  	v21 =	vmul.f32 $1.442695020e+00, v21;
	_ =	sdelay $0x1  }
0x1b7: {  	(erf) = vpow2.f32 v21;
	_ =	sdelay $0x8  }
0x1b8: {  	v21 =	vpop (erf)  }
0x1b9: {  	v21 =	vadd.f32 $1.000000000e+00, v21;
	_ =	sdelay $0x1  }
0x1ba: {  	(erf) = vrcp.f32 v21;
	_ =	sdelay $0x5  }
0x1bb: {  	v21 =	vor.u32 $0x1000, v13  }
0x1bc: {  	v22 =	vor.u32 $0x1001, v13;
	_ =	sdelay $0x1  }
0x1bd: {  	v23 =	vpop (erf)  }
0x1be: {  	v24 =	vsub.f32 $1.000000000e+00, v23  }
0x1bf: {  	[tilespmem:v21+s22+$0x0] =	vst.idx.msk $0xffff, v23  }
0x1c0: {  	s26 =	simm.s32 $0x0;
	[tilespmem:v22+s22+$0x0] =	vst.idx.msk $0xffff, v24  }
0x1c1: {  	s28 =	simm.s32 $0x0;
	s29 =	simm.s32 $0x1080;
	_ =	swait.ge [sflag:s20], $0x8000  }
0x1c2: {  	s0 =	sand.u32 $0x60, s26;
	s3 =	sand.u32 $0x3C00, s28;
	[sflag:s20] =	ssyncset.done $0x0  }
0x1c3: {  	s1 =	sand.u32 $0x780, s26;
	s30 =	sor.u32 $0x10, s0;
	[sflag:s20] =	ssyncadd.s32 $0xFFFF8000  }
0x1c4: {  	s12 =	sadd.s32 $0x1880, s3;
	s1 =	sor.u32 s30, s1;
	v22 =	vld [tilespmem:s29+$0x0]  }
0x1c5: {  	s18 =	sor.u32 s30, s12;
	v21 =	vld [tilespmem:s1+$0x1080]  }
0x1c6: {  	v23 =	vld [tilespmem:s18+$0x0]  }
0x1c7: {  	v24 =	vld [tilespmem:s18+$0x80]  }
0x1c8: {  	v25 =	vld [tilespmem:s18+$0x100]  }
0x1c9: {  	v26 =	vld [tilespmem:s18+$0x180]  }
0x1ca: {  	s13 =	sadd.s32 $0x5880, s3;
	v27 =	vld [tilespmem:s18+$0x200]  }
0x1cb: {  	s19 =	sadd.s32 $0x5900, s3;
	s2 =	sor.u32 s30, s13;
	v28 =	vld [tilespmem:s18+$0x280]  }
0x1cc: {  	s15 =	sor.u32 s30, s19;
	v29 =	vld [tilespmem:s2+$0x0]  }
0x1cd: {  	s12 =	sor.u32 s0, s12;
	v30 =	vld [tilespmem:s15+$0x0]  }
0x1ce: {  	v51 =	vld [tilespmem:s12+$0x0]  }
0x1cf: {  	v52 =	vld [tilespmem:s12+$0x80]  }
0x1d0: {  	v53 =	vld [tilespmem:s12+$0x100]  }
0x1d1: {  	s16 =	sadd.s32 $0x5A00, s3;
	v55 =	vld [tilespmem:s12+$0x180]  }
0x1d2: {  	s18 =	sadd.s32 $0x5980, s3;
	s1 =	sor.u32 s30, s16;
	v56 =	vld [tilespmem:s12+$0x200]  }
0x1d3: {  	s15 =	sadd.s32 $0x5A80, s3;
	s2 =	sor.u32 s30, s18;
	v48 =	vld [tilespmem:s1+$0x0];
	v54 =	vmul.f32 v23, v21  }
0x1d4: {  	s1 =	sor.u32 s30, s15;
	v31 =	vld [tilespmem:s2+$0x0];
	s2 =	sadd.s32 $0x5B00, s3;
	v24 =	vmul.f32 v24, v21;
	v25 =	vmul.f32 v25, v21  }
0x1d5: {  	v49 =	vld [tilespmem:s1+$0x0];
	s1 =	sor.u32 s30, s2;
	v44 =	vmul.f32 v26, v21;
	v46 =	vmul.f32 v27, v21  }
0x1d6: {  	v50 =	vld [tilespmem:s1+$0x0];
	s1 =	sand.u32 $0x3, s28;
	v45 =	vmul.f32 v28, v21;
	v40 =	vmul.f32 v29, v21  }
0x1d7: {  	s13 =	sor.u32 s0, s13;
	s1 =	sshll.u32 s1, $0x5;
	v27 =	vld [tilespmem:s12+$0x280];
	v38 =	vmul.f32 v30, v21;
	v57 =	vmul.f32 v52, v22  }
0x1d8: {  	v28 =	vld [tilespmem:s13+$0x0];
	s13 =	sor.u32 s0, s19;
	v59 =	vmul.f32 v53, v22;
	v60 =	vmul.f32 v55, v22;
	s1 =	sadd.s32 $0x0, s1  }
0x1d9: {  	v36 =	vimm.f32 $0.0e+00;
	v62 =	vmul.f32 v56, v22;
	v37 =	vmul.f32 v48, v21;
	v30 =	vld [tilespmem:s13+$0x0];
	s19 =	sor.u32 $0x300, s1  }
0x1da: {  	v23 =	vimm.f32 $0.0e+00;
	v39 =	vmul.f32 v31, v21;
	v31 =	vmul.f32 v51, v22;
	s13 =	sor.u32 $0x380, s1;
	s1 =	sadd.s32 $0x10, s1;
	v58 =	vld [tilespmem:s19+$0x1880]  }
0x1db: {  	v29 =	vmul.f32 v49, v21;
	v32 =	vadd.f32 v57, v23;
	v34 =	vadd.f32 v59, v23;
	v61 =	vld [tilespmem:s13+$0x1880];
	s19 =	sor.u32 $0x300, s1  }
0x1dc: {  	v35 =	vadd.f32 v60, v23;
	s1 =	sor.u32 $0x380, s1;
	v26 =	vmul.f32 v50, v21;
	v63 =	vld [tilespmem:s19+$0x1880];
	v31 =	vadd.f32 v31, v23  }
0x1dd: {  	v41 =	vadd.f32 v62, v23;
	v27 =	vmul.f32 v27, v22;
	v47 =	vmul.f32 v28, v22;
	v28 =	vld [tilespmem:s1+$0x1880]  }
0x1de: {  	s12 =	sor.u32 s0, s18;
	v48 =	vmul.f32 v30, v22;
	v30 =	vadd.f32 v54, v31;
	v31 =	vadd.f32 v24, v32  }
0x1df: {  	v53 =	vld [tilespmem:s12+$0x0];
	s13 =	sor.u32 s0, s16;
	v32 =	vadd.f32 v25, v34;
	v34 =	vadd.f32 v44, v35;
	v35 =	vimm.f32 $0.0e+00  }
0x1e0: {  	s16 =	sor.u32 s0, s15;
	v51 =	vld [tilespmem:s13+$0x0];
	v25 =	vimm.f32 $0.0e+00;
	v33 =	vmul.f32 v58, v22;
	v24 =	vmul.f32 v61, v22  }
0x1e1: {  	s18 =	sor.u32 s0, s2;
	s2 =	sadd.s32 $0x5B80, s3;
	v49 =	vld [tilespmem:s16+$0x0];
	v42 =	vadd.f32 v27, v23;
	v27 =	vimm.f32 $0.0e+00;
	v54 =	vmul.f32 v63, v21  }
0x1e2: {  	s3 =	sadd.s32 $0x5C00, s3;
	v50 =	vld [tilespmem:s18+$0x0];
	s19 =	sor.u32 s0, s2;
	v43 =	vadd.f32 v33, v23;
	v44 =	vadd.f32 v24, v23;
	v55 =	vmul.f32 v28, v21  }
0x1e3: {  	s31 =	simm.s32 $0x0;
	s0 =	sor.u32 s0, s3;
	v52 =	vld [tilespmem:s19+$0x0];
	v33 =	vimm.f32 $0.0e+00;
	v28 =	vimm.f32 $0.0e+00;
	v24 =	vimm.f32 $0.0e+00  }
.LBB2_10:
0x1e4: {  	s26 =	sadd.s32 $0x20, s26;
	v53 =	vmul.f32 v53, v22;
	v56 =	vld [tilespmem:s0+$0x0];
	v41 =	vadd.f32 v46, v41;
	v42 =	vadd.f32 v45, v42;
	s1 =	sor.u32 s30, s2;
	s28 =	sadd.s32 $0x100, s28  }
0x1e5: {  	s29 =	sadd.s32 $0x20, s29;
	s0 =	sand.u32 $0x60, s26;
	v45 =	vmul.f32 v51, v22;
	v43 =	vadd.f32 v54, v43;
	v44 =	vadd.f32 v55, v44;
	v46 =	vld [tilespmem:s1+$0x0];
	s1 =	sor.u32 s30, s3  }
0x1e6: {  	v23 =	vadd.f32 v47, v23;
	v36 =	vadd.f32 v48, v36;
	s3 =	sand.u32 $0x3C00, s28;
	s2 =	sand.u32 $0x780, s26;
	s30 =	sor.u32 $0x10, s0;
	v47 =	vmul.f32 v49, v22;
	v48 =	vld [tilespmem:s1+$0x0]  }
0x1e7: {  	p0 =	slt.u32 s26, $0x7E0;
	s1 =	sadd.s32 $0x1880, s3;
	v35 =	vadd.f32 v53, v35;
	v49 =	vld [tilespmem:s29+$0x0];
	s2 =	sor.u32 s30, s2;
	v33 =	vadd.f32 v45, v33;
	v45 =	vmul.f32 v50, v22  }
0x1e8: {  	v23 =	vadd.f32 v40, v23;
	v36 =	vadd.f32 v38, v36;
	v50 =	vld [tilespmem:s2+$0x1080];
	s2 =	sor.u32 s30, s1;
	v51 =	vmul.f32 v52, v22  }
0x1e9: {  	v35 =	vadd.f32 v39, v35;
	v38 =	vld [tilespmem:s2+$0x0];
	v52 =	vmul.f32 v56, v22;
	v33 =	vadd.f32 v37, v33  }
0x1ea: {  	v28 =	vadd.f32 v47, v28;
	v27 =	vadd.f32 v45, v27;
	v37 =	vld [tilespmem:s2+$0x80];
	v39 =	vmul.f32 v46, v21  }
0x1eb: {  	v25 =	vadd.f32 v51, v25;
	v40 =	vld [tilespmem:s2+$0x100];
	v24 =	vadd.f32 v52, v24;
	v46 =	vmul.f32 v48, v21  }
0x1ec: {  	v28 =	vadd.f32 v29, v28;
	v27 =	vadd.f32 v26, v27;
	v45 =	vld [tilespmem:s2+$0x180];
	v22 =	vmov v49  }
0x1ed: {  	s12 =	sadd.s32 $0x5880, s3;
	v25 =	vadd.f32 v39, v25;
	v26 =	vld [tilespmem:s2+$0x200];
	v24 =	vadd.f32 v46, v24;
	v21 =	vmov v50  }
0x1ee: {  	s13 =	sadd.s32 $0x5900, s3;
	v29 =	vld [tilespmem:s2+$0x280];
	s2 =	sor.u32 s30, s12  }
0x1ef: {  	s18 =	sadd.s32 $0x5980, s3;
	v39 =	vld [tilespmem:s2+$0x0];
	s2 =	sor.u32 s30, s13  }
0x1f0: {  	s15 =	sadd.s32 $0x5A00, s3;
	v47 =	vld [tilespmem:s2+$0x0];
	s2 =	sor.u32 s30, s18  }
0x1f1: {  	s16 =	sadd.s32 $0x5A80, s3;
	s19 =	sor.u32 s30, s15;
	v48 =	vld [tilespmem:s2+$0x0]  }
0x1f2: {  	s2 =	sadd.s32 $0x5B00, s3;
	v49 =	vld [tilespmem:s19+$0x0];
	s19 =	sor.u32 s30, s16  }
0x1f3: {  	v50 =	vld [tilespmem:s19+$0x0];
	s19 =	sor.u32 s30, s2  }
0x1f4: {  	s1 =	sor.u32 s0, s1;
	v51 =	vld [tilespmem:s19+$0x0]  }
0x1f5: {  	v52 =	vld [tilespmem:s1+$0x0]  }
0x1f6: {  	v53 =	vld [tilespmem:s1+$0x80]  }
0x1f7: {  	v55 =	vmul.f32 v38, v21;
	v56 =	vmul.f32 v37, v21;
	v54 =	vld [tilespmem:s1+$0x100]  }
0x1f8: {  	s31 =	sadd.s32 $0x1, s31;
	v58 =	vmul.f32 v40, v21;
	v59 =	vmul.f32 v45, v21;
	v57 =	vld [tilespmem:s1+$0x180]  }
0x1f9: {  	v46 =	vmul.f32 v26, v21;
	v45 =	vmul.f32 v29, v21;
	s19 =	sand.u32 $0x3, s31;
	v60 =	vld [tilespmem:s1+$0x200]  }
0x1fa: {  	v40 =	vmul.f32 v39, v21;
	s19 =	sshll.u32 s19, $0x5;
	v38 =	vmul.f32 v47, v21;
	v61 =	vld [tilespmem:s1+$0x280];
	s1 =	sor.u32 s0, s12  }
0x1fb: {  	v39 =	vmul.f32 v48, v21;
	v37 =	vmul.f32 v49, v21;
	s12 =	sadd.s32 s19, s28;
	v47 =	vld [tilespmem:s1+$0x0];
	s1 =	sor.u32 s0, s13  }
0x1fc: {  	v29 =	vmul.f32 v50, v21;
	v26 =	vmul.f32 v51, v21;
	s13 =	sor.u32 $0x300, s12;
	v48 =	vld [tilespmem:s1+$0x0]  }
0x1fd: {  	v49 =	vmul.f32 v52, v22;
	v50 =	vmul.f32 v53, v22;
	s1 =	sor.u32 $0x380, s12;
	s12 =	sadd.s32 $0x10, s12;
	v51 =	vld [tilespmem:s13+$0x1880]  }
0x1fe: {  	v52 =	vmul.f32 v54, v22;
	v53 =	vmul.f32 v57, v22;
	v54 =	vld [tilespmem:s1+$0x1880];
	s1 =	sor.u32 $0x300, s12  }
0x1ff: {  	v57 =	vmul.f32 v60, v22;
	v60 =	vmul.f32 v61, v22;
	v61 =	vld [tilespmem:s1+$0x1880];
	s1 =	sor.u32 $0x380, s12  }
0x200: {  	v30 =	vadd.f32 v49, v30;
	v31 =	vadd.f32 v50, v31;
	s12 =	sor.u32 s0, s18;
	v47 =	vmul.f32 v47, v22;
	v62 =	vld [tilespmem:s1+$0x1880]  }
.Ltmp4:
0x201: {  	v32 =	vadd.f32 v52, v32;
	v34 =	vadd.f32 v53, v34;
	s1 =	sor.u32 s0, s15;
	v48 =	vmul.f32 v48, v22;
	v53 =	vld [tilespmem:s12+$0x0];
	(pc) =	sbr.rel @p0 .LBB2_10-.Ltmp4, $4  }
0x202: {  	v30 =	vadd.f32 v55, v30;
	v31 =	vadd.f32 v56, v31;
	v52 =	vmul.f32 v51, v22;
	v51 =	vld [tilespmem:s1+$0x0];
	s1 =	sor.u32 s0, s16  }
0x203: {  	v32 =	vadd.f32 v58, v32;
	v34 =	vadd.f32 v59, v34;
	v55 =	vmul.f32 v54, v22;
	v49 =	vld [tilespmem:s1+$0x0];
	s1 =	sor.u32 s0, s2;
	s2 =	sadd.s32 $0x5B80, s3  }
0x204: {  	v41 =	vadd.f32 v57, v41;
	v42 =	vadd.f32 v60, v42;
	s3 =	sadd.s32 $0x5C00, s3;
	v50 =	vld [tilespmem:s1+$0x0];
	s1 =	sor.u32 s0, s2;
	v54 =	vmul.f32 v61, v21  }
0x205: {  	v43 =	vadd.f32 v52, v43;
	s0 =	sor.u32 s0, s3;
	v44 =	vadd.f32 v55, v44;
	v52 =	vld [tilespmem:s1+$0x0];
	v55 =	vmul.f32 v62, v21  }
0x206: {  	v56 =	vld [tilespmem:s0+$0x0];
	s29 =	sor.u32 s30, s2  }
0x207: {  	s31 =	sor.u32 s30, s3;
	v57 =	vld [tilespmem:s29+$0x0]  }
0x208: {  	v58 =	vld [tilespmem:s31+$0x0];
	[tilespmem:$0x19880] =	vst v30  }
0x209: {  	[tilespmem:$0x19891] =	vst v31  }
0x20a: {  	v41 =	vadd.f32 v46, v41;
	[tilespmem:$0x198A2] =	vst v32  }
0x20b: {  	v46 =	vadd.f32 v45, v42;
	[tilespmem:$0x198B3] =	vst v34  }
0x20c: {  	v53 =	vmul.f32 v53, v22;
	v23 =	vadd.f32 v47, v23;
	v59 =	vadd.f32 v54, v43;
	[tilespmem:$0x198C4] =	vst v41  }
0x20d: {  	v36 =	vadd.f32 v48, v36;
	v60 =	vmul.f32 v51, v22;
	v61 =	vadd.f32 v55, v44;
	[tilespmem:$0x198D5] =	vst v46  }
0x20e: {  	v62 =	vmul.f32 v49, v22;
	v32 =	vadd.f32 v53, v35;
	v23 =	vadd.f32 v40, v23;
	[tilespmem:$0x198E6] =	vst v59  }
0x20f: {  	v40 =	vadd.f32 v38, v36;
	v30 =	vadd.f32 v60, v33;
	v63 =	vmul.f32 v50, v22;
	[tilespmem:$0x198F7] =	vst v61  }
0x210: {  	v41 =	vmul.f32 v52, v22;
	v32 =	vadd.f32 v39, v32;
	v28 =	vadd.f32 v62, v28;
	[tilespmem:$0x19908] =	vst v23  }
0x211: {  	[tilespmem:$0x19919] =	vst v40;
	v42 =	vmul.f32 v56, v22;
	v43 =	vadd.f32 v37, v30;
	v27 =	vadd.f32 v63, v27  }
0x212: {  	v44 =	vmul.f32 v57, v21;
	v25 =	vadd.f32 v41, v25;
	v28 =	vadd.f32 v29, v28;
	[tilespmem:$0x1992A] =	vst v32  }
0x213: {  	v45 =	vmul.f32 v58, v21;
	v22 =	vadd.f32 v42, v24;
	v46 =	vadd.f32 v26, v27;
	[tilespmem:$0x1993B] =	vst v43  }
0x214: {  	v47 =	vadd.f32 v44, v25;
	[tilespmem:$0x1994C] =	vst v28  }
0x215: {  	v21 =	vadd.f32 v45, v22;
	[tilespmem:$0x1995D] =	vst v46  }
0x216: {  	[tilespmem:$0x1996E] =	vst v47  }
0x217: {  	[tilespmem:$0x1997F] =	vst v21  }
0x218: {  	v21 =	vld.idx.msk [tilespmem:v0+s21+$0x0], $0xffff;
	_ =	sdelay $0x1  }
0x219: {  	v48 =	vld.idx.msk [tilespmem:v1+s21+$0x0], $0xffff;
	_ =	sdelay $0x1  }
0x21a: {  	v23 =	vld.idx.msk [tilespmem:v2+s21+$0x0], $0xffff  }
0x21b: {  	v21 =	vadd.f32 $0.0e+00, v21  }
0x21c: {  	v24 =	vld.idx.msk [tilespmem:v3+s21+$0x0], $0xffff  }
0x21d: {  	v21 =	vadd.f32 v48, v21  }
0x21e: {  	v49 =	vld.idx.msk [tilespmem:v4+s21+$0x0], $0xffff  }
0x21f: {  	v21 =	vadd.f32 v23, v21  }
0x220: {  	v50 =	vld.idx.msk [tilespmem:v5+s21+$0x0], $0xffff  }
0x221: {  	v21 =	vadd.f32 v24, v21  }
0x222: {  	v51 =	vld.idx.msk [tilespmem:v6+s21+$0x0], $0xffff  }
0x223: {  	v21 =	vadd.f32 v49, v21  }
0x224: {  	v52 =	vld.idx.msk [tilespmem:v7+s21+$0x0], $0xffff  }
0x225: {  	v21 =	vadd.f32 v50, v21  }
0x226: {  	v53 =	vld.idx.msk [tilespmem:v8+s21+$0x0], $0xffff  }
0x227: {  	v21 =	vadd.f32 v51, v21  }
0x228: {  	v54 =	vld.idx.msk [tilespmem:v9+s21+$0x0], $0xffff  }
0x229: {  	v21 =	vadd.f32 v52, v21  }
0x22a: {  	v55 =	vld.idx.msk [tilespmem:v10+s21+$0x0], $0xffff  }
0x22b: {  	v21 =	vadd.f32 v53, v21  }
0x22c: {  	v56 =	vld.idx.msk [tilespmem:v11+s21+$0x0], $0xffff  }
0x22d: {  	v21 =	vadd.f32 v54, v21  }
0x22e: {  	v57 =	vld.idx.msk [tilespmem:v12+s21+$0x0], $0xffff  }
0x22f: {  	v21 =	vadd.f32 v55, v21  }
0x230: {  	v58 =	vld.idx.msk [tilespmem:v14+s21+$0x0], $0xffff  }
0x231: {  	v21 =	vadd.f32 v56, v21  }
0x232: {  	v59 =	vld.idx.msk [tilespmem:v15+s21+$0x0], $0xffff  }
0x233: {  	v21 =	vadd.f32 v57, v21  }
0x234: {  	v60 =	vld.idx.msk [tilespmem:v16+s21+$0x0], $0xffff  }
0x235: {  	v21 =	vadd.f32 v58, v21;
	_ =	sdelay $0x1  }
0x236: {  	v21 =	vadd.f32 v59, v21;
	_ =	sdelay $0x1  }
0x237: {  	v21 =	vadd.f32 v60, v21;
	_ =	sdelay $0x1  }
0x238: {  	v20 =	vadd.f32 v21, v20;
	_ =	sdelay $0x1  }
0x239: {  	v20 =	vsub.f32 $0.0e+00, v20;
	_ =	sdelay $0x1  }
0x23a: {  	v20 =	vmul.f32 $1.442695020e+00, v20;
	_ =	sdelay $0x1  }
0x23b: {  	(erf) = vpow2.f32 v20;
	_ =	sdelay $0x8  }
0x23c: {  	v20 =	vpop (erf)  }
0x23d: {  	v20 =	vadd.f32 $1.000000000e+00, v20;
	_ =	sdelay $0x1  }
0x23e: {  	(erf) = vrcp.f32 v20;
	_ =	sdelay $0x5  }
0x23f: {  	v20 =	vor.u32 $0x1800, v13  }
0x240: {  	v61 =	vor.u32 $0x1801, v13;
	_ =	sdelay $0x1  }
0x241: {  	v62 =	vpop (erf)  }
0x242: {  	s25 =	sadd.s32 $0x1, s25;
	v63 =	vsub.f32 $1.000000000e+00, v62  }
0x243: {  	p0 =	sne.s32 s25, s11;
	[tilespmem:v20+s22+$0x0] =	vst.idx.msk $0xffff, v62  }
.Ltmp5:
0x244: {  	[tilespmem:v61+s22+$0x0] =	vst.idx.msk $0xffff, v63;
	(pc) =	sbr.rel @p0 .LBB2_1-.Ltmp5, $4  }
0x245: {  	[hbm4b:s10+s4] =	stream.linear.scatter [tilespmem:s22], [sflag:$0x4], $0x2000, $0x38;
	[tilespmem:$0x1BA00] =	vst v63  }
0x246: {  	_ =	swait.ge [sflag:s14], $0x2000  }
0x247: {  	[sflag:s14] =	ssyncset.done $0x0  }
0x248: {  	[sflag:s14] =	ssyncadd.s32 $0xFFFFE000  }
0x249: {  	_ =	sfence.sel $0x180000  }
0x24a: {  	[bflag:$0x0] =	sbarrier.arrive $0xFFFF  }
0x24b: {  	_ =	strace $0x90000047  }
0x24c: {  	s0 =	stileid.u32;
	[bflag:$0x2] =	sbarrier.arrive $0xFFFF  }
0x24d: {  	p0 =	sne.s32 s0, $0x0;
	s0 =	rddreg [dreg:$0x4]  }
0x24e: {  	s0 =	sadd.s32 @!p0 $0x100000, s0  }
0x24f: {  	[sflag:s0] =	ssyncadd.tile.s32 @!p0 $0x1;
	_ =	shalt  }
.Lfunc_end2:
_tile_overlayer_lowered:
.L_overlay_start_2:
0x250: {  	(tag) =	ssettag $0x2  }
0x251: {  	s0 =	rddreg [dreg:$0x0];
	s2 =	stileid.u32  }
0x252: {  	s1 =	rddreg [dreg:$0x1];
	p0 =	sne.s32 s2, $0x0  }
0x253: {  	s3 =	rddreg [dreg:$0x2];
	[bflag:$0x3] =	sbarrier.arrive $0xFFFF;
	s2 =	simm.s32 @!p0 $0x1C04  }
0x254: {  	[timem:s3], [sflag:s2] =	dma.local @!p0 [hbm:s0], s1  }
0x255: {  	s0 =	simm.s32 @!p0 $0x4  }
0x256: {  	_ =	swait.ge @!p0 [sflag:s0], s1  }
0x257: {  	s1 =	ssub.s32 @!p0 $0x0, s1;
	[sflag:s0] =	ssyncset.done @!p0 $0x0  }
0x258: {  	[sflag:s0] =	ssyncadd.s32 @!p0 s1  }
0x259: {  	[bflag:$0x3] =	sbarrier.arrive $0xFFFF  }
0x25a: {  	_ =	shalt  }

</sc_bundles>
